<compile_context>
chip_gen: v7x
topology: tpu7x:2x2x1
jax: 0.10.2.dev20260603
libtpu: 0.0.44.dev20260713+nightly
codegen_flags: <defaults>
</compile_context>

<pallas_src>
import functools

import jax
import jax.numpy as jnp
from jax import lax
from jax.experimental import pallas as pl
from jax.experimental.pallas import tpu as pltpu
from jax.experimental.pallas import tpu_sc as plsc

MAXL = 512
NH = 16
QLEN = 2048
KLEN = 2048
ETAB = 4104
NV = 10
VW = NV * 128
NCHUNK = VW // 16


@functools.partial(
    pl.kernel,
    out_type=jax.ShapeDtypeStruct((NH, QLEN, KLEN), jnp.float32),
    mesh=plsc.VectorSubcoreMesh(core_axis_name="c", subcore_axis_name="s"),
    scratch_types=[
        pltpu.VMEM((ETAB,), jnp.float32),
        pltpu.VMEM((8, VW), jnp.float32),
        pltpu.VMEM((8, VW), jnp.float32),
        pltpu.VMEM((8, 128), jnp.float32),
        pltpu.VMEM((8, 128), jnp.float32),
        pltpu.SemaphoreType.DMA,
        pltpu.SemaphoreType.DMA,
    ],
)
def _sc_bias(ef_hbm, out_hbm, etab, vb0, vb1, c0b, c1b, semv, semc):
    h = lax.axis_index("s")
    half = lax.axis_index("c")
    i0_half = half * 1024

    pltpu.sync_copy(ef_hbm.at[pl.ds(h * ETAB, ETAB)], etab)

    v0 = etab[pl.ds(0, 16)]
    v1 = etab[pl.ds(3584, 16)]
    for r in range(8):
        for k in range(8):
            c0b[r, pl.ds(16 * k, 16)] = v0
            c1b[r, pl.ds(16 * k, 16)] = v1

    vbufs = (vb0, vb1)

    def build(vb, x0v):
        @plsc.parallel_loop(0, NCHUNK, unroll=4)
        def block(k):
            kbase = 16 * k
            for r in range(8):
                vb[r, pl.ds(kbase, 16)] = etab[pl.ds(x0v - r + kbase, 16)]

    def drain_varying():
        pltpu.make_async_copy(
            vb0, out_hbm.at[0, pl.ds(0, 8), pl.ds(0, VW)], semv
        ).wait()

    def drain_consts():
        for _ in range(16 - NV):
            pltpu.make_async_copy(
                c0b, out_hbm.at[0, pl.ds(0, 8), pl.ds(0, 128)], semc
            ).wait()

    def stripe(b, carry):
        i0 = i0_half + 8 * b
        x0 = 2047 - i0
        c_lo = jnp.clip((i0 - 633) // 128, 0, 16 - NV)
        col0 = pl.multiple_of(128 * c_lo, 128)
        i0a = pl.multiple_of(i0, 8)

        pl.when(b >= 2)(drain_varying)

        def left(c, carry):
            colc = pl.multiple_of(128 * c, 128)
            pltpu.async_copy(
                c0b, out_hbm.at[h, pl.ds(i0a, 8), pl.ds(colc, 128)], semc
            )
            return carry

        def right(c, carry):
            colc = pl.multiple_of(128 * c, 128)
            pltpu.async_copy(
                c1b, out_hbm.at[h, pl.ds(i0a, 8), pl.ds(colc, 128)], semc
            )
            return carry

        lax.fori_loop(0, c_lo, left, 0)

        vb = vbufs[0]
        alt = vbufs[1]

        def do(vb_sel):
            build(vb_sel, x0 + col0)
            pltpu.async_copy(
                vb_sel, out_hbm.at[h, pl.ds(i0a, 8), pl.ds(col0, VW)], semv
            )

        pl.when(b % 2 == 0)(lambda: do(vb))
        pl.when(b % 2 == 1)(lambda: do(alt))
        lax.fori_loop(c_lo + NV, 16, right, 0)
        pl.when(b >= 1)(drain_consts)
        return carry

    lax.fori_loop(0, 128, stripe, 0)
    for _ in range(2):
        drain_varying()
    drain_consts()


def kernel(qlen, klen, rel):
    del qlen, klen
    rel = rel.astype(jnp.float32)
    ef = jnp.concatenate(
        [
            jnp.broadcast_to(rel[0:1], (QLEN - MAXL - 1, NH)),
            rel,
            jnp.broadcast_to(rel[2 * MAXL : 2 * MAXL + 1], (ETAB - QLEN - MAXL, NH)),
        ],
        axis=0,
    ).T
    return _sc_bias(ef.reshape(-1))

# --- scband reference (transcript-rebuilt; emitter-appended) ---
"""Pipeline reference for scband-positional-bias-64622077935665 (READ-ONLY COPY).

The authoritative reference and input builder live on the scoring server;
editing this copy changes nothing except your own understanding.
"""

import jax, jax.numpy as jnp
import numpy as np

MAX_LEN = 512
N_HEADS = 16

def setup_inputs(seed: int = 0) -> dict:
    key = jax.random.key(seed)
    rel = jax.random.normal(key, (2 * MAX_LEN + 1, N_HEADS), dtype=jnp.float32)
    return {"qlen": 2048, "klen": 2048, "rel": rel}

def reference(qlen, klen, rel):
    i = jnp.arange(2048)[:, None]
    j = jnp.arange(2048)[None, :]
    d = j - i + 0 * (qlen + klen)
    d = jnp.clip(d, -MAX_LEN, MAX_LEN) + MAX_LEN
    bias = jnp.take(rel, d, axis=0)  # [qlen, klen, n_heads]
    return jnp.transpose(bias, (2, 0, 1))  # [n_heads, qlen, klen]

if __name__ == "__main__":
    import jax
    _d = setup_inputs()
    print(jax.jit(kernel)(*tuple(_d.values())))

</pallas_src>

<mosaic_0001>
#map = affine_map<(d0, d1) -> (0)>
#map1 = affine_map<(d0, d1) -> (0, 0, 0)>
module attributes {stable_mosaic.version = 14 : i64} {
  func.func @_sc_bias(%arg0: i32, %arg1: i32, %arg2: memref<65664xf32, #tpu.memory_space<hbm>>, %arg3: memref<16x2048x2048xf32, #tpu.memory_space<hbm>>, %arg4: memref<4104xf32, #tpu.memory_space<vmem>>, %arg5: memref<8x1280xf32, #tpu.memory_space<vmem>>, %arg6: memref<8x1280xf32, #tpu.memory_space<vmem>>, %arg7: memref<8x128xf32, #tpu.memory_space<vmem>>, %arg8: memref<8x128xf32, #tpu.memory_space<vmem>>, %arg9: memref<!tpu.dma_semaphore, #tpu.memory_space<semaphore_mem>>, %arg10: memref<!tpu.dma_semaphore, #tpu.memory_space<semaphore_mem>>) attributes {dimension_semantics = [#tpu.dimension_semantics<core_parallel>, #tpu.dimension_semantics<subcore_parallel>], iteration_bounds = array<i64: 2, 16>, scalar_prefetch = 0 : i64, scratch_operands = 7 : i64, tpu.core_type = #tpu.core_type<sc_vector_subcore>, window_params = [{transform_indices = #map}, {transform_indices = #map1}]} {
    %mul3A = arith.constant 1024 : i32
    %mul3A_0 = arith.muli %arg0, %mul3A : i32
    %mul3A_1 = arith.constant 4104 : i32
    %mul3A_2 = arith.muli %arg1, %mul3A_1 : i32
    "tpu.region"() ({
      %run_scoped3A = tpu.sem_alloc : memref<!tpu.dma_semaphore, #tpu.memory_space<semaphore_mem>>
      %dma_start3A = tpu.memref_slice %arg2[%mul3A_2] : memref<65664xf32, #tpu.memory_space<hbm>> -> memref<4104xf32, #tpu.memory_space<hbm>>
      %dma_start3A_851 = tpu.memref_slice %arg2[%mul3A_2] : memref<65664xf32, #tpu.memory_space<hbm>> -> memref<4104xf32, #tpu.memory_space<hbm>>
      tpu.enqueue_dma source(%dma_start3A_851 : memref<4104xf32, #tpu.memory_space<hbm>>) target(%arg4 : memref<4104xf32, #tpu.memory_space<vmem>>) target_semaphore(%run_scoped3A : memref<!tpu.dma_semaphore, #tpu.memory_space<semaphore_mem>>)
      %dma_wait3A_852 = tpu.memref_slice %arg2[%mul3A_2] : memref<65664xf32, #tpu.memory_space<hbm>> -> memref<4104xf32, #tpu.memory_space<hbm>>
      %dma_wait3A_853 = tpu.memref_slice %arg2[%mul3A_2] : memref<65664xf32, #tpu.memory_space<hbm>> -> memref<4104xf32, #tpu.memory_space<hbm>>
      tpu.wait_dma2 semaphore(%run_scoped3A : memref<!tpu.dma_semaphore, #tpu.memory_space<semaphore_mem>>) src(%dma_wait3A_853 : memref<4104xf32, #tpu.memory_space<hbm>>) dst(%arg4 : memref<4104xf32, #tpu.memory_space<vmem>>)
      tpu.yield
    }) : () -> ()
    %get3A = arith.constant 0 : index
    %get3A_3 = tpu.vector_load %arg4[%get3A] {strides = array<i32>} : memref<4104xf32, #tpu.memory_space<vmem>>, vector<16xf32>,
    %get3A_4 = vector.shape_cast %get3A_3 : vector<16xf32> to vector<16xf32>
    %get3A_5 = arith.constant 3584 : index
    %get3A_6 = tpu.vector_load %arg4[%get3A_5] {strides = array<i32>} : memref<4104xf32, #tpu.memory_space<vmem>>, vector<16xf32>,
    %get3A_7 = vector.shape_cast %get3A_6 : vector<16xf32> to vector<16xf32>
    %swap3A = arith.constant 0 : i32
    %swap3A_8 = arith.index_cast %swap3A : i32 to index
    %swap3A_9 = arith.constant 0 : index
    %swap3A_10 = tpu.vector_load %arg7[%swap3A_8, %swap3A_9] {strides = array<i32>} : memref<8x128xf32, #tpu.memory_space<vmem>>, vector<1x16xf32>,
    %swap3A_11 = vector.shape_cast %swap3A_10 : vector<1x16xf32> to vector<16xf32>
    %swap3A_12 = vector.shape_cast %get3A_4 : vector<16xf32> to vector<1x16xf32>
    tpu.vector_store %arg7[%swap3A_8, %swap3A_9], %swap3A_12 {strides = array<i32>} : memref<8x128xf32, #tpu.memory_space<vmem>>, vector<1x16xf32>,
    %swap3A_13 = arith.constant 0 : i32
    %swap3A_14 = arith.index_cast %swap3A_13 : i32 to index
    %swap3A_15 = arith.constant 0 : index
    %swap3A_16 = tpu.vector_load %arg8[%swap3A_14, %swap3A_15] {strides = array<i32>} : memref<8x128xf32, #tpu.memory_space<vmem>>, vector<1x16xf32>,
    %swap3A_17 = vector.shape_cast %swap3A_16 : vector<1x16xf32> to vector<16xf32>
    %swap3A_18 = vector.shape_cast %get3A_7 : vector<16xf32> to vector<1x16xf32>
    tpu.vector_store %arg8[%swap3A_14, %swap3A_15], %swap3A_18 {strides = array<i32>} : memref<8x128xf32, #tpu.memory_space<vmem>>, vector<1x16xf32>,
    %swap3A_19 = arith.constant 0 : i32
    %swap3A_20 = arith.index_cast %swap3A_19 : i32 to index
    %swap3A_21 = arith.constant 16 : index
    %swap3A_22 = tpu.vector_load %arg7[%swap3A_20, %swap3A_21] {strides = array<i32>} : memref<8x128xf32, #tpu.memory_space<vmem>>, vector<1x16xf32>,
    %swap3A_23 = vector.shape_cast %swap3A_22 : vector<1x16xf32> to vector<16xf32>
    %swap3A_24 = vector.shape_cast %get3A_4 : vector<16xf32> to vector<1x16xf32>
    tpu.vector_store %arg7[%swap3A_20, %swap3A_21], %swap3A_24 {strides = array<i32>} : memref<8x128xf32, #tpu.memory_space<vmem>>, vector<1x16xf32>,
    %swap3A_25 = arith.constant 0 : i32
    %swap3A_26 = arith.index_cast %swap3A_25 : i32 to index
    %swap3A_27 = arith.constant 16 : index
    %swap3A_28 = tpu.vector_load %arg8[%swap3A_26, %swap3A_27] {strides = array<i32>} : memref<8x128xf32, #tpu.memory_space<vmem>>, vector<1x16xf32>,
    %swap3A_29 = vector.shape_cast %swap3A_28 : vector<1x16xf32> to vector<16xf32>
    %swap3A_30 = vector.shape_cast %get3A_7 : vector<16xf32> to vector<1x16xf32>
    tpu.vector_store %arg8[%swap3A_26, %swap3A_27], %swap3A_30 {strides = array<i32>} : memref<8x128xf32, #tpu.memory_space<vmem>>, vector<1x16xf32>,
    %swap3A_31 = arith.constant 0 : i32
    %swap3A_32 = arith.index_cast %swap3A_31 : i32 to index
    %swap3A_33 = arith.constant 32 : index
    %swap3A_34 = tpu.vector_load %arg7[%swap3A_32, %swap3A_33] {strides = array<i32>} : memref<8x128xf32, #tpu.memory_space<vmem>>, vector<1x16xf32>,
    %swap3A_35 = vector.shape_cast %swap3A_34 : vector<1x16xf32> to vector<16xf32>
    %swap3A_36 = vector.shape_cast %get3A_4 : vector<16xf32> to vector<1x16xf32>
    tpu.vector_store %arg7[%swap3A_32, %swap3A_33], %swap3A_36 {strides = array<i32>} : memref<8x128xf32, #tpu.memory_space<vmem>>, vector<1x16xf32>,
    %swap3A_37 = arith.constant 0 : i32
    %swap3A_38 = arith.index_cast %swap3A_37 : i32 to index
    %swap3A_39 = arith.constant 32 : index
    %swap3A_40 = tpu.vector_load %arg8[%swap3A_38, %swap3A_39] {strides = array<i32>} : memref<8x128xf32, #tpu.memory_space<vmem>>, vector<1x16xf32>,
    %swap3A_41 = vector.shape_cast %swap3A_40 : vector<1x16xf32> to vector<16xf32>
    %swap3A_42 = vector.shape_cast %get3A_7 : vector<16xf32> to vector<1x16xf32>
    tpu.vector_store %arg8[%swap3A_38, %swap3A_39], %swap3A_42 {strides = array<i32>} : memref<8x128xf32, #tpu.memory_space<vmem>>, vector<1x16xf32>,
    %swap3A_43 = arith.constant 0 : i32
    %swap3A_44 = arith.index_cast %swap3A_43 : i32 to index
    %swap3A_45 = arith.constant 48 : index
    %swap3A_46 = tpu.vector_load %arg7[%swap3A_44, %swap3A_45] {strides = array<i32>} : memref<8x128xf32, #tpu.memory_space<vmem>>, vector<1x16xf32>,
    %swap3A_47 = vector.shape_cast %swap3A_46 : vector<1x16xf32> to vector<16xf32>
    %swap3A_48 = vector.shape_cast %get3A_4 : vector<16xf32> to vector<1x16xf32>
    tpu.vector_store %arg7[%swap3A_44, %swap3A_45], %swap3A_48 {strides = array<i32>} : memref<8x128xf32, #tpu.memory_space<vmem>>, vector<1x16xf32>,
    %swap3A_49 = arith.constant 0 : i32
    %swap3A_50 = arith.index_cast %swap3A_49 : i32 to index
    %swap3A_51 = arith.constant 48 : index
    %swap3A_52 = tpu.vector_load %arg8[%swap3A_50, %swap3A_51] {strides = array<i32>} : memref<8x128xf32, #tpu.memory_space<vmem>>, vector<1x16xf32>,
    %swap3A_53 = vector.shape_cast %swap3A_52 : vector<1x16xf32> to vector<16xf32>
    %swap3A_54 = vector.shape_cast %get3A_7 : vector<16xf32> to vector<1x16xf32>
    tpu.vector_store %arg8[%swap3A_50, %swap3A_51], %swap3A_54 {strides = array<i32>} : memref<8x128xf32, #tpu.memory_space<vmem>>, vector<1x16xf32>,
    %swap3A_55 = arith.constant 0 : i32
    %swap3A_56 = arith.index_cast %swap3A_55 : i32 to index
    %swap3A_57 = arith.constant 64 : index
    %swap3A_58 = tpu.vector_load %arg7[%swap3A_56, %swap3A_57] {strides = array<i32>} : memref<8x128xf32, #tpu.memory_space<vmem>>, vector<1x16xf32>,
    %swap3A_59 = vector.shape_cast %swap3A_58 : vector<1x16xf32> to vector<16xf32>
    %swap3A_60 = vector.shape_cast %get3A_4 : vector<16xf32> to vector<1x16xf32>
    tpu.vector_store %arg7[%swap3A_56, %swap3A_57], %swap3A_60 {strides = array<i32>} : memref<8x128xf32, #tpu.memory_space<vmem>>, vector<1x16xf32>,
    %swap3A_61 = arith.constant 0 : i32
    %swap3A_62 = arith.index_cast %swap3A_61 : i32 to index
    %swap3A_63 = arith.constant 64 : index
    %swap3A_64 = tpu.vector_load %arg8[%swap3A_62, %swap3A_63] {strides = array<i32>} : memref<8x128xf32, #tpu.memory_space<vmem>>, vector<1x16xf32>,
    %swap3A_65 = vector.shape_cast %swap3A_64 : vector<1x16xf32> to vector<16xf32>
    %swap3A_66 = vector.shape_cast %get3A_7 : vector<16xf32> to vector<1x16xf32>
    tpu.vector_store %arg8[%swap3A_62, %swap3A_63], %swap3A_66 {strides = array<i32>} : memref<8x128xf32, #tpu.memory_space<vmem>>, vector<1x16xf32>,
    %swap3A_67 = arith.constant 0 : i32
    %swap3A_68 = arith.index_cast %swap3A_67 : i32 to index
    %swap3A_69 = arith.constant 80 : index
    %swap3A_70 = tpu.vector_load %arg7[%swap3A_68, %swap3A_69] {strides = array<i32>} : memref<8x128xf32, #tpu.memory_space<vmem>>, vector<1x16xf32>,
    %swap3A_71 = vector.shape_cast %swap3A_70 : vector<1x16xf32> to vector<16xf32>
    %swap3A_72 = vector.shape_cast %get3A_4 : vector<16xf32> to vector<1x16xf32>
    tpu.vector_store %arg7[%swap3A_68, %swap3A_69], %swap3A_72 {strides = array<i32>} : memref<8x128xf32, #tpu.memory_space<vmem>>, vector<1x16xf32>,
    %swap3A_73 = arith.constant 0 : i32
    %swap3A_74 = arith.index_cast %swap3A_73 : i32 to index
    %swap3A_75 = arith.constant 80 : index
    %swap3A_76 = tpu.vector_load %arg8[%swap3A_74, %swap3A_75] {strides = array<i32>} : memref<8x128xf32, #tpu.memory_space<vmem>>, vector<1x16xf32>,
    %swap3A_77 = vector.shape_cast %swap3A_76 : vector<1x16xf32> to vector<16xf32>
    %swap3A_78 = vector.shape_cast %get3A_7 : vector<16xf32> to vector<1x16xf32>
    tpu.vector_store %arg8[%swap3A_74, %swap3A_75], %swap3A_78 {strides = array<i32>} : memref<8x128xf32, #tpu.memory_space<vmem>>, vector<1x16xf32>,
    %swap3A_79 = arith.constant 0 : i32
    %swap3A_80 = arith.index_cast %swap3A_79 : i32 to index
    %swap3A_81 = arith.constant 96 : index
    %swap3A_82 = tpu.vector_load %arg7[%swap3A_80, %swap3A_81] {strides = array<i32>} : memref<8x128xf32, #tpu.memory_space<vmem>>, vector<1x16xf32>,
    %swap3A_83 = vector.shape_cast %swap3A_82 : vector<1x16xf32> to vector<16xf32>
    %swap3A_84 = vector.shape_cast %get3A_4 : vector<16xf32> to vector<1x16xf32>
    tpu.vector_store %arg7[%swap3A_80, %swap3A_81], %swap3A_84 {strides = array<i32>} : memref<8x128xf32, #tpu.memory_space<vmem>>, vector<1x16xf32>,
    %swap3A_85 = arith.constant 0 : i32
    %swap3A_86 = arith.index_cast %swap3A_85 : i32 to index
    %swap3A_87 = arith.constant 96 : index
    %swap3A_88 = tpu.vector_load %arg8[%swap3A_86, %swap3A_87] {strides = array<i32>} : memref<8x128xf32, #tpu.memory_space<vmem>>, vector<1x16xf32>,
    %swap3A_89 = vector.shape_cast %swap3A_88 : vector<1x16xf32> to vector<16xf32>
    %swap3A_90 = vector.shape_cast %get3A_7 : vector<16xf32> to vector<1x16xf32>
    tpu.vector_store %arg8[%swap3A_86, %swap3A_87], %swap3A_90 {strides = array<i32>} : memref<8x128xf32, #tpu.memory_space<vmem>>, vector<1x16xf32>,
    %swap3A_91 = arith.constant 0 : i32
    %swap3A_92 = arith.index_cast %swap3A_91 : i32 to index
    %swap3A_93 = arith.constant 112 : index
    %swap3A_94 = tpu.vector_load %arg7[%swap3A_92, %swap3A_93] {strides = array<i32>} : memref<8x128xf32, #tpu.memory_space<vmem>>, vector<1x16xf32>,
    %swap3A_95 = vector.shape_cast %swap3A_94 : vector<1x16xf32> to vector<16xf32>
    %swap3A_96 = vector.shape_cast %get3A_4 : vector<16xf32> to vector<1x16xf32>
    tpu.vector_store %arg7[%swap3A_92, %swap3A_93], %swap3A_96 {strides = array<i32>} : memref<8x128xf32, #tpu.memory_space<vmem>>, vector<1x16xf32>,
    %swap3A_97 = arith.constant 0 : i32
    %swap3A_98 = arith.index_cast %swap3A_97 : i32 to index
    %swap3A_99 = arith.constant 112 : index
    %swap3A_100 = tpu.vector_load %arg8[%swap3A_98, %swap3A_99] {strides = array<i32>} : memref<8x128xf32, #tpu.memory_space<vmem>>, vector<1x16xf32>,
    %swap3A_101 = vector.shape_cast %swap3A_100 : vector<1x16xf32> to vector<16xf32>
    %swap3A_102 = vector.shape_cast %get3A_7 : vector<16xf32> to vector<1x16xf32>
    tpu.vector_store %arg8[%swap3A_98, %swap3A_99], %swap3A_102 {strides = array<i32>} : memref<8x128xf32, #tpu.memory_space<vmem>>, vector<1x16xf32>,
    %swap3A_103 = arith.constant 1 : i32
    %swap3A_104 = arith.index_cast %swap3A_103 : i32 to index
    %swap3A_105 = arith.constant 0 : index
    %swap3A_106 = tpu.vector_load %arg7[%swap3A_104, %swap3A_105] {strides = array<i32>} : memref<8x128xf32, #tpu.memory_space<vmem>>, vector<1x16xf32>,
    %swap3A_107 = vector.shape_cast %swap3A_106 : vector<1x16xf32> to vector<16xf32>
    %swap3A_108 = vector.shape_cast %get3A_4 : vector<16xf32> to vector<1x16xf32>
    tpu.vector_store %arg7[%swap3A_104, %swap3A_105], %swap3A_108 {strides = array<i32>} : memref<8x128xf32, #tpu.memory_space<vmem>>, vector<1x16xf32>,
    %swap3A_109 = arith.constant 1 : i32
    %swap3A_110 = arith.index_cast %swap3A_109 : i32 to index
    %swap3A_111 = arith.constant 0 : index
    %swap3A_112 = tpu.vector_load %arg8[%swap3A_110, %swap3A_111] {strides = array<i32>} : memref<8x128xf32, #tpu.memory_space<vmem>>, vector<1x16xf32>,
    %swap3A_113 = vector.shape_cast %swap3A_112 : vector<1x16xf32> to vector<16xf32>
    %swap3A_114 = vector.shape_cast %get3A_7 : vector<16xf32> to vector<1x16xf32>
    tpu.vector_store %arg8[%swap3A_110, %swap3A_111], %swap3A_114 {strides = array<i32>} : memref<8x128xf32, #tpu.memory_space<vmem>>, vector<1x16xf32>,
    %swap3A_115 = arith.constant 1 : i32
    %swap3A_116 = arith.index_cast %swap3A_115 : i32 to index
    %swap3A_117 = arith.constant 16 : index
    %swap3A_118 = tpu.vector_load %arg7[%swap3A_116, %swap3A_117] {strides = array<i32>} : memref<8x128xf32, #tpu.memory_space<vmem>>, vector<1x16xf32>,
    %swap3A_119 = vector.shape_cast %swap3A_118 : vector<1x16xf32> to vector<16xf32>
    %swap3A_120 = vector.shape_cast %get3A_4 : vector<16xf32> to vector<1x16xf32>
    tpu.vector_store %arg7[%swap3A_116, %swap3A_117], %swap3A_120 {strides = array<i32>} : memref<8x128xf32, #tpu.memory_space<vmem>>, vector<1x16xf32>,
    %swap3A_121 = arith.constant 1 : i32
    %swap3A_122 = arith.index_cast %swap3A_121 : i32 to index
    %swap3A_123 = arith.constant 16 : index
    %swap3A_124 = tpu.vector_load %arg8[%swap3A_122, %swap3A_123] {strides = array<i32>} : memref<8x128xf32, #tpu.memory_space<vmem>>, vector<1x16xf32>,
    %swap3A_125 = vector.shape_cast %swap3A_124 : vector<1x16xf32> to vector<16xf32>
    %swap3A_126 = vector.shape_cast %get3A_7 : vector<16xf32> to vector<1x16xf32>
    tpu.vector_store %arg8[%swap3A_122, %swap3A_123], %swap3A_126 {strides = array<i32>} : memref<8x128xf32, #tpu.memory_space<vmem>>, vector<1x16xf32>,
    %swap3A_127 = arith.constant 1 : i32
    %swap3A_128 = arith.index_cast %swap3A_127 : i32 to index
    %swap3A_129 = arith.constant 32 : index
    %swap3A_130 = tpu.vector_load %arg7[%swap3A_128, %swap3A_129] {strides = array<i32>} : memref<8x128xf32, #tpu.memory_space<vmem>>, vector<1x16xf32>,
    %swap3A_131 = vector.shape_cast %swap3A_130 : vector<1x16xf32> to vector<16xf32>
    %swap3A_132 = vector.shape_cast %get3A_4 : vector<16xf32> to vector<1x16xf32>
    tpu.vector_store %arg7[%swap3A_128, %swap3A_129], %swap3A_132 {strides = array<i32>} : memref<8x128xf32, #tpu.memory_space<vmem>>, vector<1x16xf32>,
    %swap3A_133 = arith.constant 1 : i32
    %swap3A_134 = arith.index_cast %swap3A_133 : i32 to index
    %swap3A_135 = arith.constant 32 : index
    %swap3A_136 = tpu.vector_load %arg8[%swap3A_134, %swap3A_135] {strides = array<i32>} : memref<8x128xf32, #tpu.memory_space<vmem>>, vector<1x16xf32>,
    %swap3A_137 = vector.shape_cast %swap3A_136 : vector<1x16xf32> to vector<16xf32>
    %swap3A_138 = vector.shape_cast %get3A_7 : vector<16xf32> to vector<1x16xf32>
    tpu.vector_store %arg8[%swap3A_134, %swap3A_135], %swap3A_138 {strides = array<i32>} : memref<8x128xf32, #tpu.memory_space<vmem>>, vector<1x16xf32>,
    %swap3A_139 = arith.constant 1 : i32
    %swap3A_140 = arith.index_cast %swap3A_139 : i32 to index
    %swap3A_141 = arith.constant 48 : index
    %swap3A_142 = tpu.vector_load %arg7[%swap3A_140, %swap3A_141] {strides = array<i32>} : memref<8x128xf32, #tpu.memory_space<vmem>>, vector<1x16xf32>,
    %swap3A_143 = vector.shape_cast %swap3A_142 : vector<1x16xf32> to vector<16xf32>
    %swap3A_144 = vector.shape_cast %get3A_4 : vector<16xf32> to vector<1x16xf32>
    tpu.vector_store %arg7[%swap3A_140, %swap3A_141], %swap3A_144 {strides = array<i32>} : memref<8x128xf32, #tpu.memory_space<vmem>>, vector<1x16xf32>,
    %swap3A_145 = arith.constant 1 : i32
    %swap3A_146 = arith.index_cast %swap3A_145 : i32 to index
    %swap3A_147 = arith.constant 48 : index
    %swap3A_148 = tpu.vector_load %arg8[%swap3A_146, %swap3A_147] {strides = array<i32>} : memref<8x128xf32, #tpu.memory_space<vmem>>, vector<1x16xf32>,
    %swap3A_149 = vector.shape_cast %swap3A_148 : vector<1x16xf32> to vector<16xf32>
    %swap3A_150 = vector.shape_cast %get3A_7 : vector<16xf32> to vector<1x16xf32>
    tpu.vector_store %arg8[%swap3A_146, %swap3A_147], %swap3A_150 {strides = array<i32>} : memref<8x128xf32, #tpu.memory_space<vmem>>, vector<1x16xf32>,
    %swap3A_151 = arith.constant 1 : i32
    %swap3A_152 = arith.index_cast %swap3A_151 : i32 to index
    %swap3A_153 = arith.constant 64 : index
    %swap3A_154 = tpu.vector_load %arg7[%swap3A_152, %swap3A_153] {strides = array<i32>} : memref<8x128xf32, #tpu.memory_space<vmem>>, vector<1x16xf32>,
    %swap3A_155 = vector.shape_cast %swap3A_154 : vector<1x16xf32> to vector<16xf32>
    %swap3A_156 = vector.shape_cast %get3A_4 : vector<16xf32> to vector<1x16xf32>
    tpu.vector_store %arg7[%swap3A_152, %swap3A_153], %swap3A_156 {strides = array<i32>} : memref<8x128xf32, #tpu.memory_space<vmem>>, vector<1x16xf32>,
    %swap3A_157 = arith.constant 1 : i32
    %swap3A_158 = arith.index_cast %swap3A_157 : i32 to index
    %swap3A_159 = arith.constant 64 : index
    %swap3A_160 = tpu.vector_load %arg8[%swap3A_158, %swap3A_159] {strides = array<i32>} : memref<8x128xf32, #tpu.memory_space<vmem>>, vector<1x16xf32>,
    %swap3A_161 = vector.shape_cast %swap3A_160 : vector<1x16xf32> to vector<16xf32>
    %swap3A_162 = vector.shape_cast %get3A_7 : vector<16xf32> to vector<1x16xf32>
    tpu.vector_store %arg8[%swap3A_158, %swap3A_159], %swap3A_162 {strides = array<i32>} : memref<8x128xf32, #tpu.memory_space<vmem>>, vector<1x16xf32>,
    %swap3A_163 = arith.constant 1 : i32
    %swap3A_164 = arith.index_cast %swap3A_163 : i32 to index
    %swap3A_165 = arith.constant 80 : index
    %swap3A_166 = tpu.vector_load %arg7[%swap3A_164, %swap3A_165] {strides = array<i32>} : memref<8x128xf32, #tpu.memory_space<vmem>>, vector<1x16xf32>,
    %swap3A_167 = vector.shape_cast %swap3A_166 : vector<1x16xf32> to vector<16xf32>
    %swap3A_168 = vector.shape_cast %get3A_4 : vector<16xf32> to vector<1x16xf32>
    tpu.vector_store %arg7[%swap3A_164, %swap3A_165], %swap3A_168 {strides = array<i32>} : memref<8x128xf32, #tpu.memory_space<vmem>>, vector<1x16xf32>,
    %swap3A_169 = arith.constant 1 : i32
    %swap3A_170 = arith.index_cast %swap3A_169 : i32 to index
    %swap3A_171 = arith.constant 80 : index
    %swap3A_172 = tpu.vector_load %arg8[%swap3A_170, %swap3A_171] {strides = array<i32>} : memref<8x128xf32, #tpu.memory_space<vmem>>, vector<1x16xf32>,
    %swap3A_173 = vector.shape_cast %swap3A_172 : vector<1x16xf32> to vector<16xf32>
    %swap3A_174 = vector.shape_cast %get3A_7 : vector<16xf32> to vector<1x16xf32>
    tpu.vector_store %arg8[%swap3A_170, %swap3A_171], %swap3A_174 {strides = array<i32>} : memref<8x128xf32, #tpu.memory_space<vmem>>, vector<1x16xf32>,
    %swap3A_175 = arith.constant 1 : i32
    %swap3A_176 = arith.index_cast %swap3A_175 : i32 to index
    %swap3A_177 = arith.constant 96 : index
    %swap3A_178 = tpu.vector_load %arg7[%swap3A_176, %swap3A_177] {strides = array<i32>} : memref<8x128xf32, #tpu.memory_space<vmem>>, vector<1x16xf32>,
    %swap3A_179 = vector.shape_cast %swap3A_178 : vector<1x16xf32> to vector<16xf32>
    %swap3A_180 = vector.shape_cast %get3A_4 : vector<16xf32> to vector<1x16xf32>
    tpu.vector_store %arg7[%swap3A_176, %swap3A_177], %swap3A_180 {strides = array<i32>} : memref<8x128xf32, #tpu.memory_space<vmem>>, vector<1x16xf32>,
    %swap3A_181 = arith.constant 1 : i32
    %swap3A_182 = arith.index_cast %swap3A_181 : i32 to index
    %swap3A_183 = arith.constant 96 : index
    %swap3A_184 = tpu.vector_load %arg8[%swap3A_182, %swap3A_183] {strides = array<i32>} : memref<8x128xf32, #tpu.memory_space<vmem>>, vector<1x16xf32>,
    %swap3A_185 = vector.shape_cast %swap3A_184 : vector<1x16xf32> to vector<16xf32>
    %swap3A_186 = vector.shape_cast %get3A_7 : vector<16xf32> to vector<1x16xf32>
    tpu.vector_store %arg8[%swap3A_182, %swap3A_183], %swap3A_186 {strides = array<i32>} : memref<8x128xf32, #tpu.memory_space<vmem>>, vector<1x16xf32>,
    %swap3A_187 = arith.constant 1 : i32
    %swap3A_188 = arith.index_cast %swap3A_187 : i32 to index
    %swap3A_189 = arith.constant 112 : index
    %swap3A_190 = tpu.vector_load %arg7[%swap3A_188, %swap3A_189] {strides = array<i32>} : memref<8x128xf32, #tpu.memory_space<vmem>>, vector<1x16xf32>,
    %swap3A_191 = vector.shape_cast %swap3A_190 : vector<1x16xf32> to vector<16xf32>
    %swap3A_192 = vector.shape_cast %get3A_4 : vector<16xf32> to vector<1x16xf32>
    tpu.vector_store %arg7[%swap3A_188, %swap3A_189], %swap3A_192 {strides = array<i32>} : memref<8x128xf32, #tpu.memory_space<vmem>>, vector<1x16xf32>,
    %swap3A_193 = arith.constant 1 : i32
    %swap3A_194 = arith.index_cast %swap3A_193 : i32 to index
    %swap3A_195 = arith.constant 112 : index
    %swap3A_196 = tpu.vector_load %arg8[%swap3A_194, %swap3A_195] {strides = array<i32>} : memref<8x128xf32, #tpu.memory_space<vmem>>, vector<1x16xf32>,
    %swap3A_197 = vector.shape_cast %swap3A_196 : vector<1x16xf32> to vector<16xf32>
    %swap3A_198 = vector.shape_cast %get3A_7 : vector<16xf32> to vector<1x16xf32>
    tpu.vector_store %arg8[%swap3A_194, %swap3A_195], %swap3A_198 {strides = array<i32>} : memref<8x128xf32, #tpu.memory_space<vmem>>, vector<1x16xf32>,
    %swap3A_199 = arith.constant 2 : i32
    %swap3A_200 = arith.index_cast %swap3A_199 : i32 to index
    %swap3A_201 = arith.constant 0 : index
    %swap3A_202 = tpu.vector_load %arg7[%swap3A_200, %swap3A_201] {strides = array<i32>} : memref<8x128xf32, #tpu.memory_space<vmem>>, vector<1x16xf32>,
    %swap3A_203 = vector.shape_cast %swap3A_202 : vector<1x16xf32> to vector<16xf32>
    %swap3A_204 = vector.shape_cast %get3A_4 : vector<16xf32> to vector<1x16xf32>
    tpu.vector_store %arg7[%swap3A_200, %swap3A_201], %swap3A_204 {strides = array<i32>} : memref<8x128xf32, #tpu.memory_space<vmem>>, vector<1x16xf32>,
    %swap3A_205 = arith.constant 2 : i32
    %swap3A_206 = arith.index_cast %swap3A_205 : i32 to index
    %swap3A_207 = arith.constant 0 : index
    %swap3A_208 = tpu.vector_load %arg8[%swap3A_206, %swap3A_207] {strides = array<i32>} : memref<8x128xf32, #tpu.memory_space<vmem>>, vector<1x16xf32>,
    %swap3A_209 = vector.shape_cast %swap3A_208 : vector<1x16xf32> to vector<16xf32>
    %swap3A_210 = vector.shape_cast %get3A_7 : vector<16xf32> to vector<1x16xf32>
    tpu.vector_store %arg8[%swap3A_206, %swap3A_207], %swap3A_210 {strides = array<i32>} : memref<8x128xf32, #tpu.memory_space<vmem>>, vector<1x16xf32>,
    %swap3A_211 = arith.constant 2 : i32
    %swap3A_212 = arith.index_cast %swap3A_211 : i32 to index
    %swap3A_213 = arith.constant 16 : index
    %swap3A_214 = tpu.vector_load %arg7[%swap3A_212, %swap3A_213] {strides = array<i32>} : memref<8x128xf32, #tpu.memory_space<vmem>>, vector<1x16xf32>,
    %swap3A_215 = vector.shape_cast %swap3A_214 : vector<1x16xf32> to vector<16xf32>
    %swap3A_216 = vector.shape_cast %get3A_4 : vector<16xf32> to vector<1x16xf32>
    tpu.vector_store %arg7[%swap3A_212, %swap3A_213], %swap3A_216 {strides = array<i32>} : memref<8x128xf32, #tpu.memory_space<vmem>>, vector<1x16xf32>,
    %swap3A_217 = arith.constant 2 : i32
    %swap3A_218 = arith.index_cast %swap3A_217 : i32 to index
    %swap3A_219 = arith.constant 16 : index
    %swap3A_220 = tpu.vector_load %arg8[%swap3A_218, %swap3A_219] {strides = array<i32>} : memref<8x128xf32, #tpu.memory_space<vmem>>, vector<1x16xf32>,
    %swap3A_221 = vector.shape_cast %swap3A_220 : vector<1x16xf32> to vector<16xf32>
    %swap3A_222 = vector.shape_cast %get3A_7 : vector<16xf32> to vector<1x16xf32>
    tpu.vector_store %arg8[%swap3A_218, %swap3A_219], %swap3A_222 {strides = array<i32>} : memref<8x128xf32, #tpu.memory_space<vmem>>, vector<1x16xf32>,
    %swap3A_223 = arith.constant 2 : i32
    %swap3A_224 = arith.index_cast %swap3A_223 : i32 to index
    %swap3A_225 = arith.constant 32 : index
    %swap3A_226 = tpu.vector_load %arg7[%swap3A_224, %swap3A_225] {strides = array<i32>} : memref<8x128xf32, #tpu.memory_space<vmem>>, vector<1x16xf32>,
    %swap3A_227 = vector.shape_cast %swap3A_226 : vector<1x16xf32> to vector<16xf32>
    %swap3A_228 = vector.shape_cast %get3A_4 : vector<16xf32> to vector<1x16xf32>
    tpu.vector_store %arg7[%swap3A_224, %swap3A_225], %swap3A_228 {strides = array<i32>} : memref<8x128xf32, #tpu.memory_space<vmem>>, vector<1x16xf32>,
    %swap3A_229 = arith.constant 2 : i32
    %swap3A_230 = arith.index_cast %swap3A_229 : i32 to index
    %swap3A_231 = arith.constant 32 : index
    %swap3A_232 = tpu.vector_load %arg8[%swap3A_230, %swap3A_231] {strides = array<i32>} : memref<8x128xf32, #tpu.memory_space<vmem>>, vector<1x16xf32>,
    %swap3A_233 = vector.shape_cast %swap3A_232 : vector<1x16xf32> to vector<16xf32>
    %swap3A_234 = vector.shape_cast %get3A_7 : vector<16xf32> to vector<1x16xf32>
    tpu.vector_store %arg8[%swap3A_230, %swap3A_231], %swap3A_234 {strides = array<i32>} : memref<8x128xf32, #tpu.memory_space<vmem>>, vector<1x16xf32>,
    %swap3A_235 = arith.constant 2 : i32
    %swap3A_236 = arith.index_cast %swap3A_235 : i32 to index
    %swap3A_237 = arith.constant 48 : index
    %swap3A_238 = tpu.vector_load %arg7[%swap3A_236, %swap3A_237] {strides = array<i32>} : memref<8x128xf32, #tpu.memory_space<vmem>>, vector<1x16xf32>,
    %swap3A_239 = vector.shape_cast %swap3A_238 : vector<1x16xf32> to vector<16xf32>
    %swap3A_240 = vector.shape_cast %get3A_4 : vector<16xf32> to vector<1x16xf32>
    tpu.vector_store %arg7[%swap3A_236, %swap3A_237], %swap3A_240 {strides = array<i32>} : memref<8x128xf32, #tpu.memory_space<vmem>>, vector<1x16xf32>,
    %swap3A_241 = arith.constant 2 : i32
    %swap3A_242 = arith.index_cast %swap3A_241 : i32 to index
    %swap3A_243 = arith.constant 48 : index
    %swap3A_244 = tpu.vector_load %arg8[%swap3A_242, %swap3A_243] {strides = array<i32>} : memref<8x128xf32, #tpu.memory_space<vmem>>, vector<1x16xf32>,
    %swap3A_245 = vector.shape_cast %swap3A_244 : vector<1x16xf32> to vector<16xf32>
    %swap3A_246 = vector.shape_cast %get3A_7 : vector<16xf32> to vector<1x16xf32>
    tpu.vector_store %arg8[%swap3A_242, %swap3A_243], %swap3A_246 {strides = array<i32>} : memref<8x128xf32, #tpu.memory_space<vmem>>, vector<1x16xf32>,
    %swap3A_247 = arith.constant 2 : i32
    %swap3A_248 = arith.index_cast %swap3A_247 : i32 to index
    %swap3A_249 = arith.constant 64 : index
    %swap3A_250 = tpu.vector_load %arg7[%swap3A_248, %swap3A_249] {strides = array<i32>} : memref<8x128xf32, #tpu.memory_space<vmem>>, vector<1x16xf32>,
    %swap3A_251 = vector.shape_cast %swap3A_250 : vector<1x16xf32> to vector<16xf32>
    %swap3A_252 = vector.shape_cast %get3A_4 : vector<16xf32> to vector<1x16xf32>
    tpu.vector_store %arg7[%swap3A_248, %swap3A_249], %swap3A_252 {strides = array<i32>} : memref<8x128xf32, #tpu.memory_space<vmem>>, vector<1x16xf32>,
    %swap3A_253 = arith.constant 2 : i32
    %swap3A_254 = arith.index_cast %swap3A_253 : i32 to index
    %swap3A_255 = arith.constant 64 : index
    %swap3A_256 = tpu.vector_load %arg8[%swap3A_254, %swap3A_255] {strides = array<i32>} : memref<8x128xf32, #tpu.memory_space<vmem>>, vector<1x16xf32>,
    %swap3A_257 = vector.shape_cast %swap3A_256 : vector<1x16xf32> to vector<16xf32>
    %swap3A_258 = vector.shape_cast %get3A_7 : vector<16xf32> to vector<1x16xf32>
    tpu.vector_store %arg8[%swap3A_254, %swap3A_255], %swap3A_258 {strides = array<i32>} : memref<8x128xf32, #tpu.memory_space<vmem>>, vector<1x16xf32>,
    %swap3A_259 = arith.constant 2 : i32
    %swap3A_260 = arith.index_cast %swap3A_259 : i32 to index
    %swap3A_261 = arith.constant 80 : index
    %swap3A_262 = tpu.vector_load %arg7[%swap3A_260, %swap3A_261] {strides = array<i32>} : memref<8x128xf32, #tpu.memory_space<vmem>>, vector<1x16xf32>,
    %swap3A_263 = vector.shape_cast %swap3A_262 : vector<1x16xf32> to vector<16xf32>
    %swap3A_264 = vector.shape_cast %get3A_4 : vector<16xf32> to vector<1x16xf32>
    tpu.vector_store %arg7[%swap3A_260, %swap3A_261], %swap3A_264 {strides = array<i32>} : memref<8x128xf32, #tpu.memory_space<vmem>>, vector<1x16xf32>,
    %swap3A_265 = arith.constant 2 : i32
    %swap3A_266 = arith.index_cast %swap3A_265 : i32 to index
    %swap3A_267 = arith.constant 80 : index
    %swap3A_268 = tpu.vector_load %arg8[%swap3A_266, %swap3A_267] {strides = array<i32>} : memref<8x128xf32, #tpu.memory_space<vmem>>, vector<1x16xf32>,
    %swap3A_269 = vector.shape_cast %swap3A_268 : vector<1x16xf32> to vector<16xf32>
    %swap3A_270 = vector.shape_cast %get3A_7 : vector<16xf32> to vector<1x16xf32>
    tpu.vector_store %arg8[%swap3A_266, %swap3A_267], %swap3A_270 {strides = array<i32>} : memref<8x128xf32, #tpu.memory_space<vmem>>, vector<1x16xf32>,
    %swap3A_271 = arith.constant 2 : i32
    %swap3A_272 = arith.index_cast %swap3A_271 : i32 to index
    %swap3A_273 = arith.constant 96 : index
    %swap3A_274 = tpu.vector_load %arg7[%swap3A_272, %swap3A_273] {strides = array<i32>} : memref<8x128xf32, #tpu.memory_space<vmem>>, vector<1x16xf32>,
    %swap3A_275 = vector.shape_cast %swap3A_274 : vector<1x16xf32> to vector<16xf32>
    %swap3A_276 = vector.shape_cast %get3A_4 : vector<16xf32> to vector<1x16xf32>
    tpu.vector_store %arg7[%swap3A_272, %swap3A_273], %swap3A_276 {strides = array<i32>} : memref<8x128xf32, #tpu.memory_space<vmem>>, vector<1x16xf32>,
    %swap3A_277 = arith.constant 2 : i32
    %swap3A_278 = arith.index_cast %swap3A_277 : i32 to index
    %swap3A_279 = arith.constant 96 : index
    %swap3A_280 = tpu.vector_load %arg8[%swap3A_278, %swap3A_279] {strides = array<i32>} : memref<8x128xf32, #tpu.memory_space<vmem>>, vector<1x16xf32>,
    %swap3A_281 = vector.shape_cast %swap3A_280 : vector<1x16xf32> to vector<16xf32>
    %swap3A_282 = vector.shape_cast %get3A_7 : vector<16xf32> to vector<1x16xf32>
    tpu.vector_store %arg8[%swap3A_278, %swap3A_279], %swap3A_282 {strides = array<i32>} : memref<8x128xf32, #tpu.memory_space<vmem>>, vector<1x16xf32>,
    %swap3A_283 = arith.constant 2 : i32
    %swap3A_284 = arith.index_cast %swap3A_283 : i32 to index
    %swap3A_285 = arith.constant 112 : index
    %swap3A_286 = tpu.vector_load %arg7[%swap3A_284, %swap3A_285] {strides = array<i32>} : memref<8x128xf32, #tpu.memory_space<vmem>>, vector<1x16xf32>,
    %swap3A_287 = vector.shape_cast %swap3A_286 : vector<1x16xf32> to vector<16xf32>
    %swap3A_288 = vector.shape_cast %get3A_4 : vector<16xf32> to vector<1x16xf32>
    tpu.vector_store %arg7[%swap3A_284, %swap3A_285], %swap3A_288 {strides = array<i32>} : memref<8x128xf32, #tpu.memory_space<vmem>>, vector<1x16xf32>,
    %swap3A_289 = arith.constant 2 : i32
    %swap3A_290 = arith.index_cast %swap3A_289 : i32 to index
    %swap3A_291 = arith.constant 112 : index
    %swap3A_292 = tpu.vector_load %arg8[%swap3A_290, %swap3A_291] {strides = array<i32>} : memref<8x128xf32, #tpu.memory_space<vmem>>, vector<1x16xf32>,
    %swap3A_293 = vector.shape_cast %swap3A_292 : vector<1x16xf32> to vector<16xf32>
    %swap3A_294 = vector.shape_cast %get3A_7 : vector<16xf32> to vector<1x16xf32>
    tpu.vector_store %arg8[%swap3A_290, %swap3A_291], %swap3A_294 {strides = array<i32>} : memref<8x128xf32, #tpu.memory_space<vmem>>, vector<1x16xf32>,
    %swap3A_295 = arith.constant 3 : i32
    %swap3A_296 = arith.index_cast %swap3A_295 : i32 to index
    %swap3A_297 = arith.constant 0 : index
    %swap3A_298 = tpu.vector_load %arg7[%swap3A_296, %swap3A_297] {strides = array<i32>} : memref<8x128xf32, #tpu.memory_space<vmem>>, vector<1x16xf32>,
    %swap3A_299 = vector.shape_cast %swap3A_298 : vector<1x16xf32> to vector<16xf32>
    %swap3A_300 = vector.shape_cast %get3A_4 : vector<16xf32> to vector<1x16xf32>
    tpu.vector_store %arg7[%swap3A_296, %swap3A_297], %swap3A_300 {strides = array<i32>} : memref<8x128xf32, #tpu.memory_space<vmem>>, vector<1x16xf32>,
    %swap3A_301 = arith.constant 3 : i32
    %swap3A_302 = arith.index_cast %swap3A_301 : i32 to index
    %swap3A_303 = arith.constant 0 : index
    %swap3A_304 = tpu.vector_load %arg8[%swap3A_302, %swap3A_303] {strides = array<i32>} : memref<8x128xf32, #tpu.memory_space<vmem>>, vector<1x16xf32>,
    %swap3A_305 = vector.shape_cast %swap3A_304 : vector<1x16xf32> to vector<16xf32>
    %swap3A_306 = vector.shape_cast %get3A_7 : vector<16xf32> to vector<1x16xf32>
    tpu.vector_store %arg8[%swap3A_302, %swap3A_303], %swap3A_306 {strides = array<i32>} : memref<8x128xf32, #tpu.memory_space<vmem>>, vector<1x16xf32>,
    %swap3A_307 = arith.constant 3 : i32
    %swap3A_308 = arith.index_cast %swap3A_307 : i32 to index
    %swap3A_309 = arith.constant 16 : index
    %swap3A_310 = tpu.vector_load %arg7[%swap3A_308, %swap3A_309] {strides = array<i32>} : memref<8x128xf32, #tpu.memory_space<vmem>>, vector<1x16xf32>,
    %swap3A_311 = vector.shape_cast %swap3A_310 : vector<1x16xf32> to vector<16xf32>
    %swap3A_312 = vector.shape_cast %get3A_4 : vector<16xf32> to vector<1x16xf32>
    tpu.vector_store %arg7[%swap3A_308, %swap3A_309], %swap3A_312 {strides = array<i32>} : memref<8x128xf32, #tpu.memory_space<vmem>>, vector<1x16xf32>,
    %swap3A_313 = arith.constant 3 : i32
    %swap3A_314 = arith.index_cast %swap3A_313 : i32 to index
    %swap3A_315 = arith.constant 16 : index
    %swap3A_316 = tpu.vector_load %arg8[%swap3A_314, %swap3A_315] {strides = array<i32>} : memref<8x128xf32, #tpu.memory_space<vmem>>, vector<1x16xf32>,
    %swap3A_317 = vector.shape_cast %swap3A_316 : vector<1x16xf32> to vector<16xf32>
    %swap3A_318 = vector.shape_cast %get3A_7 : vector<16xf32> to vector<1x16xf32>
    tpu.vector_store %arg8[%swap3A_314, %swap3A_315], %swap3A_318 {strides = array<i32>} : memref<8x128xf32, #tpu.memory_space<vmem>>, vector<1x16xf32>,
    %swap3A_319 = arith.constant 3 : i32
    %swap3A_320 = arith.index_cast %swap3A_319 : i32 to index
    %swap3A_321 = arith.constant 32 : index
    %swap3A_322 = tpu.vector_load %arg7[%swap3A_320, %swap3A_321] {strides = array<i32>} : memref<8x128xf32, #tpu.memory_space<vmem>>, vector<1x16xf32>,
    %swap3A_323 = vector.shape_cast %swap3A_322 : vector<1x16xf32> to vector<16xf32>
    %swap3A_324 = vector.shape_cast %get3A_4 : vector<16xf32> to vector<1x16xf32>
    tpu.vector_store %arg7[%swap3A_320, %swap3A_321], %swap3A_324 {strides = array<i32>} : memref<8x128xf32, #tpu.memory_space<vmem>>, vector<1x16xf32>,
    %swap3A_325 = arith.constant 3 : i32
    %swap3A_326 = arith.index_cast %swap3A_325 : i32 to index
    %swap3A_327 = arith.constant 32 : index
    %swap3A_328 = tpu.vector_load %arg8[%swap3A_326, %swap3A_327] {strides = array<i32>} : memref<8x128xf32, #tpu.memory_space<vmem>>, vector<1x16xf32>,
    %swap3A_329 = vector.shape_cast %swap3A_328 : vector<1x16xf32> to vector<16xf32>
    %swap3A_330 = vector.shape_cast %get3A_7 : vector<16xf32> to vector<1x16xf32>
    tpu.vector_store %arg8[%swap3A_326, %swap3A_327], %swap3A_330 {strides = array<i32>} : memref<8x128xf32, #tpu.memory_space<vmem>>, vector<1x16xf32>,
    %swap3A_331 = arith.constant 3 : i32
    %swap3A_332 = arith.index_cast %swap3A_331 : i32 to index
    %swap3A_333 = arith.constant 48 : index
    %swap3A_334 = tpu.vector_load %arg7[%swap3A_332, %swap3A_333] {strides = array<i32>} : memref<8x128xf32, #tpu.memory_space<vmem>>, vector<1x16xf32>,
    %swap3A_335 = vector.shape_cast %swap3A_334 : vector<1x16xf32> to vector<16xf32>
    %swap3A_336 = vector.shape_cast %get3A_4 : vector<16xf32> to vector<1x16xf32>
    tpu.vector_store %arg7[%swap3A_332, %swap3A_333], %swap3A_336 {strides = array<i32>} : memref<8x128xf32, #tpu.memory_space<vmem>>, vector<1x16xf32>,
    %swap3A_337 = arith.constant 3 : i32
    %swap3A_338 = arith.index_cast %swap3A_337 : i32 to index
    %swap3A_339 = arith.constant 48 : index
    %swap3A_340 = tpu.vector_load %arg8[%swap3A_338, %swap3A_339] {strides = array<i32>} : memref<8x128xf32, #tpu.memory_space<vmem>>, vector<1x16xf32>,
    %swap3A_341 = vector.shape_cast %swap3A_340 : vector<1x16xf32> to vector<16xf32>
    %swap3A_342 = vector.shape_cast %get3A_7 : vector<16xf32> to vector<1x16xf32>
    tpu.vector_store %arg8[%swap3A_338, %swap3A_339], %swap3A_342 {strides = array<i32>} : memref<8x128xf32, #tpu.memory_space<vmem>>, vector<1x16xf32>,
    %swap3A_343 = arith.constant 3 : i32
    %swap3A_344 = arith.index_cast %swap3A_343 : i32 to index
    %swap3A_345 = arith.constant 64 : index
    %swap3A_346 = tpu.vector_load %arg7[%swap3A_344, %swap3A_345] {strides = array<i32>} : memref<8x128xf32, #tpu.memory_space<vmem>>, vector<1x16xf32>,
    %swap3A_347 = vector.shape_cast %swap3A_346 : vector<1x16xf32> to vector<16xf32>
    %swap3A_348 = vector.shape_cast %get3A_4 : vector<16xf32> to vector<1x16xf32>
    tpu.vector_store %arg7[%swap3A_344, %swap3A_345], %swap3A_348 {strides = array<i32>} : memref<8x128xf32, #tpu.memory_space<vmem>>, vector<1x16xf32>,
    %swap3A_349 = arith.constant 3 : i32
    %swap3A_350 = arith.index_cast %swap3A_349 : i32 to index
    %swap3A_351 = arith.constant 64 : index
    %swap3A_352 = tpu.vector_load %arg8[%swap3A_350, %swap3A_351] {strides = array<i32>} : memref<8x128xf32, #tpu.memory_space<vmem>>, vector<1x16xf32>,
    %swap3A_353 = vector.shape_cast %swap3A_352 : vector<1x16xf32> to vector<16xf32>
    %swap3A_354 = vector.shape_cast %get3A_7 : vector<16xf32> to vector<1x16xf32>
    tpu.vector_store %arg8[%swap3A_350, %swap3A_351], %swap3A_354 {strides = array<i32>} : memref<8x128xf32, #tpu.memory_space<vmem>>, vector<1x16xf32>,
    %swap3A_355 = arith.constant 3 : i32
    %swap3A_356 = arith.index_cast %swap3A_355 : i32 to index
    %swap3A_357 = arith.constant 80 : index
    %swap3A_358 = tpu.vector_load %arg7[%swap3A_356, %swap3A_357] {strides = array<i32>} : memref<8x128xf32, #tpu.memory_space<vmem>>, vector<1x16xf32>,
    %swap3A_359 = vector.shape_cast %swap3A_358 : vector<1x16xf32> to vector<16xf32>
    %swap3A_360 = vector.shape_cast %get3A_4 : vector<16xf32> to vector<1x16xf32>
    tpu.vector_store %arg7[%swap3A_356, %swap3A_357], %swap3A_360 {strides = array<i32>} : memref<8x128xf32, #tpu.memory_space<vmem>>, vector<1x16xf32>,
    %swap3A_361 = arith.constant 3 : i32
    %swap3A_362 = arith.index_cast %swap3A_361 : i32 to index
    %swap3A_363 = arith.constant 80 : index
    %swap3A_364 = tpu.vector_load %arg8[%swap3A_362, %swap3A_363] {strides = array<i32>} : memref<8x128xf32, #tpu.memory_space<vmem>>, vector<1x16xf32>,
    %swap3A_365 = vector.shape_cast %swap3A_364 : vector<1x16xf32> to vector<16xf32>
    %swap3A_366 = vector.shape_cast %get3A_7 : vector<16xf32> to vector<1x16xf32>
    tpu.vector_store %arg8[%swap3A_362, %swap3A_363], %swap3A_366 {strides = array<i32>} : memref<8x128xf32, #tpu.memory_space<vmem>>, vector<1x16xf32>,
    %swap3A_367 = arith.constant 3 : i32
    %swap3A_368 = arith.index_cast %swap3A_367 : i32 to index
    %swap3A_369 = arith.constant 96 : index
    %swap3A_370 = tpu.vector_load %arg7[%swap3A_368, %swap3A_369] {strides = array<i32>} : memref<8x128xf32, #tpu.memory_space<vmem>>, vector<1x16xf32>,
    %swap3A_371 = vector.shape_cast %swap3A_370 : vector<1x16xf32> to vector<16xf32>
    %swap3A_372 = vector.shape_cast %get3A_4 : vector<16xf32> to vector<1x16xf32>
    tpu.vector_store %arg7[%swap3A_368, %swap3A_369], %swap3A_372 {strides = array<i32>} : memref<8x128xf32, #tpu.memory_space<vmem>>, vector<1x16xf32>,
    %swap3A_373 = arith.constant 3 : i32
    %swap3A_374 = arith.index_cast %swap3A_373 : i32 to index
    %swap3A_375 = arith.constant 96 : index
    %swap3A_376 = tpu.vector_load %arg8[%swap3A_374, %swap3A_375] {strides = array<i32>} : memref<8x128xf32, #tpu.memory_space<vmem>>, vector<1x16xf32>,
    %swap3A_377 = vector.shape_cast %swap3A_376 : vector<1x16xf32> to vector<16xf32>
    %swap3A_378 = vector.shape_cast %get3A_7 : vector<16xf32> to vector<1x16xf32>
    tpu.vector_store %arg8[%swap3A_374, %swap3A_375], %swap3A_378 {strides = array<i32>} : memref<8x128xf32, #tpu.memory_space<vmem>>, vector<1x16xf32>,
    %swap3A_379 = arith.constant 3 : i32
    %swap3A_380 = arith.index_cast %swap3A_379 : i32 to index
    %swap3A_381 = arith.constant 112 : index
    %swap3A_382 = tpu.vector_load %arg7[%swap3A_380, %swap3A_381] {strides = array<i32>} : memref<8x128xf32, #tpu.memory_space<vmem>>, vector<1x16xf32>,
    %swap3A_383 = vector.shape_cast %swap3A_382 : vector<1x16xf32> to vector<16xf32>
    %swap3A_384 = vector.shape_cast %get3A_4 : vector<16xf32> to vector<1x16xf32>
    tpu.vector_store %arg7[%swap3A_380, %swap3A_381], %swap3A_384 {strides = array<i32>} : memref<8x128xf32, #tpu.memory_space<vmem>>, vector<1x16xf32>,
    %swap3A_385 = arith.constant 3 : i32
    %swap3A_386 = arith.index_cast %swap3A_385 : i32 to index
    %swap3A_387 = arith.constant 112 : index
    %swap3A_388 = tpu.vector_load %arg8[%swap3A_386, %swap3A_387] {strides = array<i32>} : memref<8x128xf32, #tpu.memory_space<vmem>>, vector<1x16xf32>,
    %swap3A_389 = vector.shape_cast %swap3A_388 : vector<1x16xf32> to vector<16xf32>
    %swap3A_390 = vector.shape_cast %get3A_7 : vector<16xf32> to vector<1x16xf32>
    tpu.vector_store %arg8[%swap3A_386, %swap3A_387], %swap3A_390 {strides = array<i32>} : memref<8x128xf32, #tpu.memory_space<vmem>>, vector<1x16xf32>,
    %swap3A_391 = arith.constant 4 : i32
    %swap3A_392 = arith.index_cast %swap3A_391 : i32 to index
    %swap3A_393 = arith.constant 0 : index
    %swap3A_394 = tpu.vector_load %arg7[%swap3A_392, %swap3A_393] {strides = array<i32>} : memref<8x128xf32, #tpu.memory_space<vmem>>, vector<1x16xf32>,
    %swap3A_395 = vector.shape_cast %swap3A_394 : vector<1x16xf32> to vector<16xf32>
    %swap3A_396 = vector.shape_cast %get3A_4 : vector<16xf32> to vector<1x16xf32>
    tpu.vector_store %arg7[%swap3A_392, %swap3A_393], %swap3A_396 {strides = array<i32>} : memref<8x128xf32, #tpu.memory_space<vmem>>, vector<1x16xf32>,
    %swap3A_397 = arith.constant 4 : i32
    %swap3A_398 = arith.index_cast %swap3A_397 : i32 to index
    %swap3A_399 = arith.constant 0 : index
    %swap3A_400 = tpu.vector_load %arg8[%swap3A_398, %swap3A_399] {strides = array<i32>} : memref<8x128xf32, #tpu.memory_space<vmem>>, vector<1x16xf32>,
    %swap3A_401 = vector.shape_cast %swap3A_400 : vector<1x16xf32> to vector<16xf32>
    %swap3A_402 = vector.shape_cast %get3A_7 : vector<16xf32> to vector<1x16xf32>
    tpu.vector_store %arg8[%swap3A_398, %swap3A_399], %swap3A_402 {strides = array<i32>} : memref<8x128xf32, #tpu.memory_space<vmem>>, vector<1x16xf32>,
    %swap3A_403 = arith.constant 4 : i32
    %swap3A_404 = arith.index_cast %swap3A_403 : i32 to index
    %swap3A_405 = arith.constant 16 : index
    %swap3A_406 = tpu.vector_load %arg7[%swap3A_404, %swap3A_405] {strides = array<i32>} : memref<8x128xf32, #tpu.memory_space<vmem>>, vector<1x16xf32>,
    %swap3A_407 = vector.shape_cast %swap3A_406 : vector<1x16xf32> to vector<16xf32>
    %swap3A_408 = vector.shape_cast %get3A_4 : vector<16xf32> to vector<1x16xf32>
    tpu.vector_store %arg7[%swap3A_404, %swap3A_405], %swap3A_408 {strides = array<i32>} : memref<8x128xf32, #tpu.memory_space<vmem>>, vector<1x16xf32>,
    %swap3A_409 = arith.constant 4 : i32
    %swap3A_410 = arith.index_cast %swap3A_409 : i32 to index
    %swap3A_411 = arith.constant 16 : index
    %swap3A_412 = tpu.vector_load %arg8[%swap3A_410, %swap3A_411] {strides = array<i32>} : memref<8x128xf32, #tpu.memory_space<vmem>>, vector<1x16xf32>,
    %swap3A_413 = vector.shape_cast %swap3A_412 : vector<1x16xf32> to vector<16xf32>
    %swap3A_414 = vector.shape_cast %get3A_7 : vector<16xf32> to vector<1x16xf32>
    tpu.vector_store %arg8[%swap3A_410, %swap3A_411], %swap3A_414 {strides = array<i32>} : memref<8x128xf32, #tpu.memory_space<vmem>>, vector<1x16xf32>,
    %swap3A_415 = arith.constant 4 : i32
    %swap3A_416 = arith.index_cast %swap3A_415 : i32 to index
    %swap3A_417 = arith.constant 32 : index
    %swap3A_418 = tpu.vector_load %arg7[%swap3A_416, %swap3A_417] {strides = array<i32>} : memref<8x128xf32, #tpu.memory_space<vmem>>, vector<1x16xf32>,
    %swap3A_419 = vector.shape_cast %swap3A_418 : vector<1x16xf32> to vector<16xf32>
    %swap3A_420 = vector.shape_cast %get3A_4 : vector<16xf32> to vector<1x16xf32>
    tpu.vector_store %arg7[%swap3A_416, %swap3A_417], %swap3A_420 {strides = array<i32>} : memref<8x128xf32, #tpu.memory_space<vmem>>, vector<1x16xf32>,
    %swap3A_421 = arith.constant 4 : i32
    %swap3A_422 = arith.index_cast %swap3A_421 : i32 to index
    %swap3A_423 = arith.constant 32 : index
    %swap3A_424 = tpu.vector_load %arg8[%swap3A_422, %swap3A_423] {strides = array<i32>} : memref<8x128xf32, #tpu.memory_space<vmem>>, vector<1x16xf32>,
    %swap3A_425 = vector.shape_cast %swap3A_424 : vector<1x16xf32> to vector<16xf32>
    %swap3A_426 = vector.shape_cast %get3A_7 : vector<16xf32> to vector<1x16xf32>
    tpu.vector_store %arg8[%swap3A_422, %swap3A_423], %swap3A_426 {strides = array<i32>} : memref<8x128xf32, #tpu.memory_space<vmem>>, vector<1x16xf32>,
    %swap3A_427 = arith.constant 4 : i32
    %swap3A_428 = arith.index_cast %swap3A_427 : i32 to index
    %swap3A_429 = arith.constant 48 : index
    %swap3A_430 = tpu.vector_load %arg7[%swap3A_428, %swap3A_429] {strides = array<i32>} : memref<8x128xf32, #tpu.memory_space<vmem>>, vector<1x16xf32>,
    %swap3A_431 = vector.shape_cast %swap3A_430 : vector<1x16xf32> to vector<16xf32>
    %swap3A_432 = vector.shape_cast %get3A_4 : vector<16xf32> to vector<1x16xf32>
    tpu.vector_store %arg7[%swap3A_428, %swap3A_429], %swap3A_432 {strides = array<i32>} : memref<8x128xf32, #tpu.memory_space<vmem>>, vector<1x16xf32>,
    %swap3A_433 = arith.constant 4 : i32
    %swap3A_434 = arith.index_cast %swap3A_433 : i32 to index
    %swap3A_435 = arith.constant 48 : index
    %swap3A_436 = tpu.vector_load %arg8[%swap3A_434, %swap3A_435] {strides = array<i32>} : memref<8x128xf32, #tpu.memory_space<vmem>>, vector<1x16xf32>,
    %swap3A_437 = vector.shape_cast %swap3A_436 : vector<1x16xf32> to vector<16xf32>
    %swap3A_438 = vector.shape_cast %get3A_7 : vector<16xf32> to vector<1x16xf32>
    tpu.vector_store %arg8[%swap3A_434, %swap3A_435], %swap3A_438 {strides = array<i32>} : memref<8x128xf32, #tpu.memory_space<vmem>>, vector<1x16xf32>,
    %swap3A_439 = arith.constant 4 : i32
    %swap3A_440 = arith.index_cast %swap3A_439 : i32 to index
    %swap3A_441 = arith.constant 64 : index
    %swap3A_442 = tpu.vector_load %arg7[%swap3A_440, %swap3A_441] {strides = array<i32>} : memref<8x128xf32, #tpu.memory_space<vmem>>, vector<1x16xf32>,
    %swap3A_443 = vector.shape_cast %swap3A_442 : vector<1x16xf32> to vector<16xf32>
    %swap3A_444 = vector.shape_cast %get3A_4 : vector<16xf32> to vector<1x16xf32>
    tpu.vector_store %arg7[%swap3A_440, %swap3A_441], %swap3A_444 {strides = array<i32>} : memref<8x128xf32, #tpu.memory_space<vmem>>, vector<1x16xf32>,
    %swap3A_445 = arith.constant 4 : i32
    %swap3A_446 = arith.index_cast %swap3A_445 : i32 to index
    %swap3A_447 = arith.constant 64 : index
    %swap3A_448 = tpu.vector_load %arg8[%swap3A_446, %swap3A_447] {strides = array<i32>} : memref<8x128xf32, #tpu.memory_space<vmem>>, vector<1x16xf32>,
    %swap3A_449 = vector.shape_cast %swap3A_448 : vector<1x16xf32> to vector<16xf32>
    %swap3A_450 = vector.shape_cast %get3A_7 : vector<16xf32> to vector<1x16xf32>
    tpu.vector_store %arg8[%swap3A_446, %swap3A_447], %swap3A_450 {strides = array<i32>} : memref<8x128xf32, #tpu.memory_space<vmem>>, vector<1x16xf32>,
    %swap3A_451 = arith.constant 4 : i32
    %swap3A_452 = arith.index_cast %swap3A_451 : i32 to index
    %swap3A_453 = arith.constant 80 : index
    %swap3A_454 = tpu.vector_load %arg7[%swap3A_452, %swap3A_453] {strides = array<i32>} : memref<8x128xf32, #tpu.memory_space<vmem>>, vector<1x16xf32>,
    %swap3A_455 = vector.shape_cast %swap3A_454 : vector<1x16xf32> to vector<16xf32>
    %swap3A_456 = vector.shape_cast %get3A_4 : vector<16xf32> to vector<1x16xf32>
    tpu.vector_store %arg7[%swap3A_452, %swap3A_453], %swap3A_456 {strides = array<i32>} : memref<8x128xf32, #tpu.memory_space<vmem>>, vector<1x16xf32>,
    %swap3A_457 = arith.constant 4 : i32
    %swap3A_458 = arith.index_cast %swap3A_457 : i32 to index
    %swap3A_459 = arith.constant 80 : index
    %swap3A_460 = tpu.vector_load %arg8[%swap3A_458, %swap3A_459] {strides = array<i32>} : memref<8x128xf32, #tpu.memory_space<vmem>>, vector<1x16xf32>,
    %swap3A_461 = vector.shape_cast %swap3A_460 : vector<1x16xf32> to vector<16xf32>
    %swap3A_462 = vector.shape_cast %get3A_7 : vector<16xf32> to vector<1x16xf32>
    tpu.vector_store %arg8[%swap3A_458, %swap3A_459], %swap3A_462 {strides = array<i32>} : memref<8x128xf32, #tpu.memory_space<vmem>>, vector<1x16xf32>,
    %swap3A_463 = arith.constant 4 : i32
    %swap3A_464 = arith.index_cast %swap3A_463 : i32 to index
    %swap3A_465 = arith.constant 96 : index
    %swap3A_466 = tpu.vector_load %arg7[%swap3A_464, %swap3A_465] {strides = array<i32>} : memref<8x128xf32, #tpu.memory_space<vmem>>, vector<1x16xf32>,
    %swap3A_467 = vector.shape_cast %swap3A_466 : vector<1x16xf32> to vector<16xf32>
    %swap3A_468 = vector.shape_cast %get3A_4 : vector<16xf32> to vector<1x16xf32>
    tpu.vector_store %arg7[%swap3A_464, %swap3A_465], %swap3A_468 {strides = array<i32>} : memref<8x128xf32, #tpu.memory_space<vmem>>, vector<1x16xf32>,
    %swap3A_469 = arith.constant 4 : i32
    %swap3A_470 = arith.index_cast %swap3A_469 : i32 to index
    %swap3A_471 = arith.constant 96 : index
    %swap3A_472 = tpu.vector_load %arg8[%swap3A_470, %swap3A_471] {strides = array<i32>} : memref<8x128xf32, #tpu.memory_space<vmem>>, vector<1x16xf32>,
    %swap3A_473 = vector.shape_cast %swap3A_472 : vector<1x16xf32> to vector<16xf32>
    %swap3A_474 = vector.shape_cast %get3A_7 : vector<16xf32> to vector<1x16xf32>
    tpu.vector_store %arg8[%swap3A_470, %swap3A_471], %swap3A_474 {strides = array<i32>} : memref<8x128xf32, #tpu.memory_space<vmem>>, vector<1x16xf32>,
    %swap3A_475 = arith.constant 4 : i32
    %swap3A_476 = arith.index_cast %swap3A_475 : i32 to index
    %swap3A_477 = arith.constant 112 : index
    %swap3A_478 = tpu.vector_load %arg7[%swap3A_476, %swap3A_477] {strides = array<i32>} : memref<8x128xf32, #tpu.memory_space<vmem>>, vector<1x16xf32>,
    %swap3A_479 = vector.shape_cast %swap3A_478 : vector<1x16xf32> to vector<16xf32>
    %swap3A_480 = vector.shape_cast %get3A_4 : vector<16xf32> to vector<1x16xf32>
    tpu.vector_store %arg7[%swap3A_476, %swap3A_477], %swap3A_480 {strides = array<i32>} : memref<8x128xf32, #tpu.memory_space<vmem>>, vector<1x16xf32>,
    %swap3A_481 = arith.constant 4 : i32
    %swap3A_482 = arith.index_cast %swap3A_481 : i32 to index
    %swap3A_483 = arith.constant 112 : index
    %swap3A_484 = tpu.vector_load %arg8[%swap3A_482, %swap3A_483] {strides = array<i32>} : memref<8x128xf32, #tpu.memory_space<vmem>>, vector<1x16xf32>,
    %swap3A_485 = vector.shape_cast %swap3A_484 : vector<1x16xf32> to vector<16xf32>
    %swap3A_486 = vector.shape_cast %get3A_7 : vector<16xf32> to vector<1x16xf32>
    tpu.vector_store %arg8[%swap3A_482, %swap3A_483], %swap3A_486 {strides = array<i32>} : memref<8x128xf32, #tpu.memory_space<vmem>>, vector<1x16xf32>,
    %swap3A_487 = arith.constant 5 : i32
    %swap3A_488 = arith.index_cast %swap3A_487 : i32 to index
    %swap3A_489 = arith.constant 0 : index
    %swap3A_490 = tpu.vector_load %arg7[%swap3A_488, %swap3A_489] {strides = array<i32>} : memref<8x128xf32, #tpu.memory_space<vmem>>, vector<1x16xf32>,
    %swap3A_491 = vector.shape_cast %swap3A_490 : vector<1x16xf32> to vector<16xf32>
    %swap3A_492 = vector.shape_cast %get3A_4 : vector<16xf32> to vector<1x16xf32>
    tpu.vector_store %arg7[%swap3A_488, %swap3A_489], %swap3A_492 {strides = array<i32>} : memref<8x128xf32, #tpu.memory_space<vmem>>, vector<1x16xf32>,
    %swap3A_493 = arith.constant 5 : i32
    %swap3A_494 = arith.index_cast %swap3A_493 : i32 to index
    %swap3A_495 = arith.constant 0 : index
    %swap3A_496 = tpu.vector_load %arg8[%swap3A_494, %swap3A_495] {strides = array<i32>} : memref<8x128xf32, #tpu.memory_space<vmem>>, vector<1x16xf32>,
    %swap3A_497 = vector.shape_cast %swap3A_496 : vector<1x16xf32> to vector<16xf32>
    %swap3A_498 = vector.shape_cast %get3A_7 : vector<16xf32> to vector<1x16xf32>
    tpu.vector_store %arg8[%swap3A_494, %swap3A_495], %swap3A_498 {strides = array<i32>} : memref<8x128xf32, #tpu.memory_space<vmem>>, vector<1x16xf32>,
    %swap3A_499 = arith.constant 5 : i32
    %swap3A_500 = arith.index_cast %swap3A_499 : i32 to index
    %swap3A_501 = arith.constant 16 : index
    %swap3A_502 = tpu.vector_load %arg7[%swap3A_500, %swap3A_501] {strides = array<i32>} : memref<8x128xf32, #tpu.memory_space<vmem>>, vector<1x16xf32>,
    %swap3A_503 = vector.shape_cast %swap3A_502 : vector<1x16xf32> to vector<16xf32>
    %swap3A_504 = vector.shape_cast %get3A_4 : vector<16xf32> to vector<1x16xf32>
    tpu.vector_store %arg7[%swap3A_500, %swap3A_501], %swap3A_504 {strides = array<i32>} : memref<8x128xf32, #tpu.memory_space<vmem>>, vector<1x16xf32>,
    %swap3A_505 = arith.constant 5 : i32
    %swap3A_506 = arith.index_cast %swap3A_505 : i32 to index
    %swap3A_507 = arith.constant 16 : index
    %swap3A_508 = tpu.vector_load %arg8[%swap3A_506, %swap3A_507] {strides = array<i32>} : memref<8x128xf32, #tpu.memory_space<vmem>>, vector<1x16xf32>,
    %swap3A_509 = vector.shape_cast %swap3A_508 : vector<1x16xf32> to vector<16xf32>
    %swap3A_510 = vector.shape_cast %get3A_7 : vector<16xf32> to vector<1x16xf32>
    tpu.vector_store %arg8[%swap3A_506, %swap3A_507], %swap3A_510 {strides = array<i32>} : memref<8x128xf32, #tpu.memory_space<vmem>>, vector<1x16xf32>,
    %swap3A_511 = arith.constant 5 : i32
    %swap3A_512 = arith.index_cast %swap3A_511 : i32 to index
    %swap3A_513 = arith.constant 32 : index
    %swap3A_514 = tpu.vector_load %arg7[%swap3A_512, %swap3A_513] {strides = array<i32>} : memref<8x128xf32, #tpu.memory_space<vmem>>, vector<1x16xf32>,
    %swap3A_515 = vector.shape_cast %swap3A_514 : vector<1x16xf32> to vector<16xf32>
    %swap3A_516 = vector.shape_cast %get3A_4 : vector<16xf32> to vector<1x16xf32>
    tpu.vector_store %arg7[%swap3A_512, %swap3A_513], %swap3A_516 {strides = array<i32>} : memref<8x128xf32, #tpu.memory_space<vmem>>, vector<1x16xf32>,
    %swap3A_517 = arith.constant 5 : i32
    %swap3A_518 = arith.index_cast %swap3A_517 : i32 to index
    %swap3A_519 = arith.constant 32 : index
    %swap3A_520 = tpu.vector_load %arg8[%swap3A_518, %swap3A_519] {strides = array<i32>} : memref<8x128xf32, #tpu.memory_space<vmem>>, vector<1x16xf32>,
    %swap3A_521 = vector.shape_cast %swap3A_520 : vector<1x16xf32> to vector<16xf32>
    %swap3A_522 = vector.shape_cast %get3A_7 : vector<16xf32> to vector<1x16xf32>
    tpu.vector_store %arg8[%swap3A_518, %swap3A_519], %swap3A_522 {strides = array<i32>} : memref<8x128xf32, #tpu.memory_space<vmem>>, vector<1x16xf32>,
    %swap3A_523 = arith.constant 5 : i32
    %swap3A_524 = arith.index_cast %swap3A_523 : i32 to index
    %swap3A_525 = arith.constant 48 : index
    %swap3A_526 = tpu.vector_load %arg7[%swap3A_524, %swap3A_525] {strides = array<i32>} : memref<8x128xf32, #tpu.memory_space<vmem>>, vector<1x16xf32>,
    %swap3A_527 = vector.shape_cast %swap3A_526 : vector<1x16xf32> to vector<16xf32>
    %swap3A_528 = vector.shape_cast %get3A_4 : vector<16xf32> to vector<1x16xf32>
    tpu.vector_store %arg7[%swap3A_524, %swap3A_525], %swap3A_528 {strides = array<i32>} : memref<8x128xf32, #tpu.memory_space<vmem>>, vector<1x16xf32>,
    %swap3A_529 = arith.constant 5 : i32
    %swap3A_530 = arith.index_cast %swap3A_529 : i32 to index
    %swap3A_531 = arith.constant 48 : index
    %swap3A_532 = tpu.vector_load %arg8[%swap3A_530, %swap3A_531] {strides = array<i32>} : memref<8x128xf32, #tpu.memory_space<vmem>>, vector<1x16xf32>,
    %swap3A_533 = vector.shape_cast %swap3A_532 : vector<1x16xf32> to vector<16xf32>
    %swap3A_534 = vector.shape_cast %get3A_7 : vector<16xf32> to vector<1x16xf32>
    tpu.vector_store %arg8[%swap3A_530, %swap3A_531], %swap3A_534 {strides = array<i32>} : memref<8x128xf32, #tpu.memory_space<vmem>>, vector<1x16xf32>,
    %swap3A_535 = arith.constant 5 : i32
    %swap3A_536 = arith.index_cast %swap3A_535 : i32 to index
    %swap3A_537 = arith.constant 64 : index
    %swap3A_538 = tpu.vector_load %arg7[%swap3A_536, %swap3A_537] {strides = array<i32>} : memref<8x128xf32, #tpu.memory_space<vmem>>, vector<1x16xf32>,
    %swap3A_539 = vector.shape_cast %swap3A_538 : vector<1x16xf32> to vector<16xf32>
    %swap3A_540 = vector.shape_cast %get3A_4 : vector<16xf32> to vector<1x16xf32>
    tpu.vector_store %arg7[%swap3A_536, %swap3A_537], %swap3A_540 {strides = array<i32>} : memref<8x128xf32, #tpu.memory_space<vmem>>, vector<1x16xf32>,
    %swap3A_541 = arith.constant 5 : i32
    %swap3A_542 = arith.index_cast %swap3A_541 : i32 to index
    %swap3A_543 = arith.constant 64 : index
    %swap3A_544 = tpu.vector_load %arg8[%swap3A_542, %swap3A_543] {strides = array<i32>} : memref<8x128xf32, #tpu.memory_space<vmem>>, vector<1x16xf32>,
    %swap3A_545 = vector.shape_cast %swap3A_544 : vector<1x16xf32> to vector<16xf32>
    %swap3A_546 = vector.shape_cast %get3A_7 : vector<16xf32> to vector<1x16xf32>
    tpu.vector_store %arg8[%swap3A_542, %swap3A_543], %swap3A_546 {strides = array<i32>} : memref<8x128xf32, #tpu.memory_space<vmem>>, vector<1x16xf32>,
    %swap3A_547 = arith.constant 5 : i32
    %swap3A_548 = arith.index_cast %swap3A_547 : i32 to index
    %swap3A_549 = arith.constant 80 : index
    %swap3A_550 = tpu.vector_load %arg7[%swap3A_548, %swap3A_549] {strides = array<i32>} : memref<8x128xf32, #tpu.memory_space<vmem>>, vector<1x16xf32>,
    %swap3A_551 = vector.shape_cast %swap3A_550 : vector<1x16xf32> to vector<16xf32>
    %swap3A_552 = vector.shape_cast %get3A_4 : vector<16xf32> to vector<1x16xf32>
    tpu.vector_store %arg7[%swap3A_548, %swap3A_549], %swap3A_552 {strides = array<i32>} : memref<8x128xf32, #tpu.memory_space<vmem>>, vector<1x16xf32>,
    %swap3A_553 = arith.constant 5 : i32
    %swap3A_554 = arith.index_cast %swap3A_553 : i32 to index
    %swap3A_555 = arith.constant 80 : index
    %swap3A_556 = tpu.vector_load %arg8[%swap3A_554, %swap3A_555] {strides = array<i32>} : memref<8x128xf32, #tpu.memory_space<vmem>>, vector<1x16xf32>,
    %swap3A_557 = vector.shape_cast %swap3A_556 : vector<1x16xf32> to vector<16xf32>
    %swap3A_558 = vector.shape_cast %get3A_7 : vector<16xf32> to vector<1x16xf32>
    tpu.vector_store %arg8[%swap3A_554, %swap3A_555], %swap3A_558 {strides = array<i32>} : memref<8x128xf32, #tpu.memory_space<vmem>>, vector<1x16xf32>,
    %swap3A_559 = arith.constant 5 : i32
    %swap3A_560 = arith.index_cast %swap3A_559 : i32 to index
    %swap3A_561 = arith.constant 96 : index
    %swap3A_562 = tpu.vector_load %arg7[%swap3A_560, %swap3A_561] {strides = array<i32>} : memref<8x128xf32, #tpu.memory_space<vmem>>, vector<1x16xf32>,
    %swap3A_563 = vector.shape_cast %swap3A_562 : vector<1x16xf32> to vector<16xf32>
    %swap3A_564 = vector.shape_cast %get3A_4 : vector<16xf32> to vector<1x16xf32>
    tpu.vector_store %arg7[%swap3A_560, %swap3A_561], %swap3A_564 {strides = array<i32>} : memref<8x128xf32, #tpu.memory_space<vmem>>, vector<1x16xf32>,
    %swap3A_565 = arith.constant 5 : i32
    %swap3A_566 = arith.index_cast %swap3A_565 : i32 to index
    %swap3A_567 = arith.constant 96 : index
    %swap3A_568 = tpu.vector_load %arg8[%swap3A_566, %swap3A_567] {strides = array<i32>} : memref<8x128xf32, #tpu.memory_space<vmem>>, vector<1x16xf32>,
    %swap3A_569 = vector.shape_cast %swap3A_568 : vector<1x16xf32> to vector<16xf32>
    %swap3A_570 = vector.shape_cast %get3A_7 : vector<16xf32> to vector<1x16xf32>
    tpu.vector_store %arg8[%swap3A_566, %swap3A_567], %swap3A_570 {strides = array<i32>} : memref<8x128xf32, #tpu.memory_space<vmem>>, vector<1x16xf32>,
    %swap3A_571 = arith.constant 5 : i32
    %swap3A_572 = arith.index_cast %swap3A_571 : i32 to index
    %swap3A_573 = arith.constant 112 : index
    %swap3A_574 = tpu.vector_load %arg7[%swap3A_572, %swap3A_573] {strides = array<i32>} : memref<8x128xf32, #tpu.memory_space<vmem>>, vector<1x16xf32>,
    %swap3A_575 = vector.shape_cast %swap3A_574 : vector<1x16xf32> to vector<16xf32>
    %swap3A_576 = vector.shape_cast %get3A_4 : vector<16xf32> to vector<1x16xf32>
    tpu.vector_store %arg7[%swap3A_572, %swap3A_573], %swap3A_576 {strides = array<i32>} : memref<8x128xf32, #tpu.memory_space<vmem>>, vector<1x16xf32>,
    %swap3A_577 = arith.constant 5 : i32
    %swap3A_578 = arith.index_cast %swap3A_577 : i32 to index
    %swap3A_579 = arith.constant 112 : index
    %swap3A_580 = tpu.vector_load %arg8[%swap3A_578, %swap3A_579] {strides = array<i32>} : memref<8x128xf32, #tpu.memory_space<vmem>>, vector<1x16xf32>,
    %swap3A_581 = vector.shape_cast %swap3A_580 : vector<1x16xf32> to vector<16xf32>
    %swap3A_582 = vector.shape_cast %get3A_7 : vector<16xf32> to vector<1x16xf32>
    tpu.vector_store %arg8[%swap3A_578, %swap3A_579], %swap3A_582 {strides = array<i32>} : memref<8x128xf32, #tpu.memory_space<vmem>>, vector<1x16xf32>,
    %swap3A_583 = arith.constant 6 : i32
    %swap3A_584 = arith.index_cast %swap3A_583 : i32 to index
    %swap3A_585 = arith.constant 0 : index
    %swap3A_586 = tpu.vector_load %arg7[%swap3A_584, %swap3A_585] {strides = array<i32>} : memref<8x128xf32, #tpu.memory_space<vmem>>, vector<1x16xf32>,
    %swap3A_587 = vector.shape_cast %swap3A_586 : vector<1x16xf32> to vector<16xf32>
    %swap3A_588 = vector.shape_cast %get3A_4 : vector<16xf32> to vector<1x16xf32>
    tpu.vector_store %arg7[%swap3A_584, %swap3A_585], %swap3A_588 {strides = array<i32>} : memref<8x128xf32, #tpu.memory_space<vmem>>, vector<1x16xf32>,
    %swap3A_589 = arith.constant 6 : i32
    %swap3A_590 = arith.index_cast %swap3A_589 : i32 to index
    %swap3A_591 = arith.constant 0 : index
    %swap3A_592 = tpu.vector_load %arg8[%swap3A_590, %swap3A_591] {strides = array<i32>} : memref<8x128xf32, #tpu.memory_space<vmem>>, vector<1x16xf32>,
    %swap3A_593 = vector.shape_cast %swap3A_592 : vector<1x16xf32> to vector<16xf32>
    %swap3A_594 = vector.shape_cast %get3A_7 : vector<16xf32> to vector<1x16xf32>
    tpu.vector_store %arg8[%swap3A_590, %swap3A_591], %swap3A_594 {strides = array<i32>} : memref<8x128xf32, #tpu.memory_space<vmem>>, vector<1x16xf32>,
    %swap3A_595 = arith.constant 6 : i32
    %swap3A_596 = arith.index_cast %swap3A_595 : i32 to index
    %swap3A_597 = arith.constant 16 : index
    %swap3A_598 = tpu.vector_load %arg7[%swap3A_596, %swap3A_597] {strides = array<i32>} : memref<8x128xf32, #tpu.memory_space<vmem>>, vector<1x16xf32>,
    %swap3A_599 = vector.shape_cast %swap3A_598 : vector<1x16xf32> to vector<16xf32>
    %swap3A_600 = vector.shape_cast %get3A_4 : vector<16xf32> to vector<1x16xf32>
    tpu.vector_store %arg7[%swap3A_596, %swap3A_597], %swap3A_600 {strides = array<i32>} : memref<8x128xf32, #tpu.memory_space<vmem>>, vector<1x16xf32>,
    %swap3A_601 = arith.constant 6 : i32
    %swap3A_602 = arith.index_cast %swap3A_601 : i32 to index
    %swap3A_603 = arith.constant 16 : index
    %swap3A_604 = tpu.vector_load %arg8[%swap3A_602, %swap3A_603] {strides = array<i32>} : memref<8x128xf32, #tpu.memory_space<vmem>>, vector<1x16xf32>,
    %swap3A_605 = vector.shape_cast %swap3A_604 : vector<1x16xf32> to vector<16xf32>
    %swap3A_606 = vector.shape_cast %get3A_7 : vector<16xf32> to vector<1x16xf32>
    tpu.vector_store %arg8[%swap3A_602, %swap3A_603], %swap3A_606 {strides = array<i32>} : memref<8x128xf32, #tpu.memory_space<vmem>>, vector<1x16xf32>,
    %swap3A_607 = arith.constant 6 : i32
    %swap3A_608 = arith.index_cast %swap3A_607 : i32 to index
    %swap3A_609 = arith.constant 32 : index
    %swap3A_610 = tpu.vector_load %arg7[%swap3A_608, %swap3A_609] {strides = array<i32>} : memref<8x128xf32, #tpu.memory_space<vmem>>, vector<1x16xf32>,
    %swap3A_611 = vector.shape_cast %swap3A_610 : vector<1x16xf32> to vector<16xf32>
    %swap3A_612 = vector.shape_cast %get3A_4 : vector<16xf32> to vector<1x16xf32>
    tpu.vector_store %arg7[%swap3A_608, %swap3A_609], %swap3A_612 {strides = array<i32>} : memref<8x128xf32, #tpu.memory_space<vmem>>, vector<1x16xf32>,
    %swap3A_613 = arith.constant 6 : i32
    %swap3A_614 = arith.index_cast %swap3A_613 : i32 to index
    %swap3A_615 = arith.constant 32 : index
    %swap3A_616 = tpu.vector_load %arg8[%swap3A_614, %swap3A_615] {strides = array<i32>} : memref<8x128xf32, #tpu.memory_space<vmem>>, vector<1x16xf32>,
    %swap3A_617 = vector.shape_cast %swap3A_616 : vector<1x16xf32> to vector<16xf32>
    %swap3A_618 = vector.shape_cast %get3A_7 : vector<16xf32> to vector<1x16xf32>
    tpu.vector_store %arg8[%swap3A_614, %swap3A_615], %swap3A_618 {strides = array<i32>} : memref<8x128xf32, #tpu.memory_space<vmem>>, vector<1x16xf32>,
    %swap3A_619 = arith.constant 6 : i32
    %swap3A_620 = arith.index_cast %swap3A_619 : i32 to index
    %swap3A_621 = arith.constant 48 : index
    %swap3A_622 = tpu.vector_load %arg7[%swap3A_620, %swap3A_621] {strides = array<i32>} : memref<8x128xf32, #tpu.memory_space<vmem>>, vector<1x16xf32>,
    %swap3A_623 = vector.shape_cast %swap3A_622 : vector<1x16xf32> to vector<16xf32>
    %swap3A_624 = vector.shape_cast %get3A_4 : vector<16xf32> to vector<1x16xf32>
    tpu.vector_store %arg7[%swap3A_620, %swap3A_621], %swap3A_624 {strides = array<i32>} : memref<8x128xf32, #tpu.memory_space<vmem>>, vector<1x16xf32>,
    %swap3A_625 = arith.constant 6 : i32
    %swap3A_626 = arith.index_cast %swap3A_625 : i32 to index
    %swap3A_627 = arith.constant 48 : index
    %swap3A_628 = tpu.vector_load %arg8[%swap3A_626, %swap3A_627] {strides = array<i32>} : memref<8x128xf32, #tpu.memory_space<vmem>>, vector<1x16xf32>,
    %swap3A_629 = vector.shape_cast %swap3A_628 : vector<1x16xf32> to vector<16xf32>
    %swap3A_630 = vector.shape_cast %get3A_7 : vector<16xf32> to vector<1x16xf32>
    tpu.vector_store %arg8[%swap3A_626, %swap3A_627], %swap3A_630 {strides = array<i32>} : memref<8x128xf32, #tpu.memory_space<vmem>>, vector<1x16xf32>,
    %swap3A_631 = arith.constant 6 : i32
    %swap3A_632 = arith.index_cast %swap3A_631 : i32 to index
    %swap3A_633 = arith.constant 64 : index
    %swap3A_634 = tpu.vector_load %arg7[%swap3A_632, %swap3A_633] {strides = array<i32>} : memref<8x128xf32, #tpu.memory_space<vmem>>, vector<1x16xf32>,
    %swap3A_635 = vector.shape_cast %swap3A_634 : vector<1x16xf32> to vector<16xf32>
    %swap3A_636 = vector.shape_cast %get3A_4 : vector<16xf32> to vector<1x16xf32>
    tpu.vector_store %arg7[%swap3A_632, %swap3A_633], %swap3A_636 {strides = array<i32>} : memref<8x128xf32, #tpu.memory_space<vmem>>, vector<1x16xf32>,
    %swap3A_637 = arith.constant 6 : i32
    %swap3A_638 = arith.index_cast %swap3A_637 : i32 to index
    %swap3A_639 = arith.constant 64 : index
    %swap3A_640 = tpu.vector_load %arg8[%swap3A_638, %swap3A_639] {strides = array<i32>} : memref<8x128xf32, #tpu.memory_space<vmem>>, vector<1x16xf32>,
    %swap3A_641 = vector.shape_cast %swap3A_640 : vector<1x16xf32> to vector<16xf32>
    %swap3A_642 = vector.shape_cast %get3A_7 : vector<16xf32> to vector<1x16xf32>
    tpu.vector_store %arg8[%swap3A_638, %swap3A_639], %swap3A_642 {strides = array<i32>} : memref<8x128xf32, #tpu.memory_space<vmem>>, vector<1x16xf32>,
    %swap3A_643 = arith.constant 6 : i32
    %swap3A_644 = arith.index_cast %swap3A_643 : i32 to index
    %swap3A_645 = arith.constant 80 : index
    %swap3A_646 = tpu.vector_load %arg7[%swap3A_644, %swap3A_645] {strides = array<i32>} : memref<8x128xf32, #tpu.memory_space<vmem>>, vector<1x16xf32>,
    %swap3A_647 = vector.shape_cast %swap3A_646 : vector<1x16xf32> to vector<16xf32>
    %swap3A_648 = vector.shape_cast %get3A_4 : vector<16xf32> to vector<1x16xf32>
    tpu.vector_store %arg7[%swap3A_644, %swap3A_645], %swap3A_648 {strides = array<i32>} : memref<8x128xf32, #tpu.memory_space<vmem>>, vector<1x16xf32>,
    %swap3A_649 = arith.constant 6 : i32
    %swap3A_650 = arith.index_cast %swap3A_649 : i32 to index
    %swap3A_651 = arith.constant 80 : index
    %swap3A_652 = tpu.vector_load %arg8[%swap3A_650, %swap3A_651] {strides = array<i32>} : memref<8x128xf32, #tpu.memory_space<vmem>>, vector<1x16xf32>,
    %swap3A_653 = vector.shape_cast %swap3A_652 : vector<1x16xf32> to vector<16xf32>
    %swap3A_654 = vector.shape_cast %get3A_7 : vector<16xf32> to vector<1x16xf32>
    tpu.vector_store %arg8[%swap3A_650, %swap3A_651], %swap3A_654 {strides = array<i32>} : memref<8x128xf32, #tpu.memory_space<vmem>>, vector<1x16xf32>,
    %swap3A_655 = arith.constant 6 : i32
    %swap3A_656 = arith.index_cast %swap3A_655 : i32 to index
    %swap3A_657 = arith.constant 96 : index
    %swap3A_658 = tpu.vector_load %arg7[%swap3A_656, %swap3A_657] {strides = array<i32>} : memref<8x128xf32, #tpu.memory_space<vmem>>, vector<1x16xf32>,
    %swap3A_659 = vector.shape_cast %swap3A_658 : vector<1x16xf32> to vector<16xf32>
    %swap3A_660 = vector.shape_cast %get3A_4 : vector<16xf32> to vector<1x16xf32>
    tpu.vector_store %arg7[%swap3A_656, %swap3A_657], %swap3A_660 {strides = array<i32>} : memref<8x128xf32, #tpu.memory_space<vmem>>, vector<1x16xf32>,
    %swap3A_661 = arith.constant 6 : i32
    %swap3A_662 = arith.index_cast %swap3A_661 : i32 to index
    %swap3A_663 = arith.constant 96 : index
    %swap3A_664 = tpu.vector_load %arg8[%swap3A_662, %swap3A_663] {strides = array<i32>} : memref<8x128xf32, #tpu.memory_space<vmem>>, vector<1x16xf32>,
    %swap3A_665 = vector.shape_cast %swap3A_664 : vector<1x16xf32> to vector<16xf32>
    %swap3A_666 = vector.shape_cast %get3A_7 : vector<16xf32> to vector<1x16xf32>
    tpu.vector_store %arg8[%swap3A_662, %swap3A_663], %swap3A_666 {strides = array<i32>} : memref<8x128xf32, #tpu.memory_space<vmem>>, vector<1x16xf32>,
    %swap3A_667 = arith.constant 6 : i32
    %swap3A_668 = arith.index_cast %swap3A_667 : i32 to index
    %swap3A_669 = arith.constant 112 : index
    %swap3A_670 = tpu.vector_load %arg7[%swap3A_668, %swap3A_669] {strides = array<i32>} : memref<8x128xf32, #tpu.memory_space<vmem>>, vector<1x16xf32>,
    %swap3A_671 = vector.shape_cast %swap3A_670 : vector<1x16xf32> to vector<16xf32>
    %swap3A_672 = vector.shape_cast %get3A_4 : vector<16xf32> to vector<1x16xf32>
    tpu.vector_store %arg7[%swap3A_668, %swap3A_669], %swap3A_672 {strides = array<i32>} : memref<8x128xf32, #tpu.memory_space<vmem>>, vector<1x16xf32>,
    %swap3A_673 = arith.constant 6 : i32
    %swap3A_674 = arith.index_cast %swap3A_673 : i32 to index
    %swap3A_675 = arith.constant 112 : index
    %swap3A_676 = tpu.vector_load %arg8[%swap3A_674, %swap3A_675] {strides = array<i32>} : memref<8x128xf32, #tpu.memory_space<vmem>>, vector<1x16xf32>,
    %swap3A_677 = vector.shape_cast %swap3A_676 : vector<1x16xf32> to vector<16xf32>
    %swap3A_678 = vector.shape_cast %get3A_7 : vector<16xf32> to vector<1x16xf32>
    tpu.vector_store %arg8[%swap3A_674, %swap3A_675], %swap3A_678 {strides = array<i32>} : memref<8x128xf32, #tpu.memory_space<vmem>>, vector<1x16xf32>,
    %swap3A_679 = arith.constant 7 : i32
    %swap3A_680 = arith.index_cast %swap3A_679 : i32 to index
    %swap3A_681 = arith.constant 0 : index
    %swap3A_682 = tpu.vector_load %arg7[%swap3A_680, %swap3A_681] {strides = array<i32>} : memref<8x128xf32, #tpu.memory_space<vmem>>, vector<1x16xf32>,
    %swap3A_683 = vector.shape_cast %swap3A_682 : vector<1x16xf32> to vector<16xf32>
    %swap3A_684 = vector.shape_cast %get3A_4 : vector<16xf32> to vector<1x16xf32>
    tpu.vector_store %arg7[%swap3A_680, %swap3A_681], %swap3A_684 {strides = array<i32>} : memref<8x128xf32, #tpu.memory_space<vmem>>, vector<1x16xf32>,
    %swap3A_685 = arith.constant 7 : i32
    %swap3A_686 = arith.index_cast %swap3A_685 : i32 to index
    %swap3A_687 = arith.constant 0 : index
    %swap3A_688 = tpu.vector_load %arg8[%swap3A_686, %swap3A_687] {strides = array<i32>} : memref<8x128xf32, #tpu.memory_space<vmem>>, vector<1x16xf32>,
    %swap3A_689 = vector.shape_cast %swap3A_688 : vector<1x16xf32> to vector<16xf32>
    %swap3A_690 = vector.shape_cast %get3A_7 : vector<16xf32> to vector<1x16xf32>
    tpu.vector_store %arg8[%swap3A_686, %swap3A_687], %swap3A_690 {strides = array<i32>} : memref<8x128xf32, #tpu.memory_space<vmem>>, vector<1x16xf32>,
    %swap3A_691 = arith.constant 7 : i32
    %swap3A_692 = arith.index_cast %swap3A_691 : i32 to index
    %swap3A_693 = arith.constant 16 : index
    %swap3A_694 = tpu.vector_load %arg7[%swap3A_692, %swap3A_693] {strides = array<i32>} : memref<8x128xf32, #tpu.memory_space<vmem>>, vector<1x16xf32>,
    %swap3A_695 = vector.shape_cast %swap3A_694 : vector<1x16xf32> to vector<16xf32>
    %swap3A_696 = vector.shape_cast %get3A_4 : vector<16xf32> to vector<1x16xf32>
    tpu.vector_store %arg7[%swap3A_692, %swap3A_693], %swap3A_696 {strides = array<i32>} : memref<8x128xf32, #tpu.memory_space<vmem>>, vector<1x16xf32>,
    %swap3A_697 = arith.constant 7 : i32
    %swap3A_698 = arith.index_cast %swap3A_697 : i32 to index
    %swap3A_699 = arith.constant 16 : index
    %swap3A_700 = tpu.vector_load %arg8[%swap3A_698, %swap3A_699] {strides = array<i32>} : memref<8x128xf32, #tpu.memory_space<vmem>>, vector<1x16xf32>,
    %swap3A_701 = vector.shape_cast %swap3A_700 : vector<1x16xf32> to vector<16xf32>
    %swap3A_702 = vector.shape_cast %get3A_7 : vector<16xf32> to vector<1x16xf32>
    tpu.vector_store %arg8[%swap3A_698, %swap3A_699], %swap3A_702 {strides = array<i32>} : memref<8x128xf32, #tpu.memory_space<vmem>>, vector<1x16xf32>,
    %swap3A_703 = arith.constant 7 : i32
    %swap3A_704 = arith.index_cast %swap3A_703 : i32 to index
    %swap3A_705 = arith.constant 32 : index
    %swap3A_706 = tpu.vector_load %arg7[%swap3A_704, %swap3A_705] {strides = array<i32>} : memref<8x128xf32, #tpu.memory_space<vmem>>, vector<1x16xf32>,
    %swap3A_707 = vector.shape_cast %swap3A_706 : vector<1x16xf32> to vector<16xf32>
    %swap3A_708 = vector.shape_cast %get3A_4 : vector<16xf32> to vector<1x16xf32>
    tpu.vector_store %arg7[%swap3A_704, %swap3A_705], %swap3A_708 {strides = array<i32>} : memref<8x128xf32, #tpu.memory_space<vmem>>, vector<1x16xf32>,
    %swap3A_709 = arith.constant 7 : i32
    %swap3A_710 = arith.index_cast %swap3A_709 : i32 to index
    %swap3A_711 = arith.constant 32 : index
    %swap3A_712 = tpu.vector_load %arg8[%swap3A_710, %swap3A_711] {strides = array<i32>} : memref<8x128xf32, #tpu.memory_space<vmem>>, vector<1x16xf32>,
    %swap3A_713 = vector.shape_cast %swap3A_712 : vector<1x16xf32> to vector<16xf32>
    %swap3A_714 = vector.shape_cast %get3A_7 : vector<16xf32> to vector<1x16xf32>
    tpu.vector_store %arg8[%swap3A_710, %swap3A_711], %swap3A_714 {strides = array<i32>} : memref<8x128xf32, #tpu.memory_space<vmem>>, vector<1x16xf32>,
    %swap3A_715 = arith.constant 7 : i32
    %swap3A_716 = arith.index_cast %swap3A_715 : i32 to index
    %swap3A_717 = arith.constant 48 : index
    %swap3A_718 = tpu.vector_load %arg7[%swap3A_716, %swap3A_717] {strides = array<i32>} : memref<8x128xf32, #tpu.memory_space<vmem>>, vector<1x16xf32>,
    %swap3A_719 = vector.shape_cast %swap3A_718 : vector<1x16xf32> to vector<16xf32>
    %swap3A_720 = vector.shape_cast %get3A_4 : vector<16xf32> to vector<1x16xf32>
    tpu.vector_store %arg7[%swap3A_716, %swap3A_717], %swap3A_720 {strides = array<i32>} : memref<8x128xf32, #tpu.memory_space<vmem>>, vector<1x16xf32>,
    %swap3A_721 = arith.constant 7 : i32
    %swap3A_722 = arith.index_cast %swap3A_721 : i32 to index
    %swap3A_723 = arith.constant 48 : index
    %swap3A_724 = tpu.vector_load %arg8[%swap3A_722, %swap3A_723] {strides = array<i32>} : memref<8x128xf32, #tpu.memory_space<vmem>>, vector<1x16xf32>,
    %swap3A_725 = vector.shape_cast %swap3A_724 : vector<1x16xf32> to vector<16xf32>
    %swap3A_726 = vector.shape_cast %get3A_7 : vector<16xf32> to vector<1x16xf32>
    tpu.vector_store %arg8[%swap3A_722, %swap3A_723], %swap3A_726 {strides = array<i32>} : memref<8x128xf32, #tpu.memory_space<vmem>>, vector<1x16xf32>,
    %swap3A_727 = arith.constant 7 : i32
    %swap3A_728 = arith.index_cast %swap3A_727 : i32 to index
    %swap3A_729 = arith.constant 64 : index
    %swap3A_730 = tpu.vector_load %arg7[%swap3A_728, %swap3A_729] {strides = array<i32>} : memref<8x128xf32, #tpu.memory_space<vmem>>, vector<1x16xf32>,
    %swap3A_731 = vector.shape_cast %swap3A_730 : vector<1x16xf32> to vector<16xf32>
    %swap3A_732 = vector.shape_cast %get3A_4 : vector<16xf32> to vector<1x16xf32>
    tpu.vector_store %arg7[%swap3A_728, %swap3A_729], %swap3A_732 {strides = array<i32>} : memref<8x128xf32, #tpu.memory_space<vmem>>, vector<1x16xf32>,
    %swap3A_733 = arith.constant 7 : i32
    %swap3A_734 = arith.index_cast %swap3A_733 : i32 to index
    %swap3A_735 = arith.constant 64 : index
    %swap3A_736 = tpu.vector_load %arg8[%swap3A_734, %swap3A_735] {strides = array<i32>} : memref<8x128xf32, #tpu.memory_space<vmem>>, vector<1x16xf32>,
    %swap3A_737 = vector.shape_cast %swap3A_736 : vector<1x16xf32> to vector<16xf32>
    %swap3A_738 = vector.shape_cast %get3A_7 : vector<16xf32> to vector<1x16xf32>
    tpu.vector_store %arg8[%swap3A_734, %swap3A_735], %swap3A_738 {strides = array<i32>} : memref<8x128xf32, #tpu.memory_space<vmem>>, vector<1x16xf32>,
    %swap3A_739 = arith.constant 7 : i32
    %swap3A_740 = arith.index_cast %swap3A_739 : i32 to index
    %swap3A_741 = arith.constant 80 : index
    %swap3A_742 = tpu.vector_load %arg7[%swap3A_740, %swap3A_741] {strides = array<i32>} : memref<8x128xf32, #tpu.memory_space<vmem>>, vector<1x16xf32>,
    %swap3A_743 = vector.shape_cast %swap3A_742 : vector<1x16xf32> to vector<16xf32>
    %swap3A_744 = vector.shape_cast %get3A_4 : vector<16xf32> to vector<1x16xf32>
    tpu.vector_store %arg7[%swap3A_740, %swap3A_741], %swap3A_744 {strides = array<i32>} : memref<8x128xf32, #tpu.memory_space<vmem>>, vector<1x16xf32>,
    %swap3A_745 = arith.constant 7 : i32
    %swap3A_746 = arith.index_cast %swap3A_745 : i32 to index
    %swap3A_747 = arith.constant 80 : index
    %swap3A_748 = tpu.vector_load %arg8[%swap3A_746, %swap3A_747] {strides = array<i32>} : memref<8x128xf32, #tpu.memory_space<vmem>>, vector<1x16xf32>,
    %swap3A_749 = vector.shape_cast %swap3A_748 : vector<1x16xf32> to vector<16xf32>
    %swap3A_750 = vector.shape_cast %get3A_7 : vector<16xf32> to vector<1x16xf32>
    tpu.vector_store %arg8[%swap3A_746, %swap3A_747], %swap3A_750 {strides = array<i32>} : memref<8x128xf32, #tpu.memory_space<vmem>>, vector<1x16xf32>,
    %swap3A_751 = arith.constant 7 : i32
    %swap3A_752 = arith.index_cast %swap3A_751 : i32 to index
    %swap3A_753 = arith.constant 96 : index
    %swap3A_754 = tpu.vector_load %arg7[%swap3A_752, %swap3A_753] {strides = array<i32>} : memref<8x128xf32, #tpu.memory_space<vmem>>, vector<1x16xf32>,
    %swap3A_755 = vector.shape_cast %swap3A_754 : vector<1x16xf32> to vector<16xf32>
    %swap3A_756 = vector.shape_cast %get3A_4 : vector<16xf32> to vector<1x16xf32>
    tpu.vector_store %arg7[%swap3A_752, %swap3A_753], %swap3A_756 {strides = array<i32>} : memref<8x128xf32, #tpu.memory_space<vmem>>, vector<1x16xf32>,
    %swap3A_757 = arith.constant 7 : i32
    %swap3A_758 = arith.index_cast %swap3A_757 : i32 to index
    %swap3A_759 = arith.constant 96 : index
    %swap3A_760 = tpu.vector_load %arg8[%swap3A_758, %swap3A_759] {strides = array<i32>} : memref<8x128xf32, #tpu.memory_space<vmem>>, vector<1x16xf32>,
    %swap3A_761 = vector.shape_cast %swap3A_760 : vector<1x16xf32> to vector<16xf32>
    %swap3A_762 = vector.shape_cast %get3A_7 : vector<16xf32> to vector<1x16xf32>
    tpu.vector_store %arg8[%swap3A_758, %swap3A_759], %swap3A_762 {strides = array<i32>} : memref<8x128xf32, #tpu.memory_space<vmem>>, vector<1x16xf32>,
    %swap3A_763 = arith.constant 7 : i32
    %swap3A_764 = arith.index_cast %swap3A_763 : i32 to index
    %swap3A_765 = arith.constant 112 : index
    %swap3A_766 = tpu.vector_load %arg7[%swap3A_764, %swap3A_765] {strides = array<i32>} : memref<8x128xf32, #tpu.memory_space<vmem>>, vector<1x16xf32>,
    %swap3A_767 = vector.shape_cast %swap3A_766 : vector<1x16xf32> to vector<16xf32>
    %swap3A_768 = vector.shape_cast %get3A_4 : vector<16xf32> to vector<1x16xf32>
    tpu.vector_store %arg7[%swap3A_764, %swap3A_765], %swap3A_768 {strides = array<i32>} : memref<8x128xf32, #tpu.memory_space<vmem>>, vector<1x16xf32>,
    %swap3A_769 = arith.constant 7 : i32
    %swap3A_770 = arith.index_cast %swap3A_769 : i32 to index
    %swap3A_771 = arith.constant 112 : index
    %swap3A_772 = tpu.vector_load %arg8[%swap3A_770, %swap3A_771] {strides = array<i32>} : memref<8x128xf32, #tpu.memory_space<vmem>>, vector<1x16xf32>,
    %swap3A_773 = vector.shape_cast %swap3A_772 : vector<1x16xf32> to vector<16xf32>
    %swap3A_774 = vector.shape_cast %get3A_7 : vector<16xf32> to vector<1x16xf32>
    tpu.vector_store %arg8[%swap3A_770, %swap3A_771], %swap3A_774 {strides = array<i32>} : memref<8x128xf32, #tpu.memory_space<vmem>>, vector<1x16xf32>,
    %scan3A = arith.constant 0 : i32
    %scan3A_775 = arith.constant 0 : i32
    %scan3A_776 = arith.constant 128 : i32
    %scan3A_777 = arith.addi %scan3A_775, %scan3A_776 : i32
    %scan3A_778 = arith.constant 1 : i32
    scf.for %scan3A_851 = %scan3A_775 to %scan3A_777 step %scan3A_778  : i32 {
      %mul3A_852 = arith.constant 8 : i32
      %mul3A_853 = arith.muli %mul3A_852, %scan3A_851 : i32
      %add3A = arith.addi %mul3A_0, %mul3A_853 : i32
      %sub3A = arith.constant 2047 : i32
      %sub3A_854 = arith.subi %sub3A, %add3A : i32
      %sub3A_855 = arith.constant 633 : i32
      %sub3A_856 = arith.subi %add3A, %sub3A_855 : i32
      %jit3A = arith.constant 128 : i32
      %div3A = arith.divsi %sub3A_856, %jit3A : i32
      %sign3A = arith.constant 0 : i32
      %sign3A_857 = arith.cmpi sgt, %sub3A_856, %sign3A : i32
      %sign3A_858 = arith.extui %sign3A_857 : i1 to i32
      %sign3A_859 = arith.constant 0 : i32
      %sign3A_860 = arith.cmpi slt, %sub3A_856, %sign3A_859 : i32
      %sign3A_861 = arith.extui %sign3A_860 : i1 to i32
      %sign3A_862 = arith.subi %sign3A_858, %sign3A_861 : i32
      %sign3A_863 = arith.constant 0 : i32
      %sign3A_864 = arith.cmpi sgt, %jit3A, %sign3A_863 : i32
      %sign3A_865 = arith.extui %sign3A_864 : i1 to i32
      %sign3A_866 = arith.constant 0 : i32
      %sign3A_867 = arith.cmpi slt, %jit3A, %sign3A_866 : i32
      %sign3A_868 = arith.extui %sign3A_867 : i1 to i32
      %sign3A_869 = arith.subi %sign3A_865, %sign3A_868 : i32
      %ne3A = arith.cmpi ne, %sign3A_862, %sign3A_869 : i32
      %rem3A = arith.remsi %sub3A_856, %jit3A : i32
      %ne3A_870 = arith.constant 0 : i32
      %ne3A_871 = arith.cmpi ne, %rem3A, %ne3A_870 : i32
      %and3A = arith.andi %ne3A, %ne3A_871 : i1
      %sub3A_872 = arith.constant 1 : i32
      %sub3A_873 = arith.subi %div3A, %sub3A_872 : i32
      %select_n3A = arith.select %and3A, %sub3A_873, %div3A : i32
      %jit3A_874 = arith.constant 0 : i32
      %jit3A_875 = arith.constant 6 : i32
      %max3A = arith.maxsi %jit3A_874, %select_n3A : i32
      %min3A = arith.minsi %jit3A_875, %max3A : i32
      %mul3A_876 = arith.constant 128 : i32
      %mul3A_877 = arith.muli %mul3A_876, %min3A : i32
      %multiple_of3A = tpu.assume_multiple %mul3A_877, 128 : i32
      %multiple_of3A_878 = tpu.assume_multiple %add3A, 8 : i32
      %ge3A = arith.constant 2 : i32
      %ge3A_879 = arith.cmpi sge, %scan3A_851, %ge3A : i32
      %convert_element_type3A = arith.extui %ge3A_879 : i1 to i32
      %cond3A = arith.constant 0 : i32
      %cond3A_880 = arith.cmpi ne, %convert_element_type3A, %cond3A : i32
      scf.if %cond3A_880 {
        %dma_wait3A_947 = arith.constant 0 : i32
        %dma_wait3A_948 = arith.constant 0 : i32
        %dma_wait3A_949 = arith.constant 0 : i32
        %dma_wait3A_950 = tpu.memref_slice %arg3[%dma_wait3A_947, %dma_wait3A_948, %dma_wait3A_949] : memref<16x2048x2048xf32, #tpu.memory_space<hbm>> -> memref<1x8x1280xf32, #tpu.memory_space<hbm>>
        %dma_wait3A_951 = tpu.memref_squeeze %dma_wait3A_950 : memref<1x8x1280xf32, #tpu.memory_space<hbm>> -> memref<8x1280xf32, #tpu.memory_space<hbm>>
        %dma_wait3A_952 = arith.constant 0 : i32
        %dma_wait3A_953 = arith.constant 0 : i32
        %dma_wait3A_954 = tpu.memref_slice %arg3[%dma_wait3A_947, %dma_wait3A_952, %dma_wait3A_953] : memref<16x2048x2048xf32, #tpu.memory_space<hbm>> -> memref<1x8x1280xf32, #tpu.memory_space<hbm>>
        %dma_wait3A_955 = tpu.memref_squeeze %dma_wait3A_954 : memref<1x8x1280xf32, #tpu.memory_space<hbm>> -> memref<8x1280xf32, #tpu.memory_space<hbm>>
        tpu.wait_dma2 semaphore(%arg9 : memref<!tpu.dma_semaphore, #tpu.memory_space<semaphore_mem>>) src(%arg5 : memref<8x1280xf32, #tpu.memory_space<vmem>>) dst(%dma_wait3A_955 : memref<8x1280xf32, #tpu.memory_space<hbm>>)
      } else {
      }
      %while3A = arith.constant 0 : i32
      %while3A_881 = arith.constant 0 : i32
      %while3A_882 = arith.subi %min3A, %while3A_881 : i32
      %while3A_883 = arith.addi %while3A_881, %while3A_882 : i32
      %while3A_884 = arith.constant 1 : i32
      %while3A_885 = arith.divsi %while3A_882, %while3A_884 : i32
      %while3A_886 = arith.muli %while3A_885, %while3A_884 : i32
      %while3A_887 = arith.addi %while3A_881, %while3A_886 : i32
      %while3A_888 = arith.constant 1 : i32
      scf.for %while3A_947 = %while3A_881 to %while3A_887 step %while3A_888  : i32 {
        %mul3A_948 = arith.constant 128 : i32
        %mul3A_949 = arith.muli %mul3A_948, %while3A_947 : i32
        %multiple_of3A_950 = tpu.assume_multiple %mul3A_949, 128 : i32
        %dma_start3A = tpu.memref_slice %arg3[%arg1, %multiple_of3A_878, %multiple_of3A_950] : memref<16x2048x2048xf32, #tpu.memory_space<hbm>> -> memref<1x8x128xf32, #tpu.memory_space<hbm>>
        %dma_start3A_951 = tpu.memref_squeeze %dma_start3A : memref<1x8x128xf32, #tpu.memory_space<hbm>> -> memref<8x128xf32, #tpu.memory_space<hbm>>
        %dma_start3A_952 = tpu.memref_slice %arg3[%arg1, %multiple_of3A_878, %multiple_of3A_950] : memref<16x2048x2048xf32, #tpu.memory_space<hbm>> -> memref<1x8x128xf32, #tpu.memory_space<hbm>>
        %dma_start3A_953 = tpu.memref_squeeze %dma_start3A_952 : memref<1x8x128xf32, #tpu.memory_space<hbm>> -> memref<8x128xf32, #tpu.memory_space<hbm>>
        tpu.enqueue_dma source(%arg7 : memref<8x128xf32, #tpu.memory_space<vmem>>) target(%dma_start3A_953 : memref<8x128xf32, #tpu.memory_space<hbm>>) target_semaphore(%arg10 : memref<!tpu.dma_semaphore, #tpu.memory_space<semaphore_mem>>)
      }
      %while3A_889 = arith.constant 1 : i32
      scf.for %while3A_947 = %while3A_887 to %while3A_883 step %while3A_889  : i32 {
        %mul3A_948 = arith.constant 128 : i32
        %mul3A_949 = arith.muli %mul3A_948, %while3A_947 : i32
        %multiple_of3A_950 = tpu.assume_multiple %mul3A_949, 128 : i32
        %dma_start3A = tpu.memref_slice %arg3[%arg1, %multiple_of3A_878, %multiple_of3A_950] : memref<16x2048x2048xf32, #tpu.memory_space<hbm>> -> memref<1x8x128xf32, #tpu.memory_space<hbm>>
        %dma_start3A_951 = tpu.memref_squeeze %dma_start3A : memref<1x8x128xf32, #tpu.memory_space<hbm>> -> memref<8x128xf32, #tpu.memory_space<hbm>>
        %dma_start3A_952 = tpu.memref_slice %arg3[%arg1, %multiple_of3A_878, %multiple_of3A_950] : memref<16x2048x2048xf32, #tpu.memory_space<hbm>> -> memref<1x8x128xf32, #tpu.memory_space<hbm>>
        %dma_start3A_953 = tpu.memref_squeeze %dma_start3A_952 : memref<1x8x128xf32, #tpu.memory_space<hbm>> -> memref<8x128xf32, #tpu.memory_space<hbm>>
        tpu.enqueue_dma source(%arg7 : memref<8x128xf32, #tpu.memory_space<vmem>>) target(%dma_start3A_953 : memref<8x128xf32, #tpu.memory_space<hbm>>) target_semaphore(%arg10 : memref<!tpu.dma_semaphore, #tpu.memory_space<semaphore_mem>>)
      }
      %jit3A_890 = arith.constant 2 : i32
      %eq3A = arith.constant 0 : i32
      %eq3A_891 = arith.cmpi eq, %jit3A_890, %eq3A : i32
      %jit3A_892 = arith.constant 1 : i32
      %select_n3A_893 = arith.select %eq3A_891, %jit3A_892, %jit3A_890 : i32
      %rem3A_894 = arith.remsi %scan3A_851, %select_n3A_893 : i32
      %ne3A_895 = arith.constant 0 : i32
      %ne3A_896 = arith.cmpi ne, %rem3A_894, %ne3A_895 : i32
      %lt3A = arith.constant 0 : i32
      %lt3A_897 = arith.cmpi slt, %rem3A_894, %lt3A : i32
      %lt3A_898 = arith.constant 0 : i32
      %lt3A_899 = arith.cmpi slt, %select_n3A_893, %lt3A_898 : i32
      %ne3A_900 = arith.xori %lt3A_897, %lt3A_899 : i1
      %and3A_901 = arith.andi %ne3A_900, %ne3A_896 : i1
      %add3A_902 = arith.addi %rem3A_894, %select_n3A_893 : i32
      %select_n3A_903 = arith.select %and3A_901, %add3A_902, %rem3A_894 : i32
      %eq3A_904 = arith.constant 0 : i32
      %eq3A_905 = arith.cmpi eq, %select_n3A_903, %eq3A_904 : i32
      %convert_element_type3A_906 = arith.extui %eq3A_905 : i1 to i32
      %cond3A_907 = arith.constant 0 : i32
      %cond3A_908 = arith.cmpi ne, %convert_element_type3A_906, %cond3A_907 : i32
      scf.if %cond3A_908 {
        %add3A_947 = arith.addi %sub3A_854, %multiple_of3A : i32
        %parallel_loop3A = arith.constant 0 : i32
        %parallel_loop3A_948 = arith.constant 80 : i32
        %parallel_loop3A_949 = arith.constant 1 : i32
        scf.for %parallel_loop3A_953 = %parallel_loop3A to %parallel_loop3A_948 step %parallel_loop3A_949  : i32 {
          %parallel_loop3A_954 = arith.constant 16 : i32
          %parallel_loop3A_955 = arith.muli %parallel_loop3A_954, %parallel_loop3A_953 : i32
          %parallel_loop3A_956 = arith.constant 0 : i32
          %parallel_loop3A_957 = arith.subi %add3A_947, %parallel_loop3A_956 : i32
          %parallel_loop3A_958 = arith.addi %parallel_loop3A_957, %parallel_loop3A_955 : i32
          %parallel_loop3A_959 = arith.index_cast %parallel_loop3A_958 : i32 to index
          %parallel_loop3A_960 = tpu.vector_load %arg4[%parallel_loop3A_959] {strides = array<i32>} : memref<4104xf32, #tpu.memory_space<vmem>>, vector<16xf32>,
          %parallel_loop3A_961 = vector.shape_cast %parallel_loop3A_960 : vector<16xf32> to vector<16xf32>
          %parallel_loop3A_962 = arith.constant 0 : i32
          %parallel_loop3A_963 = arith.index_cast %parallel_loop3A_962 : i32 to index
          %parallel_loop3A_964 = arith.index_cast %parallel_loop3A_955 : i32 to index
          %parallel_loop3A_965 = tpu.vector_load %arg5[%parallel_loop3A_963, %parallel_loop3A_964] {strides = array<i32>} : memref<8x1280xf32, #tpu.memory_space<vmem>>, vector<1x16xf32>,
          %parallel_loop3A_966 = vector.shape_cast %parallel_loop3A_965 : vector<1x16xf32> to vector<16xf32>
          %parallel_loop3A_967 = vector.shape_cast %parallel_loop3A_961 : vector<16xf32> to vector<1x16xf32>
          tpu.vector_store %arg5[%parallel_loop3A_963, %parallel_loop3A_964], %parallel_loop3A_967 {strides = array<i32>} : memref<8x1280xf32, #tpu.memory_space<vmem>>, vector<1x16xf32>,
          %parallel_loop3A_968 = arith.constant 1 : i32
          %parallel_loop3A_969 = arith.subi %add3A_947, %parallel_loop3A_968 : i32
          %parallel_loop3A_970 = arith.addi %parallel_loop3A_969, %parallel_loop3A_955 : i32
          %parallel_loop3A_971 = arith.index_cast %parallel_loop3A_970 : i32 to index
          %parallel_loop3A_972 = tpu.vector_load %arg4[%parallel_loop3A_971] {strides = array<i32>} : memref<4104xf32, #tpu.memory_space<vmem>>, vector<16xf32>,
          %parallel_loop3A_973 = vector.shape_cast %parallel_loop3A_972 : vector<16xf32> to vector<16xf32>
          %parallel_loop3A_974 = arith.constant 1 : i32
          %parallel_loop3A_975 = arith.index_cast %parallel_loop3A_974 : i32 to index
          %parallel_loop3A_976 = arith.index_cast %parallel_loop3A_955 : i32 to index
          %parallel_loop3A_977 = tpu.vector_load %arg5[%parallel_loop3A_975, %parallel_loop3A_976] {strides = array<i32>} : memref<8x1280xf32, #tpu.memory_space<vmem>>, vector<1x16xf32>,
          %parallel_loop3A_978 = vector.shape_cast %parallel_loop3A_977 : vector<1x16xf32> to vector<16xf32>
          %parallel_loop3A_979 = vector.shape_cast %parallel_loop3A_973 : vector<16xf32> to vector<1x16xf32>
          tpu.vector_store %arg5[%parallel_loop3A_975, %parallel_loop3A_976], %parallel_loop3A_979 {strides = array<i32>} : memref<8x1280xf32, #tpu.memory_space<vmem>>, vector<1x16xf32>,
          %parallel_loop3A_980 = arith.constant 2 : i32
          %parallel_loop3A_981 = arith.subi %add3A_947, %parallel_loop3A_980 : i32
          %parallel_loop3A_982 = arith.addi %parallel_loop3A_981, %parallel_loop3A_955 : i32
          %parallel_loop3A_983 = arith.index_cast %parallel_loop3A_982 : i32 to index
          %parallel_loop3A_984 = tpu.vector_load %arg4[%parallel_loop3A_983] {strides = array<i32>} : memref<4104xf32, #tpu.memory_space<vmem>>, vector<16xf32>,
          %parallel_loop3A_985 = vector.shape_cast %parallel_loop3A_984 : vector<16xf32> to vector<16xf32>
          %parallel_loop3A_986 = arith.constant 2 : i32
          %parallel_loop3A_987 = arith.index_cast %parallel_loop3A_986 : i32 to index
          %parallel_loop3A_988 = arith.index_cast %parallel_loop3A_955 : i32 to index
          %parallel_loop3A_989 = tpu.vector_load %arg5[%parallel_loop3A_987, %parallel_loop3A_988] {strides = array<i32>} : memref<8x1280xf32, #tpu.memory_space<vmem>>, vector<1x16xf32>,
          %parallel_loop3A_990 = vector.shape_cast %parallel_loop3A_989 : vector<1x16xf32> to vector<16xf32>
          %parallel_loop3A_991 = vector.shape_cast %parallel_loop3A_985 : vector<16xf32> to vector<1x16xf32>
          tpu.vector_store %arg5[%parallel_loop3A_987, %parallel_loop3A_988], %parallel_loop3A_991 {strides = array<i32>} : memref<8x1280xf32, #tpu.memory_space<vmem>>, vector<1x16xf32>,
          %parallel_loop3A_992 = arith.constant 3 : i32
          %parallel_loop3A_993 = arith.subi %add3A_947, %parallel_loop3A_992 : i32
          %parallel_loop3A_994 = arith.addi %parallel_loop3A_993, %parallel_loop3A_955 : i32
          %parallel_loop3A_995 = arith.index_cast %parallel_loop3A_994 : i32 to index
          %parallel_loop3A_996 = tpu.vector_load %arg4[%parallel_loop3A_995] {strides = array<i32>} : memref<4104xf32, #tpu.memory_space<vmem>>, vector<16xf32>,
          %parallel_loop3A_997 = vector.shape_cast %parallel_loop3A_996 : vector<16xf32> to vector<16xf32>
          %parallel_loop3A_998 = arith.constant 3 : i32
          %parallel_loop3A_999 = arith.index_cast %parallel_loop3A_998 : i32 to index
          %parallel_loop3A_1000 = arith.index_cast %parallel_loop3A_955 : i32 to index
          %parallel_loop3A_1001 = tpu.vector_load %arg5[%parallel_loop3A_999, %parallel_loop3A_1000] {strides = array<i32>} : memref<8x1280xf32, #tpu.memory_space<vmem>>, vector<1x16xf32>,
          %parallel_loop3A_1002 = vector.shape_cast %parallel_loop3A_1001 : vector<1x16xf32> to vector<16xf32>
          %parallel_loop3A_1003 = vector.shape_cast %parallel_loop3A_997 : vector<16xf32> to vector<1x16xf32>
          tpu.vector_store %arg5[%parallel_loop3A_999, %parallel_loop3A_1000], %parallel_loop3A_1003 {strides = array<i32>} : memref<8x1280xf32, #tpu.memory_space<vmem>>, vector<1x16xf32>,
          %parallel_loop3A_1004 = arith.constant 4 : i32
          %parallel_loop3A_1005 = arith.subi %add3A_947, %parallel_loop3A_1004 : i32
          %parallel_loop3A_1006 = arith.addi %parallel_loop3A_1005, %parallel_loop3A_955 : i32
          %parallel_loop3A_1007 = arith.index_cast %parallel_loop3A_1006 : i32 to index
          %parallel_loop3A_1008 = tpu.vector_load %arg4[%parallel_loop3A_1007] {strides = array<i32>} : memref<4104xf32, #tpu.memory_space<vmem>>, vector<16xf32>,
          %parallel_loop3A_1009 = vector.shape_cast %parallel_loop3A_1008 : vector<16xf32> to vector<16xf32>
          %parallel_loop3A_1010 = arith.constant 4 : i32
          %parallel_loop3A_1011 = arith.index_cast %parallel_loop3A_1010 : i32 to index
          %parallel_loop3A_1012 = arith.index_cast %parallel_loop3A_955 : i32 to index
          %parallel_loop3A_1013 = tpu.vector_load %arg5[%parallel_loop3A_1011, %parallel_loop3A_1012] {strides = array<i32>} : memref<8x1280xf32, #tpu.memory_space<vmem>>, vector<1x16xf32>,
          %parallel_loop3A_1014 = vector.shape_cast %parallel_loop3A_1013 : vector<1x16xf32> to vector<16xf32>
          %parallel_loop3A_1015 = vector.shape_cast %parallel_loop3A_1009 : vector<16xf32> to vector<1x16xf32>
          tpu.vector_store %arg5[%parallel_loop3A_1011, %parallel_loop3A_1012], %parallel_loop3A_1015 {strides = array<i32>} : memref<8x1280xf32, #tpu.memory_space<vmem>>, vector<1x16xf32>,
          %parallel_loop3A_1016 = arith.constant 5 : i32
          %parallel_loop3A_1017 = arith.subi %add3A_947, %parallel_loop3A_1016 : i32
          %parallel_loop3A_1018 = arith.addi %parallel_loop3A_1017, %parallel_loop3A_955 : i32
          %parallel_loop3A_1019 = arith.index_cast %parallel_loop3A_1018 : i32 to index
          %parallel_loop3A_1020 = tpu.vector_load %arg4[%parallel_loop3A_1019] {strides = array<i32>} : memref<4104xf32, #tpu.memory_space<vmem>>, vector<16xf32>,
          %parallel_loop3A_1021 = vector.shape_cast %parallel_loop3A_1020 : vector<16xf32> to vector<16xf32>
          %parallel_loop3A_1022 = arith.constant 5 : i32
          %parallel_loop3A_1023 = arith.index_cast %parallel_loop3A_1022 : i32 to index
          %parallel_loop3A_1024 = arith.index_cast %parallel_loop3A_955 : i32 to index
          %parallel_loop3A_1025 = tpu.vector_load %arg5[%parallel_loop3A_1023, %parallel_loop3A_1024] {strides = array<i32>} : memref<8x1280xf32, #tpu.memory_space<vmem>>, vector<1x16xf32>,
          %parallel_loop3A_1026 = vector.shape_cast %parallel_loop3A_1025 : vector<1x16xf32> to vector<16xf32>
          %parallel_loop3A_1027 = vector.shape_cast %parallel_loop3A_1021 : vector<16xf32> to vector<1x16xf32>
          tpu.vector_store %arg5[%parallel_loop3A_1023, %parallel_loop3A_1024], %parallel_loop3A_1027 {strides = array<i32>} : memref<8x1280xf32, #tpu.memory_space<vmem>>, vector<1x16xf32>,
          %parallel_loop3A_1028 = arith.constant 6 : i32
          %parallel_loop3A_1029 = arith.subi %add3A_947, %parallel_loop3A_1028 : i32
          %parallel_loop3A_1030 = arith.addi %parallel_loop3A_1029, %parallel_loop3A_955 : i32
          %parallel_loop3A_1031 = arith.index_cast %parallel_loop3A_1030 : i32 to index
          %parallel_loop3A_1032 = tpu.vector_load %arg4[%parallel_loop3A_1031] {strides = array<i32>} : memref<4104xf32, #tpu.memory_space<vmem>>, vector<16xf32>,
          %parallel_loop3A_1033 = vector.shape_cast %parallel_loop3A_1032 : vector<16xf32> to vector<16xf32>
          %parallel_loop3A_1034 = arith.constant 6 : i32
          %parallel_loop3A_1035 = arith.index_cast %parallel_loop3A_1034 : i32 to index
          %parallel_loop3A_1036 = arith.index_cast %parallel_loop3A_955 : i32 to index
          %parallel_loop3A_1037 = tpu.vector_load %arg5[%parallel_loop3A_1035, %parallel_loop3A_1036] {strides = array<i32>} : memref<8x1280xf32, #tpu.memory_space<vmem>>, vector<1x16xf32>,
          %parallel_loop3A_1038 = vector.shape_cast %parallel_loop3A_1037 : vector<1x16xf32> to vector<16xf32>
          %parallel_loop3A_1039 = vector.shape_cast %parallel_loop3A_1033 : vector<16xf32> to vector<1x16xf32>
          tpu.vector_store %arg5[%parallel_loop3A_1035, %parallel_loop3A_1036], %parallel_loop3A_1039 {strides = array<i32>} : memref<8x1280xf32, #tpu.memory_space<vmem>>, vector<1x16xf32>,
          %parallel_loop3A_1040 = arith.constant 7 : i32
          %parallel_loop3A_1041 = arith.subi %add3A_947, %parallel_loop3A_1040 : i32
          %parallel_loop3A_1042 = arith.addi %parallel_loop3A_1041, %parallel_loop3A_955 : i32
          %parallel_loop3A_1043 = arith.index_cast %parallel_loop3A_1042 : i32 to index
          %parallel_loop3A_1044 = tpu.vector_load %arg4[%parallel_loop3A_1043] {strides = array<i32>} : memref<4104xf32, #tpu.memory_space<vmem>>, vector<16xf32>,
          %parallel_loop3A_1045 = vector.shape_cast %parallel_loop3A_1044 : vector<16xf32> to vector<16xf32>
          %parallel_loop3A_1046 = arith.constant 7 : i32
          %parallel_loop3A_1047 = arith.index_cast %parallel_loop3A_1046 : i32 to index
          %parallel_loop3A_1048 = arith.index_cast %parallel_loop3A_955 : i32 to index
          %parallel_loop3A_1049 = tpu.vector_load %arg5[%parallel_loop3A_1047, %parallel_loop3A_1048] {strides = array<i32>} : memref<8x1280xf32, #tpu.memory_space<vmem>>, vector<1x16xf32>,
          %parallel_loop3A_1050 = vector.shape_cast %parallel_loop3A_1049 : vector<1x16xf32> to vector<16xf32>
          %parallel_loop3A_1051 = vector.shape_cast %parallel_loop3A_1045 : vector<16xf32> to vector<1x16xf32>
          tpu.vector_store %arg5[%parallel_loop3A_1047, %parallel_loop3A_1048], %parallel_loop3A_1051 {strides = array<i32>} : memref<8x1280xf32, #tpu.memory_space<vmem>>, vector<1x16xf32>,
        } {sc.loop_unroll_factor = 4 : i64, sc.parallel_access}
        %dma_start3A = tpu.memref_slice %arg3[%arg1, %multiple_of3A_878, %multiple_of3A] : memref<16x2048x2048xf32, #tpu.memory_space<hbm>> -> memref<1x8x1280xf32, #tpu.memory_space<hbm>>
        %dma_start3A_950 = tpu.memref_squeeze %dma_start3A : memref<1x8x1280xf32, #tpu.memory_space<hbm>> -> memref<8x1280xf32, #tpu.memory_space<hbm>>
        %dma_start3A_951 = tpu.memref_slice %arg3[%arg1, %multiple_of3A_878, %multiple_of3A] : memref<16x2048x2048xf32, #tpu.memory_space<hbm>> -> memref<1x8x1280xf32, #tpu.memory_space<hbm>>
        %dma_start3A_952 = tpu.memref_squeeze %dma_start3A_951 : memref<1x8x1280xf32, #tpu.memory_space<hbm>> -> memref<8x1280xf32, #tpu.memory_space<hbm>>
        tpu.enqueue_dma source(%arg5 : memref<8x1280xf32, #tpu.memory_space<vmem>>) target(%dma_start3A_952 : memref<8x1280xf32, #tpu.memory_space<hbm>>) target_semaphore(%arg9 : memref<!tpu.dma_semaphore, #tpu.memory_space<semaphore_mem>>)
      } else {
      }
      %jit3A_909 = arith.constant 2 : i32
      %eq3A_910 = arith.constant 0 : i32
      %eq3A_911 = arith.cmpi eq, %jit3A_909, %eq3A_910 : i32
      %jit3A_912 = arith.constant 1 : i32
      %select_n3A_913 = arith.select %eq3A_911, %jit3A_912, %jit3A_909 : i32
      %rem3A_914 = arith.remsi %scan3A_851, %select_n3A_913 : i32
      %ne3A_915 = arith.constant 0 : i32
      %ne3A_916 = arith.cmpi ne, %rem3A_914, %ne3A_915 : i32
      %lt3A_917 = arith.constant 0 : i32
      %lt3A_918 = arith.cmpi slt, %rem3A_914, %lt3A_917 : i32
      %lt3A_919 = arith.constant 0 : i32
      %lt3A_920 = arith.cmpi slt, %select_n3A_913, %lt3A_919 : i32
      %ne3A_921 = arith.xori %lt3A_918, %lt3A_920 : i1
      %and3A_922 = arith.andi %ne3A_921, %ne3A_916 : i1
      %add3A_923 = arith.addi %rem3A_914, %select_n3A_913 : i32
      %select_n3A_924 = arith.select %and3A_922, %add3A_923, %rem3A_914 : i32
      %eq3A_925 = arith.constant 1 : i32
      %eq3A_926 = arith.cmpi eq, %select_n3A_924, %eq3A_925 : i32
      %convert_element_type3A_927 = arith.extui %eq3A_926 : i1 to i32
      %cond3A_928 = arith.constant 0 : i32
      %cond3A_929 = arith.cmpi ne, %convert_element_type3A_927, %cond3A_928 : i32
      scf.if %cond3A_929 {
        %add3A_947 = arith.addi %sub3A_854, %multiple_of3A : i32
        %parallel_loop3A = arith.constant 0 : i32
        %parallel_loop3A_948 = arith.constant 80 : i32
        %parallel_loop3A_949 = arith.constant 1 : i32
        scf.for %parallel_loop3A_953 = %parallel_loop3A to %parallel_loop3A_948 step %parallel_loop3A_949  : i32 {
          %parallel_loop3A_954 = arith.constant 16 : i32
          %parallel_loop3A_955 = arith.muli %parallel_loop3A_954, %parallel_loop3A_953 : i32
          %parallel_loop3A_956 = arith.constant 0 : i32
          %parallel_loop3A_957 = arith.subi %add3A_947, %parallel_loop3A_956 : i32
          %parallel_loop3A_958 = arith.addi %parallel_loop3A_957, %parallel_loop3A_955 : i32
          %parallel_loop3A_959 = arith.index_cast %parallel_loop3A_958 : i32 to index
          %parallel_loop3A_960 = tpu.vector_load %arg4[%parallel_loop3A_959] {strides = array<i32>} : memref<4104xf32, #tpu.memory_space<vmem>>, vector<16xf32>,
          %parallel_loop3A_961 = vector.shape_cast %parallel_loop3A_960 : vector<16xf32> to vector<16xf32>
          %parallel_loop3A_962 = arith.constant 0 : i32
          %parallel_loop3A_963 = arith.index_cast %parallel_loop3A_962 : i32 to index
          %parallel_loop3A_964 = arith.index_cast %parallel_loop3A_955 : i32 to index
          %parallel_loop3A_965 = tpu.vector_load %arg6[%parallel_loop3A_963, %parallel_loop3A_964] {strides = array<i32>} : memref<8x1280xf32, #tpu.memory_space<vmem>>, vector<1x16xf32>,
          %parallel_loop3A_966 = vector.shape_cast %parallel_loop3A_965 : vector<1x16xf32> to vector<16xf32>
          %parallel_loop3A_967 = vector.shape_cast %parallel_loop3A_961 : vector<16xf32> to vector<1x16xf32>
          tpu.vector_store %arg6[%parallel_loop3A_963, %parallel_loop3A_964], %parallel_loop3A_967 {strides = array<i32>} : memref<8x1280xf32, #tpu.memory_space<vmem>>, vector<1x16xf32>,
          %parallel_loop3A_968 = arith.constant 1 : i32
          %parallel_loop3A_969 = arith.subi %add3A_947, %parallel_loop3A_968 : i32
          %parallel_loop3A_970 = arith.addi %parallel_loop3A_969, %parallel_loop3A_955 : i32
          %parallel_loop3A_971 = arith.index_cast %parallel_loop3A_970 : i32 to index
          %parallel_loop3A_972 = tpu.vector_load %arg4[%parallel_loop3A_971] {strides = array<i32>} : memref<4104xf32, #tpu.memory_space<vmem>>, vector<16xf32>,
          %parallel_loop3A_973 = vector.shape_cast %parallel_loop3A_972 : vector<16xf32> to vector<16xf32>
          %parallel_loop3A_974 = arith.constant 1 : i32
          %parallel_loop3A_975 = arith.index_cast %parallel_loop3A_974 : i32 to index
          %parallel_loop3A_976 = arith.index_cast %parallel_loop3A_955 : i32 to index
          %parallel_loop3A_977 = tpu.vector_load %arg6[%parallel_loop3A_975, %parallel_loop3A_976] {strides = array<i32>} : memref<8x1280xf32, #tpu.memory_space<vmem>>, vector<1x16xf32>,
          %parallel_loop3A_978 = vector.shape_cast %parallel_loop3A_977 : vector<1x16xf32> to vector<16xf32>
          %parallel_loop3A_979 = vector.shape_cast %parallel_loop3A_973 : vector<16xf32> to vector<1x16xf32>
          tpu.vector_store %arg6[%parallel_loop3A_975, %parallel_loop3A_976], %parallel_loop3A_979 {strides = array<i32>} : memref<8x1280xf32, #tpu.memory_space<vmem>>, vector<1x16xf32>,
          %parallel_loop3A_980 = arith.constant 2 : i32
          %parallel_loop3A_981 = arith.subi %add3A_947, %parallel_loop3A_980 : i32
          %parallel_loop3A_982 = arith.addi %parallel_loop3A_981, %parallel_loop3A_955 : i32
          %parallel_loop3A_983 = arith.index_cast %parallel_loop3A_982 : i32 to index
          %parallel_loop3A_984 = tpu.vector_load %arg4[%parallel_loop3A_983] {strides = array<i32>} : memref<4104xf32, #tpu.memory_space<vmem>>, vector<16xf32>,
          %parallel_loop3A_985 = vector.shape_cast %parallel_loop3A_984 : vector<16xf32> to vector<16xf32>
          %parallel_loop3A_986 = arith.constant 2 : i32
          %parallel_loop3A_987 = arith.index_cast %parallel_loop3A_986 : i32 to index
          %parallel_loop3A_988 = arith.index_cast %parallel_loop3A_955 : i32 to index
          %parallel_loop3A_989 = tpu.vector_load %arg6[%parallel_loop3A_987, %parallel_loop3A_988] {strides = array<i32>} : memref<8x1280xf32, #tpu.memory_space<vmem>>, vector<1x16xf32>,
          %parallel_loop3A_990 = vector.shape_cast %parallel_loop3A_989 : vector<1x16xf32> to vector<16xf32>
          %parallel_loop3A_991 = vector.shape_cast %parallel_loop3A_985 : vector<16xf32> to vector<1x16xf32>
          tpu.vector_store %arg6[%parallel_loop3A_987, %parallel_loop3A_988], %parallel_loop3A_991 {strides = array<i32>} : memref<8x1280xf32, #tpu.memory_space<vmem>>, vector<1x16xf32>,
          %parallel_loop3A_992 = arith.constant 3 : i32
          %parallel_loop3A_993 = arith.subi %add3A_947, %parallel_loop3A_992 : i32
          %parallel_loop3A_994 = arith.addi %parallel_loop3A_993, %parallel_loop3A_955 : i32
          %parallel_loop3A_995 = arith.index_cast %parallel_loop3A_994 : i32 to index
          %parallel_loop3A_996 = tpu.vector_load %arg4[%parallel_loop3A_995] {strides = array<i32>} : memref<4104xf32, #tpu.memory_space<vmem>>, vector<16xf32>,
          %parallel_loop3A_997 = vector.shape_cast %parallel_loop3A_996 : vector<16xf32> to vector<16xf32>
          %parallel_loop3A_998 = arith.constant 3 : i32
          %parallel_loop3A_999 = arith.index_cast %parallel_loop3A_998 : i32 to index
          %parallel_loop3A_1000 = arith.index_cast %parallel_loop3A_955 : i32 to index
          %parallel_loop3A_1001 = tpu.vector_load %arg6[%parallel_loop3A_999, %parallel_loop3A_1000] {strides = array<i32>} : memref<8x1280xf32, #tpu.memory_space<vmem>>, vector<1x16xf32>,
          %parallel_loop3A_1002 = vector.shape_cast %parallel_loop3A_1001 : vector<1x16xf32> to vector<16xf32>
          %parallel_loop3A_1003 = vector.shape_cast %parallel_loop3A_997 : vector<16xf32> to vector<1x16xf32>
          tpu.vector_store %arg6[%parallel_loop3A_999, %parallel_loop3A_1000], %parallel_loop3A_1003 {strides = array<i32>} : memref<8x1280xf32, #tpu.memory_space<vmem>>, vector<1x16xf32>,
          %parallel_loop3A_1004 = arith.constant 4 : i32
          %parallel_loop3A_1005 = arith.subi %add3A_947, %parallel_loop3A_1004 : i32
          %parallel_loop3A_1006 = arith.addi %parallel_loop3A_1005, %parallel_loop3A_955 : i32
          %parallel_loop3A_1007 = arith.index_cast %parallel_loop3A_1006 : i32 to index
          %parallel_loop3A_1008 = tpu.vector_load %arg4[%parallel_loop3A_1007] {strides = array<i32>} : memref<4104xf32, #tpu.memory_space<vmem>>, vector<16xf32>,
          %parallel_loop3A_1009 = vector.shape_cast %parallel_loop3A_1008 : vector<16xf32> to vector<16xf32>
          %parallel_loop3A_1010 = arith.constant 4 : i32
          %parallel_loop3A_1011 = arith.index_cast %parallel_loop3A_1010 : i32 to index
          %parallel_loop3A_1012 = arith.index_cast %parallel_loop3A_955 : i32 to index
          %parallel_loop3A_1013 = tpu.vector_load %arg6[%parallel_loop3A_1011, %parallel_loop3A_1012] {strides = array<i32>} : memref<8x1280xf32, #tpu.memory_space<vmem>>, vector<1x16xf32>,
          %parallel_loop3A_1014 = vector.shape_cast %parallel_loop3A_1013 : vector<1x16xf32> to vector<16xf32>
          %parallel_loop3A_1015 = vector.shape_cast %parallel_loop3A_1009 : vector<16xf32> to vector<1x16xf32>
          tpu.vector_store %arg6[%parallel_loop3A_1011, %parallel_loop3A_1012], %parallel_loop3A_1015 {strides = array<i32>} : memref<8x1280xf32, #tpu.memory_space<vmem>>, vector<1x16xf32>,
          %parallel_loop3A_1016 = arith.constant 5 : i32
          %parallel_loop3A_1017 = arith.subi %add3A_947, %parallel_loop3A_1016 : i32
          %parallel_loop3A_1018 = arith.addi %parallel_loop3A_1017, %parallel_loop3A_955 : i32
          %parallel_loop3A_1019 = arith.index_cast %parallel_loop3A_1018 : i32 to index
          %parallel_loop3A_1020 = tpu.vector_load %arg4[%parallel_loop3A_1019] {strides = array<i32>} : memref<4104xf32, #tpu.memory_space<vmem>>, vector<16xf32>,
          %parallel_loop3A_1021 = vector.shape_cast %parallel_loop3A_1020 : vector<16xf32> to vector<16xf32>
          %parallel_loop3A_1022 = arith.constant 5 : i32
          %parallel_loop3A_1023 = arith.index_cast %parallel_loop3A_1022 : i32 to index
          %parallel_loop3A_1024 = arith.index_cast %parallel_loop3A_955 : i32 to index
          %parallel_loop3A_1025 = tpu.vector_load %arg6[%parallel_loop3A_1023, %parallel_loop3A_1024] {strides = array<i32>} : memref<8x1280xf32, #tpu.memory_space<vmem>>, vector<1x16xf32>,
          %parallel_loop3A_1026 = vector.shape_cast %parallel_loop3A_1025 : vector<1x16xf32> to vector<16xf32>
          %parallel_loop3A_1027 = vector.shape_cast %parallel_loop3A_1021 : vector<16xf32> to vector<1x16xf32>
          tpu.vector_store %arg6[%parallel_loop3A_1023, %parallel_loop3A_1024], %parallel_loop3A_1027 {strides = array<i32>} : memref<8x1280xf32, #tpu.memory_space<vmem>>, vector<1x16xf32>,
          %parallel_loop3A_1028 = arith.constant 6 : i32
          %parallel_loop3A_1029 = arith.subi %add3A_947, %parallel_loop3A_1028 : i32
          %parallel_loop3A_1030 = arith.addi %parallel_loop3A_1029, %parallel_loop3A_955 : i32
          %parallel_loop3A_1031 = arith.index_cast %parallel_loop3A_1030 : i32 to index
          %parallel_loop3A_1032 = tpu.vector_load %arg4[%parallel_loop3A_1031] {strides = array<i32>} : memref<4104xf32, #tpu.memory_space<vmem>>, vector<16xf32>,
          %parallel_loop3A_1033 = vector.shape_cast %parallel_loop3A_1032 : vector<16xf32> to vector<16xf32>
          %parallel_loop3A_1034 = arith.constant 6 : i32
          %parallel_loop3A_1035 = arith.index_cast %parallel_loop3A_1034 : i32 to index
          %parallel_loop3A_1036 = arith.index_cast %parallel_loop3A_955 : i32 to index
          %parallel_loop3A_1037 = tpu.vector_load %arg6[%parallel_loop3A_1035, %parallel_loop3A_1036] {strides = array<i32>} : memref<8x1280xf32, #tpu.memory_space<vmem>>, vector<1x16xf32>,
          %parallel_loop3A_1038 = vector.shape_cast %parallel_loop3A_1037 : vector<1x16xf32> to vector<16xf32>
          %parallel_loop3A_1039 = vector.shape_cast %parallel_loop3A_1033 : vector<16xf32> to vector<1x16xf32>
          tpu.vector_store %arg6[%parallel_loop3A_1035, %parallel_loop3A_1036], %parallel_loop3A_1039 {strides = array<i32>} : memref<8x1280xf32, #tpu.memory_space<vmem>>, vector<1x16xf32>,
          %parallel_loop3A_1040 = arith.constant 7 : i32
          %parallel_loop3A_1041 = arith.subi %add3A_947, %parallel_loop3A_1040 : i32
          %parallel_loop3A_1042 = arith.addi %parallel_loop3A_1041, %parallel_loop3A_955 : i32
          %parallel_loop3A_1043 = arith.index_cast %parallel_loop3A_1042 : i32 to index
          %parallel_loop3A_1044 = tpu.vector_load %arg4[%parallel_loop3A_1043] {strides = array<i32>} : memref<4104xf32, #tpu.memory_space<vmem>>, vector<16xf32>,
          %parallel_loop3A_1045 = vector.shape_cast %parallel_loop3A_1044 : vector<16xf32> to vector<16xf32>
          %parallel_loop3A_1046 = arith.constant 7 : i32
          %parallel_loop3A_1047 = arith.index_cast %parallel_loop3A_1046 : i32 to index
          %parallel_loop3A_1048 = arith.index_cast %parallel_loop3A_955 : i32 to index
          %parallel_loop3A_1049 = tpu.vector_load %arg6[%parallel_loop3A_1047, %parallel_loop3A_1048] {strides = array<i32>} : memref<8x1280xf32, #tpu.memory_space<vmem>>, vector<1x16xf32>,
          %parallel_loop3A_1050 = vector.shape_cast %parallel_loop3A_1049 : vector<1x16xf32> to vector<16xf32>
          %parallel_loop3A_1051 = vector.shape_cast %parallel_loop3A_1045 : vector<16xf32> to vector<1x16xf32>
          tpu.vector_store %arg6[%parallel_loop3A_1047, %parallel_loop3A_1048], %parallel_loop3A_1051 {strides = array<i32>} : memref<8x1280xf32, #tpu.memory_space<vmem>>, vector<1x16xf32>,
        } {sc.loop_unroll_factor = 4 : i64, sc.parallel_access}
        %dma_start3A = tpu.memref_slice %arg3[%arg1, %multiple_of3A_878, %multiple_of3A] : memref<16x2048x2048xf32, #tpu.memory_space<hbm>> -> memref<1x8x1280xf32, #tpu.memory_space<hbm>>
        %dma_start3A_950 = tpu.memref_squeeze %dma_start3A : memref<1x8x1280xf32, #tpu.memory_space<hbm>> -> memref<8x1280xf32, #tpu.memory_space<hbm>>
        %dma_start3A_951 = tpu.memref_slice %arg3[%arg1, %multiple_of3A_878, %multiple_of3A] : memref<16x2048x2048xf32, #tpu.memory_space<hbm>> -> memref<1x8x1280xf32, #tpu.memory_space<hbm>>
        %dma_start3A_952 = tpu.memref_squeeze %dma_start3A_951 : memref<1x8x1280xf32, #tpu.memory_space<hbm>> -> memref<8x1280xf32, #tpu.memory_space<hbm>>
        tpu.enqueue_dma source(%arg6 : memref<8x1280xf32, #tpu.memory_space<vmem>>) target(%dma_start3A_952 : memref<8x1280xf32, #tpu.memory_space<hbm>>) target_semaphore(%arg9 : memref<!tpu.dma_semaphore, #tpu.memory_space<semaphore_mem>>)
      } else {
      }
      %add3A_930 = arith.constant 10 : i32
      %add3A_931 = arith.addi %min3A, %add3A_930 : i32
      %while3A_932 = arith.constant 0 : i32
      %while3A_933 = arith.constant 16 : i32
      %while3A_934 = arith.subi %while3A_933, %add3A_931 : i32
      %while3A_935 = arith.addi %add3A_931, %while3A_934 : i32
      %while3A_936 = arith.constant 1 : i32
      %while3A_937 = arith.divsi %while3A_934, %while3A_936 : i32
      %while3A_938 = arith.muli %while3A_937, %while3A_936 : i32
      %while3A_939 = arith.addi %add3A_931, %while3A_938 : i32
      %while3A_940 = arith.constant 1 : i32
      scf.for %while3A_947 = %add3A_931 to %while3A_939 step %while3A_940  : i32 {
        %mul3A_948 = arith.constant 128 : i32
        %mul3A_949 = arith.muli %mul3A_948, %while3A_947 : i32
        %multiple_of3A_950 = tpu.assume_multiple %mul3A_949, 128 : i32
        %dma_start3A = tpu.memref_slice %arg3[%arg1, %multiple_of3A_878, %multiple_of3A_950] : memref<16x2048x2048xf32, #tpu.memory_space<hbm>> -> memref<1x8x128xf32, #tpu.memory_space<hbm>>
        %dma_start3A_951 = tpu.memref_squeeze %dma_start3A : memref<1x8x128xf32, #tpu.memory_space<hbm>> -> memref<8x128xf32, #tpu.memory_space<hbm>>
        %dma_start3A_952 = tpu.memref_slice %arg3[%arg1, %multiple_of3A_878, %multiple_of3A_950] : memref<16x2048x2048xf32, #tpu.memory_space<hbm>> -> memref<1x8x128xf32, #tpu.memory_space<hbm>>
        %dma_start3A_953 = tpu.memref_squeeze %dma_start3A_952 : memref<1x8x128xf32, #tpu.memory_space<hbm>> -> memref<8x128xf32, #tpu.memory_space<hbm>>
        tpu.enqueue_dma source(%arg8 : memref<8x128xf32, #tpu.memory_space<vmem>>) target(%dma_start3A_953 : memref<8x128xf32, #tpu.memory_space<hbm>>) target_semaphore(%arg10 : memref<!tpu.dma_semaphore, #tpu.memory_space<semaphore_mem>>)
      }
      %while3A_941 = arith.constant 1 : i32
      scf.for %while3A_947 = %while3A_939 to %while3A_935 step %while3A_941  : i32 {
        %mul3A_948 = arith.constant 128 : i32
        %mul3A_949 = arith.muli %mul3A_948, %while3A_947 : i32
        %multiple_of3A_950 = tpu.assume_multiple %mul3A_949, 128 : i32
        %dma_start3A = tpu.memref_slice %arg3[%arg1, %multiple_of3A_878, %multiple_of3A_950] : memref<16x2048x2048xf32, #tpu.memory_space<hbm>> -> memref<1x8x128xf32, #tpu.memory_space<hbm>>
        %dma_start3A_951 = tpu.memref_squeeze %dma_start3A : memref<1x8x128xf32, #tpu.memory_space<hbm>> -> memref<8x128xf32, #tpu.memory_space<hbm>>
        %dma_start3A_952 = tpu.memref_slice %arg3[%arg1, %multiple_of3A_878, %multiple_of3A_950] : memref<16x2048x2048xf32, #tpu.memory_space<hbm>> -> memref<1x8x128xf32, #tpu.memory_space<hbm>>
        %dma_start3A_953 = tpu.memref_squeeze %dma_start3A_952 : memref<1x8x128xf32, #tpu.memory_space<hbm>> -> memref<8x128xf32, #tpu.memory_space<hbm>>
        tpu.enqueue_dma source(%arg8 : memref<8x128xf32, #tpu.memory_space<vmem>>) target(%dma_start3A_953 : memref<8x128xf32, #tpu.memory_space<hbm>>) target_semaphore(%arg10 : memref<!tpu.dma_semaphore, #tpu.memory_space<semaphore_mem>>)
      }
      %ge3A_942 = arith.constant 1 : i32
      %ge3A_943 = arith.cmpi sge, %scan3A_851, %ge3A_942 : i32
      %convert_element_type3A_944 = arith.extui %ge3A_943 : i1 to i32
      %cond3A_945 = arith.constant 0 : i32
      %cond3A_946 = arith.cmpi ne, %convert_element_type3A_944, %cond3A_945 : i32
      scf.if %cond3A_946 {
        %dma_wait3A_947 = arith.constant 0 : i32
        %dma_wait3A_948 = arith.constant 0 : i32
        %dma_wait3A_949 = arith.constant 0 : i32
        %dma_wait3A_950 = tpu.memref_slice %arg3[%dma_wait3A_947, %dma_wait3A_948, %dma_wait3A_949] : memref<16x2048x2048xf32, #tpu.memory_space<hbm>> -> memref<1x8x128xf32, #tpu.memory_space<hbm>>
        %dma_wait3A_951 = tpu.memref_squeeze %dma_wait3A_950 : memref<1x8x128xf32, #tpu.memory_space<hbm>> -> memref<8x128xf32, #tpu.memory_space<hbm>>
        %dma_wait3A_952 = arith.constant 0 : i32
        %dma_wait3A_953 = arith.constant 0 : i32
        %dma_wait3A_954 = tpu.memref_slice %arg3[%dma_wait3A_947, %dma_wait3A_952, %dma_wait3A_953] : memref<16x2048x2048xf32, #tpu.memory_space<hbm>> -> memref<1x8x128xf32, #tpu.memory_space<hbm>>
        %dma_wait3A_955 = tpu.memref_squeeze %dma_wait3A_954 : memref<1x8x128xf32, #tpu.memory_space<hbm>> -> memref<8x128xf32, #tpu.memory_space<hbm>>
        tpu.wait_dma2 semaphore(%arg10 : memref<!tpu.dma_semaphore, #tpu.memory_space<semaphore_mem>>) src(%arg7 : memref<8x128xf32, #tpu.memory_space<vmem>>) dst(%dma_wait3A_955 : memref<8x128xf32, #tpu.memory_space<hbm>>)
        %dma_wait3A_956 = arith.constant 0 : i32
        %dma_wait3A_957 = arith.constant 0 : i32
        %dma_wait3A_958 = arith.constant 0 : i32
        %dma_wait3A_959 = tpu.memref_slice %arg3[%dma_wait3A_956, %dma_wait3A_957, %dma_wait3A_958] : memref<16x2048x2048xf32, #tpu.memory_space<hbm>> -> memref<1x8x128xf32, #tpu.memory_space<hbm>>
        %dma_wait3A_960 = tpu.memref_squeeze %dma_wait3A_959 : memref<1x8x128xf32, #tpu.memory_space<hbm>> -> memref<8x128xf32, #tpu.memory_space<hbm>>
        %dma_wait3A_961 = arith.constant 0 : i32
        %dma_wait3A_962 = arith.constant 0 : i32
        %dma_wait3A_963 = tpu.memref_slice %arg3[%dma_wait3A_956, %dma_wait3A_961, %dma_wait3A_962] : memref<16x2048x2048xf32, #tpu.memory_space<hbm>> -> memref<1x8x128xf32, #tpu.memory_space<hbm>>
        %dma_wait3A_964 = tpu.memref_squeeze %dma_wait3A_963 : memref<1x8x128xf32, #tpu.memory_space<hbm>> -> memref<8x128xf32, #tpu.memory_space<hbm>>
        tpu.wait_dma2 semaphore(%arg10 : memref<!tpu.dma_semaphore, #tpu.memory_space<semaphore_mem>>) src(%arg7 : memref<8x128xf32, #tpu.memory_space<vmem>>) dst(%dma_wait3A_964 : memref<8x128xf32, #tpu.memory_space<hbm>>)
        %dma_wait3A_965 = arith.constant 0 : i32
        %dma_wait3A_966 = arith.constant 0 : i32
        %dma_wait3A_967 = arith.constant 0 : i32
        %dma_wait3A_968 = tpu.memref_slice %arg3[%dma_wait3A_965, %dma_wait3A_966, %dma_wait3A_967] : memref<16x2048x2048xf32, #tpu.memory_space<hbm>> -> memref<1x8x128xf32, #tpu.memory_space<hbm>>
        %dma_wait3A_969 = tpu.memref_squeeze %dma_wait3A_968 : memref<1x8x128xf32, #tpu.memory_space<hbm>> -> memref<8x128xf32, #tpu.memory_space<hbm>>
        %dma_wait3A_970 = arith.constant 0 : i32
        %dma_wait3A_971 = arith.constant 0 : i32
        %dma_wait3A_972 = tpu.memref_slice %arg3[%dma_wait3A_965, %dma_wait3A_970, %dma_wait3A_971] : memref<16x2048x2048xf32, #tpu.memory_space<hbm>> -> memref<1x8x128xf32, #tpu.memory_space<hbm>>
        %dma_wait3A_973 = tpu.memref_squeeze %dma_wait3A_972 : memref<1x8x128xf32, #tpu.memory_space<hbm>> -> memref<8x128xf32, #tpu.memory_space<hbm>>
        tpu.wait_dma2 semaphore(%arg10 : memref<!tpu.dma_semaphore, #tpu.memory_space<semaphore_mem>>) src(%arg7 : memref<8x128xf32, #tpu.memory_space<vmem>>) dst(%dma_wait3A_973 : memref<8x128xf32, #tpu.memory_space<hbm>>)
        %dma_wait3A_974 = arith.constant 0 : i32
        %dma_wait3A_975 = arith.constant 0 : i32
        %dma_wait3A_976 = arith.constant 0 : i32
        %dma_wait3A_977 = tpu.memref_slice %arg3[%dma_wait3A_974, %dma_wait3A_975, %dma_wait3A_976] : memref<16x2048x2048xf32, #tpu.memory_space<hbm>> -> memref<1x8x128xf32, #tpu.memory_space<hbm>>
        %dma_wait3A_978 = tpu.memref_squeeze %dma_wait3A_977 : memref<1x8x128xf32, #tpu.memory_space<hbm>> -> memref<8x128xf32, #tpu.memory_space<hbm>>
        %dma_wait3A_979 = arith.constant 0 : i32
        %dma_wait3A_980 = arith.constant 0 : i32
        %dma_wait3A_981 = tpu.memref_slice %arg3[%dma_wait3A_974, %dma_wait3A_979, %dma_wait3A_980] : memref<16x2048x2048xf32, #tpu.memory_space<hbm>> -> memref<1x8x128xf32, #tpu.memory_space<hbm>>
        %dma_wait3A_982 = tpu.memref_squeeze %dma_wait3A_981 : memref<1x8x128xf32, #tpu.memory_space<hbm>> -> memref<8x128xf32, #tpu.memory_space<hbm>>
        tpu.wait_dma2 semaphore(%arg10 : memref<!tpu.dma_semaphore, #tpu.memory_space<semaphore_mem>>) src(%arg7 : memref<8x128xf32, #tpu.memory_space<vmem>>) dst(%dma_wait3A_982 : memref<8x128xf32, #tpu.memory_space<hbm>>)
        %dma_wait3A_983 = arith.constant 0 : i32
        %dma_wait3A_984 = arith.constant 0 : i32
        %dma_wait3A_985 = arith.constant 0 : i32
        %dma_wait3A_986 = tpu.memref_slice %arg3[%dma_wait3A_983, %dma_wait3A_984, %dma_wait3A_985] : memref<16x2048x2048xf32, #tpu.memory_space<hbm>> -> memref<1x8x128xf32, #tpu.memory_space<hbm>>
        %dma_wait3A_987 = tpu.memref_squeeze %dma_wait3A_986 : memref<1x8x128xf32, #tpu.memory_space<hbm>> -> memref<8x128xf32, #tpu.memory_space<hbm>>
        %dma_wait3A_988 = arith.constant 0 : i32
        %dma_wait3A_989 = arith.constant 0 : i32
        %dma_wait3A_990 = tpu.memref_slice %arg3[%dma_wait3A_983, %dma_wait3A_988, %dma_wait3A_989] : memref<16x2048x2048xf32, #tpu.memory_space<hbm>> -> memref<1x8x128xf32, #tpu.memory_space<hbm>>
        %dma_wait3A_991 = tpu.memref_squeeze %dma_wait3A_990 : memref<1x8x128xf32, #tpu.memory_space<hbm>> -> memref<8x128xf32, #tpu.memory_space<hbm>>
        tpu.wait_dma2 semaphore(%arg10 : memref<!tpu.dma_semaphore, #tpu.memory_space<semaphore_mem>>) src(%arg7 : memref<8x128xf32, #tpu.memory_space<vmem>>) dst(%dma_wait3A_991 : memref<8x128xf32, #tpu.memory_space<hbm>>)
        %dma_wait3A_992 = arith.constant 0 : i32
        %dma_wait3A_993 = arith.constant 0 : i32
        %dma_wait3A_994 = arith.constant 0 : i32
        %dma_wait3A_995 = tpu.memref_slice %arg3[%dma_wait3A_992, %dma_wait3A_993, %dma_wait3A_994] : memref<16x2048x2048xf32, #tpu.memory_space<hbm>> -> memref<1x8x128xf32, #tpu.memory_space<hbm>>
        %dma_wait3A_996 = tpu.memref_squeeze %dma_wait3A_995 : memref<1x8x128xf32, #tpu.memory_space<hbm>> -> memref<8x128xf32, #tpu.memory_space<hbm>>
        %dma_wait3A_997 = arith.constant 0 : i32
        %dma_wait3A_998 = arith.constant 0 : i32
        %dma_wait3A_999 = tpu.memref_slice %arg3[%dma_wait3A_992, %dma_wait3A_997, %dma_wait3A_998] : memref<16x2048x2048xf32, #tpu.memory_space<hbm>> -> memref<1x8x128xf32, #tpu.memory_space<hbm>>
        %dma_wait3A_1000 = tpu.memref_squeeze %dma_wait3A_999 : memref<1x8x128xf32, #tpu.memory_space<hbm>> -> memref<8x128xf32, #tpu.memory_space<hbm>>
        tpu.wait_dma2 semaphore(%arg10 : memref<!tpu.dma_semaphore, #tpu.memory_space<semaphore_mem>>) src(%arg7 : memref<8x128xf32, #tpu.memory_space<vmem>>) dst(%dma_wait3A_1000 : memref<8x128xf32, #tpu.memory_space<hbm>>)
      } else {
      }
    }
    %scan3A_779 = arith.constant 128 : i32
    %dma_wait3A = arith.constant 0 : i32
    %dma_wait3A_780 = arith.constant 0 : i32
    %dma_wait3A_781 = arith.constant 0 : i32
    %dma_wait3A_782 = tpu.memref_slice %arg3[%dma_wait3A, %dma_wait3A_780, %dma_wait3A_781] : memref<16x2048x2048xf32, #tpu.memory_space<hbm>> -> memref<1x8x1280xf32, #tpu.memory_space<hbm>>
    %dma_wait3A_783 = tpu.memref_squeeze %dma_wait3A_782 : memref<1x8x1280xf32, #tpu.memory_space<hbm>> -> memref<8x1280xf32, #tpu.memory_space<hbm>>
    %dma_wait3A_784 = arith.constant 0 : i32
    %dma_wait3A_785 = arith.constant 0 : i32
    %dma_wait3A_786 = tpu.memref_slice %arg3[%dma_wait3A, %dma_wait3A_784, %dma_wait3A_785] : memref<16x2048x2048xf32, #tpu.memory_space<hbm>> -> memref<1x8x1280xf32, #tpu.memory_space<hbm>>
    %dma_wait3A_787 = tpu.memref_squeeze %dma_wait3A_786 : memref<1x8x1280xf32, #tpu.memory_space<hbm>> -> memref<8x1280xf32, #tpu.memory_space<hbm>>
    tpu.wait_dma2 semaphore(%arg9 : memref<!tpu.dma_semaphore, #tpu.memory_space<semaphore_mem>>) src(%arg5 : memref<8x1280xf32, #tpu.memory_space<vmem>>) dst(%dma_wait3A_787 : memref<8x1280xf32, #tpu.memory_space<hbm>>)
    %dma_wait3A_788 = arith.constant 0 : i32
    %dma_wait3A_789 = arith.constant 0 : i32
    %dma_wait3A_790 = arith.constant 0 : i32
    %dma_wait3A_791 = tpu.memref_slice %arg3[%dma_wait3A_788, %dma_wait3A_789, %dma_wait3A_790] : memref<16x2048x2048xf32, #tpu.memory_space<hbm>> -> memref<1x8x1280xf32, #tpu.memory_space<hbm>>
    %dma_wait3A_792 = tpu.memref_squeeze %dma_wait3A_791 : memref<1x8x1280xf32, #tpu.memory_space<hbm>> -> memref<8x1280xf32, #tpu.memory_space<hbm>>
    %dma_wait3A_793 = arith.constant 0 : i32
    %dma_wait3A_794 = arith.constant 0 : i32
    %dma_wait3A_795 = tpu.memref_slice %arg3[%dma_wait3A_788, %dma_wait3A_793, %dma_wait3A_794] : memref<16x2048x2048xf32, #tpu.memory_space<hbm>> -> memref<1x8x1280xf32, #tpu.memory_space<hbm>>
    %dma_wait3A_796 = tpu.memref_squeeze %dma_wait3A_795 : memref<1x8x1280xf32, #tpu.memory_space<hbm>> -> memref<8x1280xf32, #tpu.memory_space<hbm>>
    tpu.wait_dma2 semaphore(%arg9 : memref<!tpu.dma_semaphore, #tpu.memory_space<semaphore_mem>>) src(%arg5 : memref<8x1280xf32, #tpu.memory_space<vmem>>) dst(%dma_wait3A_796 : memref<8x1280xf32, #tpu.memory_space<hbm>>)
    %dma_wait3A_797 = arith.constant 0 : i32
    %dma_wait3A_798 = arith.constant 0 : i32
    %dma_wait3A_799 = arith.constant 0 : i32
    %dma_wait3A_800 = tpu.memref_slice %arg3[%dma_wait3A_797, %dma_wait3A_798, %dma_wait3A_799] : memref<16x2048x2048xf32, #tpu.memory_space<hbm>> -> memref<1x8x128xf32, #tpu.memory_space<hbm>>
    %dma_wait3A_801 = tpu.memref_squeeze %dma_wait3A_800 : memref<1x8x128xf32, #tpu.memory_space<hbm>> -> memref<8x128xf32, #tpu.memory_space<hbm>>
    %dma_wait3A_802 = arith.constant 0 : i32
    %dma_wait3A_803 = arith.constant 0 : i32
    %dma_wait3A_804 = tpu.memref_slice %arg3[%dma_wait3A_797, %dma_wait3A_802, %dma_wait3A_803] : memref<16x2048x2048xf32, #tpu.memory_space<hbm>> -> memref<1x8x128xf32, #tpu.memory_space<hbm>>
    %dma_wait3A_805 = tpu.memref_squeeze %dma_wait3A_804 : memref<1x8x128xf32, #tpu.memory_space<hbm>> -> memref<8x128xf32, #tpu.memory_space<hbm>>
    tpu.wait_dma2 semaphore(%arg10 : memref<!tpu.dma_semaphore, #tpu.memory_space<semaphore_mem>>) src(%arg7 : memref<8x128xf32, #tpu.memory_space<vmem>>) dst(%dma_wait3A_805 : memref<8x128xf32, #tpu.memory_space<hbm>>)
    %dma_wait3A_806 = arith.constant 0 : i32
    %dma_wait3A_807 = arith.constant 0 : i32
    %dma_wait3A_808 = arith.constant 0 : i32
    %dma_wait3A_809 = tpu.memref_slice %arg3[%dma_wait3A_806, %dma_wait3A_807, %dma_wait3A_808] : memref<16x2048x2048xf32, #tpu.memory_space<hbm>> -> memref<1x8x128xf32, #tpu.memory_space<hbm>>
    %dma_wait3A_810 = tpu.memref_squeeze %dma_wait3A_809 : memref<1x8x128xf32, #tpu.memory_space<hbm>> -> memref<8x128xf32, #tpu.memory_space<hbm>>
    %dma_wait3A_811 = arith.constant 0 : i32
    %dma_wait3A_812 = arith.constant 0 : i32
    %dma_wait3A_813 = tpu.memref_slice %arg3[%dma_wait3A_806, %dma_wait3A_811, %dma_wait3A_812] : memref<16x2048x2048xf32, #tpu.memory_space<hbm>> -> memref<1x8x128xf32, #tpu.memory_space<hbm>>
    %dma_wait3A_814 = tpu.memref_squeeze %dma_wait3A_813 : memref<1x8x128xf32, #tpu.memory_space<hbm>> -> memref<8x128xf32, #tpu.memory_space<hbm>>
    tpu.wait_dma2 semaphore(%arg10 : memref<!tpu.dma_semaphore, #tpu.memory_space<semaphore_mem>>) src(%arg7 : memref<8x128xf32, #tpu.memory_space<vmem>>) dst(%dma_wait3A_814 : memref<8x128xf32, #tpu.memory_space<hbm>>)
    %dma_wait3A_815 = arith.constant 0 : i32
    %dma_wait3A_816 = arith.constant 0 : i32
    %dma_wait3A_817 = arith.constant 0 : i32
    %dma_wait3A_818 = tpu.memref_slice %arg3[%dma_wait3A_815, %dma_wait3A_816, %dma_wait3A_817] : memref<16x2048x2048xf32, #tpu.memory_space<hbm>> -> memref<1x8x128xf32, #tpu.memory_space<hbm>>
    %dma_wait3A_819 = tpu.memref_squeeze %dma_wait3A_818 : memref<1x8x128xf32, #tpu.memory_space<hbm>> -> memref<8x128xf32, #tpu.memory_space<hbm>>
    %dma_wait3A_820 = arith.constant 0 : i32
    %dma_wait3A_821 = arith.constant 0 : i32
    %dma_wait3A_822 = tpu.memref_slice %arg3[%dma_wait3A_815, %dma_wait3A_820, %dma_wait3A_821] : memref<16x2048x2048xf32, #tpu.memory_space<hbm>> -> memref<1x8x128xf32, #tpu.memory_space<hbm>>
    %dma_wait3A_823 = tpu.memref_squeeze %dma_wait3A_822 : memref<1x8x128xf32, #tpu.memory_space<hbm>> -> memref<8x128xf32, #tpu.memory_space<hbm>>
    tpu.wait_dma2 semaphore(%arg10 : memref<!tpu.dma_semaphore, #tpu.memory_space<semaphore_mem>>) src(%arg7 : memref<8x128xf32, #tpu.memory_space<vmem>>) dst(%dma_wait3A_823 : memref<8x128xf32, #tpu.memory_space<hbm>>)
    %dma_wait3A_824 = arith.constant 0 : i32
    %dma_wait3A_825 = arith.constant 0 : i32
    %dma_wait3A_826 = arith.constant 0 : i32
    %dma_wait3A_827 = tpu.memref_slice %arg3[%dma_wait3A_824, %dma_wait3A_825, %dma_wait3A_826] : memref<16x2048x2048xf32, #tpu.memory_space<hbm>> -> memref<1x8x128xf32, #tpu.memory_space<hbm>>
    %dma_wait3A_828 = tpu.memref_squeeze %dma_wait3A_827 : memref<1x8x128xf32, #tpu.memory_space<hbm>> -> memref<8x128xf32, #tpu.memory_space<hbm>>
    %dma_wait3A_829 = arith.constant 0 : i32
    %dma_wait3A_830 = arith.constant 0 : i32
    %dma_wait3A_831 = tpu.memref_slice %arg3[%dma_wait3A_824, %dma_wait3A_829, %dma_wait3A_830] : memref<16x2048x2048xf32, #tpu.memory_space<hbm>> -> memref<1x8x128xf32, #tpu.memory_space<hbm>>
    %dma_wait3A_832 = tpu.memref_squeeze %dma_wait3A_831 : memref<1x8x128xf32, #tpu.memory_space<hbm>> -> memref<8x128xf32, #tpu.memory_space<hbm>>
    tpu.wait_dma2 semaphore(%arg10 : memref<!tpu.dma_semaphore, #tpu.memory_space<semaphore_mem>>) src(%arg7 : memref<8x128xf32, #tpu.memory_space<vmem>>) dst(%dma_wait3A_832 : memref<8x128xf32, #tpu.memory_space<hbm>>)
    %dma_wait3A_833 = arith.constant 0 : i32
    %dma_wait3A_834 = arith.constant 0 : i32
    %dma_wait3A_835 = arith.constant 0 : i32
    %dma_wait3A_836 = tpu.memref_slice %arg3[%dma_wait3A_833, %dma_wait3A_834, %dma_wait3A_835] : memref<16x2048x2048xf32, #tpu.memory_space<hbm>> -> memref<1x8x128xf32, #tpu.memory_space<hbm>>
    %dma_wait3A_837 = tpu.memref_squeeze %dma_wait3A_836 : memref<1x8x128xf32, #tpu.memory_space<hbm>> -> memref<8x128xf32, #tpu.memory_space<hbm>>
    %dma_wait3A_838 = arith.constant 0 : i32
    %dma_wait3A_839 = arith.constant 0 : i32
    %dma_wait3A_840 = tpu.memref_slice %arg3[%dma_wait3A_833, %dma_wait3A_838, %dma_wait3A_839] : memref<16x2048x2048xf32, #tpu.memory_space<hbm>> -> memref<1x8x128xf32, #tpu.memory_space<hbm>>
    %dma_wait3A_841 = tpu.memref_squeeze %dma_wait3A_840 : memref<1x8x128xf32, #tpu.memory_space<hbm>> -> memref<8x128xf32, #tpu.memory_space<hbm>>
    tpu.wait_dma2 semaphore(%arg10 : memref<!tpu.dma_semaphore, #tpu.memory_space<semaphore_mem>>) src(%arg7 : memref<8x128xf32, #tpu.memory_space<vmem>>) dst(%dma_wait3A_841 : memref<8x128xf32, #tpu.memory_space<hbm>>)
    %dma_wait3A_842 = arith.constant 0 : i32
    %dma_wait3A_843 = arith.constant 0 : i32
    %dma_wait3A_844 = arith.constant 0 : i32
    %dma_wait3A_845 = tpu.memref_slice %arg3[%dma_wait3A_842, %dma_wait3A_843, %dma_wait3A_844] : memref<16x2048x2048xf32, #tpu.memory_space<hbm>> -> memref<1x8x128xf32, #tpu.memory_space<hbm>>
    %dma_wait3A_846 = tpu.memref_squeeze %dma_wait3A_845 : memref<1x8x128xf32, #tpu.memory_space<hbm>> -> memref<8x128xf32, #tpu.memory_space<hbm>>
    %dma_wait3A_847 = arith.constant 0 : i32
    %dma_wait3A_848 = arith.constant 0 : i32
    %dma_wait3A_849 = tpu.memref_slice %arg3[%dma_wait3A_842, %dma_wait3A_847, %dma_wait3A_848] : memref<16x2048x2048xf32, #tpu.memory_space<hbm>> -> memref<1x8x128xf32, #tpu.memory_space<hbm>>
    %dma_wait3A_850 = tpu.memref_squeeze %dma_wait3A_849 : memref<1x8x128xf32, #tpu.memory_space<hbm>> -> memref<8x128xf32, #tpu.memory_space<hbm>>
    tpu.wait_dma2 semaphore(%arg10 : memref<!tpu.dma_semaphore, #tpu.memory_space<semaphore_mem>>) src(%arg7 : memref<8x128xf32, #tpu.memory_space<vmem>>) dst(%dma_wait3A_850 : memref<8x128xf32, #tpu.memory_space<hbm>>)
    return
  }
}

</mosaic_0001>

<sc_bundles>
// kernel: kernel.3.cloned.1.call-start
scs
__scs_entry_jumppad:
0x0: {  	(pc) =	sbr.rel $0x88, $3  }
0x1: {  	(tag) =	ssettag $0x0;
	lr =	simm.s32 $0x1  }
0x2: {  	[smem:$0x3FA0] =	sst lr;
	_ =	strace $0xD0000000  }
0x3: {  	_ = 	snop  }
0x4: {  	_ = 	snop  }
0x5: {  	_ = 	snop  }
0x6: {  	_ = 	snop  }
0x7: {  	_ = 	snop  }
__scs_overlays_trampoline_lowered:
0x8: {  	[smem:$0x3FAF] =	sst s0  }
0x9: {  	[smem:$0x3FB0] =	sst s1  }
0xa: {  	[smem:$0x3FB1] =	sst s2  }
0xb: {  	[smem:$0x3FB2] =	sst s3  }
0xc: {  	[smem:$0x3FB3] =	sst s4  }
0xd: {  	[smem:$0x3FB4] =	sst s5  }
0xe: {  	[smem:$0x3FB5] =	sst s6  }
0xf: {  	[smem:$0x3FB6] =	sst s7  }
0x10: {  	[smem:$0x3FB7] =	sst s8  }
0x11: {  	[smem:$0x3FB8] =	sst s9;
	s0 =	simm.s32 @!p0 $0x0  }
0x12: {  	s1 =	sld [smem:$0x3F9E];
	s0 =	simm.s32 @p0 $0x1  }
0x13: {  	[smem:$0x3FB9] =	sst s0;
	s0 =	simm.s32 @!p1 $0x0  }
0x14: {  	s2 =	sld [smem:$0x3F9D];
	s0 =	simm.s32 @p1 $0x1  }
0x15: {  	[smem:$0x3FBA] =	sst s0;
	s0 =	simm.s32 @!p2 $0x0  }
0x16: {  	s3 =	sld [smem:$0x3FDB];
	s0 =	simm.s32 @p2 $0x1  }
0x17: {  	s4 =	simm.s32 $0x1BF5;
	[smem:$0x3FBC] =	sst s0  }
0x18: {  	s0 =	sld [smem:$0x3F9F];
	_ =	swait.ge [sflag:s4], $0x0  }
0x19: {  	s7 =	sld [smem:$0x3FA0]  }
0x1a: {  	s8 =	sadd.s32 $0xFFFFE003, lr  }
0x1b: {  	s9 =	sadd.s32 $0xFFFFFEF7, lr;
	s5 =	simm.s32 $0xFFFFFFFF;
	p2 =	slt.u32 s8, $0xFFFFF086  }
0x1c: {  	p1 =	slt.u32 s9, $0xF7A;
	s5 =	simm.s32 @!p2 $0x0  }
0x1d: {  	s5 =	simm.s32 @p1 $0x1;
	p0 =	seq.s32 s7, s2  }
0x1e: {  	s7 =	smul.u32 @!p0 $0xF7A, s2;
	p2 =	seq.s32 @!p0 s5, $0x0  }
0x1f: {  	s9 =	smul.u32 $0xF7A, s1;
	s8 =	simm.s32 @!p0 $0x1BF5;
	p2 =	por !p2, p0  }
0x20: {  	[sflag:s8] =	ssyncset.s32 @!p0 $0xFFFFF086;
	s6 =	sadd.s32 @!p0 s3, s7;
	s7 =	simm.s32 @!p0 $0x108  }
0x21: {  	s3 =	sadd.s32 s3, s9;
	s6 =	sadd.s32 @!p0 $0x88, s6;
	s7 =	simm.s32 @p2 $0x1082  }
0x22: {  	[simem:s7], [sflag:s8] =	dma.local @!p0 [hbm:s6], $0xF7A  }
0x23: {  	s9 =	sor.u32 $0xD0000000, s2;
	s6 =	simm.s32 $0x108;
	_ =	swait.ge @!p0 [sflag:s8], $0x0  }
0x24: {  	s3 =	sadd.s32 $0x88, s3;
	s6 =	simm.s32 @!p1 $0x1082;
	[sflag:s4] =	ssyncset.s32 $0xFFFFF086  }
0x25: {  	[simem:s6], [sflag:s4] =	dma.local [hbm:s3], $0xF7A  }
0x26: {  	[smem:$0x3FA0] =	sst s1;
	(tag) =	ssettag s2;
	_ =	strace s9  }
0x27: {  	s1 =	sld [smem:$0x3FB0]  }
0x28: {  	s2 =	sld [smem:$0x3FB1]  }
0x29: {  	s4 =	sld [smem:$0x3FB3]  }
0x2a: {  	p0 =	seq.s32 s5, $0x0;
	s5 =	sld [smem:$0x3FB4]  }
0x2b: {  	s6 =	sld [smem:$0x3FB5]  }
0x2c: {  	s7 =	sld [smem:$0x3FB6]  }
0x2d: {  	s3 =	simm.s32 $0x108;
	s8 =	sld [smem:$0x3FB7]  }
0x2e: {  	s3 =	simm.s32 @!p0 $0x1082;
	s9 =	sld [smem:$0x3FB8]  }
0x2f: {  	lr =	sadd.s32 s0, s3;
	s0 =	sld [smem:$0x3FAF]  }
0x30: {  	s3 =	sld [smem:$0x3FB2]  }
0x31: {  	[smem:$0x3FBB] =	sst s10  }
0x32: {  	s10 =	sld [smem:$0x3FB9];
	_ =	sdelay $0x3  }
0x33: {  	p0 =	seq.s32 s10, $0x1;
	s10 =	sld [smem:$0x3FBB];
	_ =	sdelay $0x3  }
0x34: {  	[smem:$0x3FBB] =	sst s10  }
0x35: {  	s10 =	sld [smem:$0x3FBA];
	_ =	sdelay $0x3  }
0x36: {  	p1 =	seq.s32 s10, $0x1;
	s10 =	sld [smem:$0x3FBB];
	_ =	sdelay $0x3  }
0x37: {  	[smem:$0x3FBB] =	sst s10  }
0x38: {  	s10 =	sld [smem:$0x3FBC]  }
0x39: {  	_ = 	snop;
	(pc) =	sbr.ind lr, $3  }
0x3a: {  	_ = 	snop  }
0x3b: {  	_ = 	snop  }
0x3c: {  	p2 =	seq.s32 s10, $0x1;
	s10 =	sld [smem:$0x3FBB]  }
0x3d: {  	_ =	shalt  }
0x3e: {  	_ =	shalt  }
0x3f: {  	_ =	shalt  }
0x40: {  	_ =	shalt  }
0x41: {  	_ =	shalt  }
0x42: {  	_ =	shalt  }
0x43: {  	_ =	shalt  }
0x44: {  	_ =	shalt  }
0x45: {  	_ =	shalt  }
0x46: {  	_ =	shalt  }
0x47: {  	_ =	shalt  }
0x48: {  	_ =	shalt  }
0x49: {  	_ =	shalt  }
0x4a: {  	_ =	shalt  }
0x4b: {  	_ =	shalt  }
0x4c: {  	_ =	shalt  }
0x4d: {  	_ =	shalt  }
0x4e: {  	_ =	shalt  }
0x4f: {  	_ =	shalt  }
0x50: {  	_ =	shalt  }
0x51: {  	_ =	shalt  }
0x52: {  	_ =	shalt  }
0x53: {  	_ =	shalt  }
0x54: {  	_ =	shalt  }
0x55: {  	_ =	shalt  }
0x56: {  	_ =	shalt  }
0x57: {  	_ =	shalt  }
0x58: {  	_ =	shalt  }
0x59: {  	_ =	shalt  }
0x5a: {  	_ =	shalt  }
0x5b: {  	_ =	shalt  }
0x5c: {  	_ =	shalt  }
0x5d: {  	_ =	shalt  }
0x5e: {  	_ =	shalt  }
0x5f: {  	_ =	shalt  }
0x60: {  	_ =	shalt  }
0x61: {  	_ =	shalt  }
0x62: {  	_ =	shalt  }
0x63: {  	_ =	shalt  }
0x64: {  	_ =	shalt  }
0x65: {  	_ =	shalt  }
0x66: {  	_ =	shalt  }
0x67: {  	_ =	shalt  }
0x68: {  	_ =	shalt  }
0x69: {  	_ =	shalt  }
0x6a: {  	_ =	shalt  }
0x6b: {  	_ =	shalt  }
0x6c: {  	_ =	shalt  }
0x6d: {  	_ =	shalt  }
0x6e: {  	_ =	shalt  }
0x6f: {  	_ =	shalt  }
0x70: {  	_ =	shalt  }
0x71: {  	_ =	shalt  }
0x72: {  	_ =	shalt  }
0x73: {  	_ =	shalt  }
0x74: {  	_ =	shalt  }
0x75: {  	_ =	shalt  }
0x76: {  	_ =	shalt  }
0x77: {  	_ =	shalt  }
0x78: {  	_ =	shalt  }
0x79: {  	_ =	shalt  }
0x7a: {  	_ =	shalt  }
0x7b: {  	_ =	shalt  }
0x7c: {  	_ =	shalt  }
0x7d: {  	_ =	shalt  }
0x7e: {  	_ =	shalt  }
0x7f: {  	_ =	shalt  }
0x80: {  	_ =	shalt  }
0x81: {  	_ =	shalt  }
0x82: {  	_ =	shalt  }
0x83: {  	_ =	shalt  }
0x84: {  	_ =	shalt  }
0x85: {  	_ =	shalt  }
0x86: {  	_ =	shalt  }
0x87: {  	_ =	shalt  }
.Lfunc_end0:
.L_simem_size_0:
called_computation_lowered:
.L_overlay_start_0:
0x88: {  	s2 =	sld [smem:$0x3FD9]  }
0x89: {  	s3 =	sld [smem:$0x3FFE];
	_ =	sdelay $0x1  }
0x8a: {  	s1 =	srdreg.scid  }
0x8b: {  	s0 =	sand.u32 $0x1, s1  }
0x8c: {  	s17 =	sshll.u32 s0, $0xA;
	s2 =	sadd.s32 s3, s2  }
0x8d: {  	s2 =	sadd.s32 s2, s17  }
0x8e: {  	[smem:$0x3FC7] =	sst s2  }
0x8f: {  	_ = 	snop  }
0x90: {  	s2 =	sld [smem:$0x3FD0];
	(tm) =	ssettm $0x1  }
0x91: {  	s18 =	sld [smem:$0x3FFB];
	_ =	sdelay $0x3  }
0x92: {  	_ =	strace s18  }
0x93: {  	s3 =	sld [smem:$0x3FFC];
	_ =	sdelay $0x3  }
0x94: {  	_ =	strace s3  }
0x95: {  	s3 =	sld [smem:$0x3FFD];
	_ =	sdelay $0x3  }
0x96: {  	_ =	strace s3  }
0x97: {  	_ =	strace $0x8FFFFFFF  }
0x98: {  	s19 =	sld [smem:$0x3FDB];
	_ =	sdelay $0x1  }
0x99: {  	s4 =	simm.s32 $_scs_section_size  }
0x9a: {  	s5 =	simm.s32 $_size__tile_overlayer_lowered;
	s6 =	simm.s32 $_tile_overlayer_lowered  }
0x9b: {  	s22 =	simm.s32 $0x1BFF;
	s21 =	sshll.u32 s6, $0x1;
	s3 =	sadd.s32 s4, s19  }
0x9c: {  	s7 =	simm.s32 $0x0;
	s20 =	sshll.u32 s5, $0x1;
	s5 =	sadd.s32 s21, s3  }
0x9d: {  	[timem:s7], [sflag:s22] =	dma.local [hbm:s5], s20  }
0x9e: {  	_ =	swait.ge [sflag:s22], s20  }
0x9f: {  	s4 =	ssub.s32 $0x0, s20;
	[sflag:s22] =	ssyncset.done $0x0  }
0xa0: {  	[sflag:s22] =	ssyncadd.s32 s4;
	_ =	sdelay $0x1  }
0xa1: {  	s23 =	simm.s32 $0x1B8B  }
0xa2: {  	_ =	swait.ge [sflag:s23], $0x1  }
0xa3: {  	[sflag:s23] =	ssyncset.done $0x0  }
0xa4: {  	s25 =	simm.s32 $0x1B8E;
	s24 =	sld [smem:$0x3FFE];
	[sflag:s23] =	ssyncadd.s32 $0xFFFFFFFF  }
0xa5: {  	s26 =	simm.s32 $execute0_lowered;
	[smem:$0x3FD2] =	sst s25  }
0xa6: {  	s5 =	sshll.u32 s26, $0x1;
	_ =	strace $0x80000046;
	[dreg:$0x1] =	wrdreg $0xFFFFFFFF  }
0xa7: {  	s28 =	simm.s32 $_size_execute0_lowered;
	s3 =	sadd.s32 s3, s5;
	[dreg:$0x0] =	wrdreg $0x0  }
0xa8: {  	s5 =	sshll.u32 s28, $0x1;
	[dreg:$0x2] =	wrdreg s3  }
0xa9: {  	[dreg:$0x3] =	wrdreg s5  }
0xaa: {  	[dreg:$0x4] =	wrdreg $0xC0  }
0xab: {  	_ =	task [dreg:s7], $0x5FFFF  }
0xac: {  	[dreg:$0x1] =	wrdreg $0xFFFFFFFF  }
0xad: {  	[dreg:$0x0] =	wrdreg $0x60  }
0xae: {  	[dreg:$0x2] =	wrdreg s24  }
0xaf: {  	[dreg:$0x3] =	wrdreg s2  }
0xb0: {  	[dreg:$0x4] =	wrdreg $0x9  }
0xb1: {  	_ =	task.clear_ibuf [dreg:s7], $0x5FFFF;
	_ =	strace $0x90000046  }
0xb2: {  	s29 =	simm.s32 $0x9;
	_ =	strace $0x80000048  }
0xb3: {  	_ =	swait.ge [sflag:s29], $0x1  }
0xb4: {  	[sflag:s29] =	ssyncadd.s32 $0xFFFFFFFF  }
0xb5: {  	_ =	strace $0x90000048  }
0xb6: {  	_ =	sfence  }
0xb7: {  	s30 =	sld [smem:$0x0];
	_ =	sdelay $0x2  }
0xb8: {  	s31 =	sshll.u32 s1, $0xD;
	s1 =	sshrl.u32 s1, $0x2  }
0xb9: {  	s3 =	sand.u32 $0x4000, s31;
	s1 =	sadd.s32 s1, s30  }
0xba: {  	s0 =	sor.u32 s3, s0;
	s1 =	sshll.u32 s1, $0x11  }
0xbb: {  	s0 =	sor.u32 s1, s0  }
0xbc: {  	s0 =	sadd.s32 $0x8F2B, s0  }
0xbd: {  	[sflag:s0] =	ssyncadd.remote.s32 $0x1  }
0xbe: {  	_ =	sfence.sel $0xFFFF  }
0xbf: {  	[dreg:$0x0] =	wrdreg $0xFFFFFFFF;
	(pc) =	sbr.abs _section_cstart, $3  }
0xc0: {  	[dreg:$0x1] =	wrdreg $0xFFFFFFFF  }
0xc1: {  	_ =	task.clear_ibuf [dreg:s7], $0x2FFFF;
	_ =	strace $0x9FFFFFFF  }
0xc2: {  	(tm) =	ssettm $0x7FFFFFFF  }
0xc3: {  	_ =	shalt  }
tec
execute0_lowered:
.L_overlay_start_1:
0x0: {  	(tag) =	ssettag $0x1  }
0x1: {  	s0 =	rddreg [dreg:$0x0]  }
0x2: {  	s5 =	rddreg [dreg:$0x1];
	s1 =	srdreg.scid;
	s7 =	simm.s32 $0x0  }
0x3: {  	s6 =	stileid.u32;
	s1 =	sand.u32 $0x1, s1;
	[smem:$0x7FF] =	sst s7  }
0x4: {  	s4 =	smul.u32 $0x201, s6;
	s24 =	sshll.u32 s6, $0x16;
	s25 =	sshll.u32 s6, $0x13  }
0x5: {  	s2 =	ssub.s32 $0x2, s1;
	_ =	strace $0x80000047;
	s23 =	sshll.u32 s1, $0xA  }
0x6: {  	s26 =	sadd.s32 s5, s25;
	s28 =	sshll.u32 s1, $0xC;
	s29 =	sshll.u32 s1, $0x15  }
0x7: {  	s1 =	sshll.u32 s1, $0x12;
	s3 =	sshrl.u32 s2, $0x1;
	[dreg:$0xb] =	wrdreg s23  }
0x8: {  	s0 =	sadd.s32 s0, s4;
	[dreg:$0xd] =	wrdreg s26;
	s2 =	ssub.s32 s2, s3  }
.Ltmp0:
0x9: {  	[dreg:$0xc] =	wrdreg s0;
	s0 =	sor.u32 s29, s24;
	(pc) =	sbr.rel .LBB2_1-.Ltmp0, $4  }
0xa: {  	s31 =	sadd.s32 s1, s26;
	s2 =	smax.u32 s2, $0x1;
	[dreg:$0xf] =	wrdreg s0  }
0xb: {  	s0 =	sadd.s32 $0x500, s31;
	[dreg:$0xe] =	wrdreg s2;
	s2 =	ssub.s32 $0x0, s28  }
0xc: {  	[dreg:$0x11] =	wrdreg s0;
	s30 =	sshra.s32 s2, $0x2  }
0xd: {  	s3 =	simm.s32 $0x6080;
	s2 =	simm.s32 $0x0;
	[dreg:$0x10] =	wrdreg s30  }
.LBB2_17:
0xe: {  	s0 =	simm.s32 $0x1  }
0xf: {  	_ =	swait.ge [sflag:s0], $0x2800  }
0x10: {  	[sflag:s0] =	ssyncset.done $0x0  }
0x11: {  	[sflag:s0] =	ssyncadd.s32 $0xFFFFD800  }
0x12: {  	_ =	swait.ge [sflag:s0], $0x2800  }
0x13: {  	[sflag:s0] =	ssyncset.done $0x0  }
0x14: {  	s1 =	simm.s32 $0x2;
	[sflag:s0] =	ssyncadd.s32 $0xFFFFD800  }
0x15: {  	_ =	swait.ge [sflag:s1], $0x400  }
0x16: {  	[sflag:s1] =	ssyncset.done $0x0  }
0x17: {  	[sflag:s1] =	ssyncadd.s32 $0xFFFFFC00  }
0x18: {  	_ =	swait.ge [sflag:s1], $0x400  }
0x19: {  	[sflag:s1] =	ssyncset.done $0x0  }
0x1a: {  	[sflag:s1] =	ssyncadd.s32 $0xFFFFFC00  }
0x1b: {  	_ =	swait.ge [sflag:s1], $0x400  }
0x1c: {  	[sflag:s1] =	ssyncset.done $0x0  }
0x1d: {  	[sflag:s1] =	ssyncadd.s32 $0xFFFFFC00  }
0x1e: {  	_ =	swait.ge [sflag:s1], $0x400  }
0x1f: {  	[sflag:s1] =	ssyncset.done $0x0  }
0x20: {  	[sflag:s1] =	ssyncadd.s32 $0xFFFFFC00  }
0x21: {  	_ =	swait.ge [sflag:s1], $0x400  }
0x22: {  	[sflag:s1] =	ssyncset.done $0x0  }
0x23: {  	[sflag:s1] =	ssyncadd.s32 $0xFFFFFC00  }
0x24: {  	_ =	swait.ge [sflag:s1], $0x400  }
0x25: {  	s2 =	rddreg [dreg:$0x12]  }
0x26: {  	s31 =	rddreg [dreg:$0xe];
	s2 =	sadd.s32 $0x1, s2  }
0x27: {  	p0 =	sne.s32 s2, s31  }
.Ltmp1:
0x28: {  	_ = 	snop;
	(pc) =	sbr.rel @!p0 .LBB2_18-.Ltmp1, $3  }
0x29: {  	_ =	sdelay $0x1  }
0x2a: {  	[sflag:s1] =	ssyncset.done $0x0  }
0x2b: {  	[sflag:s1] =	ssyncadd.s32 $0xFFFFFC00  }
.LBB2_1:
0x2c: {  	[dreg:$0x12] =	wrdreg s2  }
0x2d: {  	s0 =	rddreg [dreg:$0xc];
	s31 =	simm.s32 $0x3  }
0x2e: {  	[tilespmem:s7], [sflag:$0x3] =	stream.linear.gather [hbm4b:s0+s7], $0x1008, $0x38;
	[tilespmem:$0x6880] =	vst v63  }
0x2f: {  	_ =	swait.ge [sflag:s31], $0x1008  }
0x30: {  	[sflag:s31] =	ssyncset.done $0x0  }
0x31: {  	[sflag:s31] =	ssyncadd.s32 $0xFFFFEFF8  }
0x32: {  	v0 =	vld [tilespmem:$0x0]  }
0x33: {  	v1 =	vld [tilespmem:$0xE00];
	_ =	sdelay $0x3  }
0x34: {  	[tilespmem:$0x6080] =	vst v0  }
0x35: {  	[tilespmem:$0x6480] =	vst v1  }
0x36: {  	[tilespmem:$0x6090] =	vst v0  }
0x37: {  	[tilespmem:$0x6490] =	vst v1  }
0x38: {  	[tilespmem:$0x60A0] =	vst v0  }
0x39: {  	[tilespmem:$0x64A0] =	vst v1  }
0x3a: {  	[tilespmem:$0x60B0] =	vst v0  }
0x3b: {  	[tilespmem:$0x64B0] =	vst v1  }
0x3c: {  	[tilespmem:$0x60C0] =	vst v0  }
0x3d: {  	[tilespmem:$0x64C0] =	vst v1  }
0x3e: {  	[tilespmem:$0x60D0] =	vst v0  }
0x3f: {  	[tilespmem:$0x64D0] =	vst v1  }
0x40: {  	[tilespmem:$0x60E0] =	vst v0  }
0x41: {  	[tilespmem:$0x64E0] =	vst v1  }
0x42: {  	[tilespmem:$0x60F0] =	vst v0  }
0x43: {  	[tilespmem:$0x64F0] =	vst v1  }
0x44: {  	[tilespmem:$0x6100] =	vst v0  }
0x45: {  	[tilespmem:$0x6500] =	vst v1  }
0x46: {  	[tilespmem:$0x6110] =	vst v0  }
0x47: {  	[tilespmem:$0x6510] =	vst v1  }
0x48: {  	[tilespmem:$0x6120] =	vst v0  }
0x49: {  	[tilespmem:$0x6520] =	vst v1  }
0x4a: {  	[tilespmem:$0x6130] =	vst v0  }
0x4b: {  	[tilespmem:$0x6530] =	vst v1  }
0x4c: {  	[tilespmem:$0x6140] =	vst v0  }
0x4d: {  	[tilespmem:$0x6540] =	vst v1  }
0x4e: {  	[tilespmem:$0x6150] =	vst v0  }
0x4f: {  	[tilespmem:$0x6550] =	vst v1  }
0x50: {  	[tilespmem:$0x6160] =	vst v0  }
0x51: {  	[tilespmem:$0x6560] =	vst v1  }
0x52: {  	[tilespmem:$0x6170] =	vst v0  }
0x53: {  	[tilespmem:$0x6570] =	vst v1  }
0x54: {  	[tilespmem:$0x6180] =	vst v0  }
0x55: {  	[tilespmem:$0x6580] =	vst v1  }
0x56: {  	[tilespmem:$0x6190] =	vst v0  }
0x57: {  	[tilespmem:$0x6590] =	vst v1  }
0x58: {  	[tilespmem:$0x61A0] =	vst v0  }
0x59: {  	[tilespmem:$0x65A0] =	vst v1  }
0x5a: {  	[tilespmem:$0x61B0] =	vst v0  }
0x5b: {  	[tilespmem:$0x65B0] =	vst v1  }
0x5c: {  	[tilespmem:$0x61C0] =	vst v0  }
0x5d: {  	[tilespmem:$0x65C0] =	vst v1  }
0x5e: {  	[tilespmem:$0x61D0] =	vst v0  }
0x5f: {  	[tilespmem:$0x65D0] =	vst v1  }
0x60: {  	[tilespmem:$0x61E0] =	vst v0  }
0x61: {  	[tilespmem:$0x65E0] =	vst v1  }
0x62: {  	[tilespmem:$0x61F0] =	vst v0  }
0x63: {  	[tilespmem:$0x65F0] =	vst v1  }
0x64: {  	[tilespmem:$0x6200] =	vst v0  }
0x65: {  	[tilespmem:$0x6600] =	vst v1  }
0x66: {  	[tilespmem:$0x6210] =	vst v0  }
0x67: {  	[tilespmem:$0x6610] =	vst v1  }
0x68: {  	[tilespmem:$0x6220] =	vst v0  }
0x69: {  	[tilespmem:$0x6620] =	vst v1  }
0x6a: {  	[tilespmem:$0x6230] =	vst v0  }
0x6b: {  	[tilespmem:$0x6630] =	vst v1  }
0x6c: {  	[tilespmem:$0x6240] =	vst v0  }
0x6d: {  	[tilespmem:$0x6640] =	vst v1  }
0x6e: {  	[tilespmem:$0x6250] =	vst v0  }
0x6f: {  	[tilespmem:$0x6650] =	vst v1  }
0x70: {  	[tilespmem:$0x6260] =	vst v0  }
0x71: {  	[tilespmem:$0x6660] =	vst v1  }
0x72: {  	[tilespmem:$0x6270] =	vst v0  }
0x73: {  	[tilespmem:$0x6670] =	vst v1  }
0x74: {  	[tilespmem:$0x6280] =	vst v0  }
0x75: {  	[tilespmem:$0x6680] =	vst v1  }
0x76: {  	[tilespmem:$0x6290] =	vst v0  }
0x77: {  	[tilespmem:$0x6690] =	vst v1  }
0x78: {  	[tilespmem:$0x62A0] =	vst v0  }
0x79: {  	[tilespmem:$0x66A0] =	vst v1  }
0x7a: {  	[tilespmem:$0x62B0] =	vst v0  }
0x7b: {  	[tilespmem:$0x66B0] =	vst v1  }
0x7c: {  	[tilespmem:$0x62C0] =	vst v0  }
0x7d: {  	[tilespmem:$0x66C0] =	vst v1  }
0x7e: {  	[tilespmem:$0x62D0] =	vst v0  }
0x7f: {  	[tilespmem:$0x66D0] =	vst v1  }
0x80: {  	[tilespmem:$0x62E0] =	vst v0  }
0x81: {  	[tilespmem:$0x66E0] =	vst v1  }
0x82: {  	[tilespmem:$0x62F0] =	vst v0  }
0x83: {  	[tilespmem:$0x66F0] =	vst v1  }
0x84: {  	[tilespmem:$0x6300] =	vst v0  }
0x85: {  	[tilespmem:$0x6700] =	vst v1  }
0x86: {  	[tilespmem:$0x6310] =	vst v0  }
0x87: {  	[tilespmem:$0x6710] =	vst v1  }
0x88: {  	[tilespmem:$0x6320] =	vst v0  }
0x89: {  	[tilespmem:$0x6720] =	vst v1  }
0x8a: {  	[tilespmem:$0x6330] =	vst v0  }
0x8b: {  	[tilespmem:$0x6730] =	vst v1  }
0x8c: {  	[tilespmem:$0x6340] =	vst v0  }
0x8d: {  	[tilespmem:$0x6740] =	vst v1  }
0x8e: {  	[tilespmem:$0x6350] =	vst v0  }
0x8f: {  	[tilespmem:$0x6750] =	vst v1  }
0x90: {  	[tilespmem:$0x6360] =	vst v0  }
0x91: {  	[tilespmem:$0x6760] =	vst v1  }
0x92: {  	[tilespmem:$0x6370] =	vst v0  }
0x93: {  	[tilespmem:$0x6770] =	vst v1  }
0x94: {  	[tilespmem:$0x6380] =	vst v0  }
0x95: {  	[tilespmem:$0x6780] =	vst v1  }
0x96: {  	[tilespmem:$0x6390] =	vst v0  }
0x97: {  	[tilespmem:$0x6790] =	vst v1  }
0x98: {  	[tilespmem:$0x63A0] =	vst v0  }
0x99: {  	[tilespmem:$0x67A0] =	vst v1  }
0x9a: {  	[tilespmem:$0x63B0] =	vst v0  }
0x9b: {  	[tilespmem:$0x67B0] =	vst v1  }
0x9c: {  	[tilespmem:$0x63C0] =	vst v0  }
0x9d: {  	[tilespmem:$0x67C0] =	vst v1  }
0x9e: {  	[tilespmem:$0x63D0] =	vst v0  }
0x9f: {  	[tilespmem:$0x67D0] =	vst v1  }
0xa0: {  	[tilespmem:$0x63E0] =	vst v0  }
0xa1: {  	[tilespmem:$0x67E0] =	vst v1  }
0xa2: {  	[tilespmem:$0x63F0] =	vst v0  }
0xa3: {  	[tilespmem:$0x67F0] =	vst v1  }
0xa4: {  	[tilespmem:$0x6400] =	vst v0  }
0xa5: {  	[tilespmem:$0x6800] =	vst v1  }
0xa6: {  	[tilespmem:$0x6410] =	vst v0  }
0xa7: {  	[tilespmem:$0x6810] =	vst v1  }
0xa8: {  	[tilespmem:$0x6420] =	vst v0  }
0xa9: {  	[tilespmem:$0x6820] =	vst v1  }
0xaa: {  	[tilespmem:$0x6430] =	vst v0  }
0xab: {  	[tilespmem:$0x6830] =	vst v1  }
0xac: {  	[tilespmem:$0x6440] =	vst v0  }
0xad: {  	[tilespmem:$0x6840] =	vst v1  }
0xae: {  	[tilespmem:$0x6450] =	vst v0  }
.Ltmp2:
0xaf: {  	[tilespmem:$0x6850] =	vst v1;
	(pc) =	sbr.rel .LBB2_2-.Ltmp2, $4  }
0xb0: {  	[tilespmem:$0x6460] =	vst v0  }
0xb1: {  	s4 =	rddreg [dreg:$0x11];
	[tilespmem:$0x6860] =	vst v1  }
0xb2: {  	s15 =	rddreg [dreg:$0x10];
	[tilespmem:$0x6470] =	vst v0  }
0xb3: {  	s8 =	simm.s32 $0x0;
	s6 =	rddreg [dreg:$0xf];
	[tilespmem:$0x6870] =	vst v1  }
.LBB2_16:
0xb4: {  	p0 =	seq.s32 s8, $0x0  }
0xb5: {  	s0 =	simm.s32 @!p0 $0x2  }
0xb6: {  	_ =	swait.ge @!p0 [sflag:s0], $0x400  }
0xb7: {  	[sflag:s0] =	ssyncset.done @!p0 $0x0  }
0xb8: {  	[sflag:s0] =	ssyncadd.s32 @!p0 $0xFFFFFC00  }
0xb9: {  	_ =	swait.ge @!p0 [sflag:s0], $0x400  }
0xba: {  	[sflag:s0] =	ssyncset.done @!p0 $0x0  }
0xbb: {  	[sflag:s0] =	ssyncadd.s32 @!p0 $0xFFFFFC00  }
0xbc: {  	_ =	swait.ge @!p0 [sflag:s0], $0x400  }
0xbd: {  	[sflag:s0] =	ssyncset.done @!p0 $0x0  }
0xbe: {  	[sflag:s0] =	ssyncadd.s32 @!p0 $0xFFFFFC00  }
0xbf: {  	_ =	swait.ge @!p0 [sflag:s0], $0x400  }
0xc0: {  	[sflag:s0] =	ssyncset.done @!p0 $0x0  }
0xc1: {  	[sflag:s0] =	ssyncadd.s32 @!p0 $0xFFFFFC00  }
0xc2: {  	_ =	swait.ge @!p0 [sflag:s0], $0x400  }
0xc3: {  	[sflag:s0] =	ssyncset.done @!p0 $0x0  }
0xc4: {  	[sflag:s0] =	ssyncadd.s32 @!p0 $0xFFFFFC00  }
0xc5: {  	_ =	swait.ge @!p0 [sflag:s0], $0x400  }
0xc6: {  	s8 =	sadd.s32 $0x1, s8;
	[sflag:s0] =	ssyncset.done @!p0 $0x0  }
0xc7: {  	[sflag:s0] =	ssyncadd.s32 @!p0 $0xFFFFFC00;
	p0 =	sne.s32 s8, $0x80  }
.Ltmp3:
0xc8: {  	_ = 	snop;
	(pc) =	sbr.rel @!p0 .LBB2_17-.Ltmp3, $3  }
0xc9: {  	_ =	sdelay $0x1  }
0xca: {  	s6 =	sadd.s32 $0x4000, s6;
	s15 =	sadd.s32 $0xFFFFFFF8, s15  }
0xcb: {  	s4 =	sadd.s32 $0x800, s4;
	s3 =	simm.s32 $0x6080;
	s5 =	rddreg [dreg:$0x1]  }
.LBB2_2:
0xcc: {  	s0 =	sshll.u32 s8, $0x3;
	s1 =	rddreg [dreg:$0xb]  }
0xcd: {  	s0 =	sadd.s32 s1, s0  }
0xce: {  	[dreg:$0x17] =	wrdreg s0;
	s0 =	sadd.s32 $0xFFFFFD87, s0  }
0xcf: {  	s30 =	sshra.s32 s0, $0x1F  }
0xd0: {  	s2 =	sshrl.u32 s30, $0x19  }
0xd1: {  	s0 =	sadd.s32 s2, s0  }
0xd2: {  	s0 =	sshra.s32 s0, $0x7  }
0xd3: {  	s31 =	sadd.s32 s30, s0  }
0xd4: {  	p1 =	sgt.s32 s31, $0x0;
	s1 =	smov.u32 s31  }
0xd5: {  	s1 =	simm.s32 @!p1 $0x0;
	p1 =	slt.s32 s31, $0x1  }
.Ltmp4:
0xd6: {  	p0 =	slt.u32 s8, $0x2;
	(pc) =	sbr.rel @p1 .LBB2_6-.Ltmp4, $4  }
0xd7: {  	s0 =	simm.s32 @!p0 $0x1  }
0xd8: {  	_ =	swait.ge @!p0 [sflag:s0], $0x2800  }
0xd9: {  	[sflag:s0] =	ssyncset.done @!p0 $0x0  }
0xda: {  	[dreg:$0x18] =	wrdreg s31;
	[sflag:s0] =	ssyncadd.s32 @!p0 $0xFFFFD800;
	s9 =	smin.u32 s1, $0x6  }
0xdb: {  	p0 =	sne.s32 s9, $0x1  }
.Ltmp5:
0xdc: {  	_ = 	snop;
	(pc) =	sbr.rel @!p0 .LBB2_5-.Ltmp5, $3  }
0xdd: {  	_ =	sdelay $0x1  }
0xde: {  	s1 =	sshrl.u32 s6, $0x3  }
0xdf: {  	s0 =	sadd.s32 $0xFFFFFFFF, s9;
	s2 =	sadd.s32 s5, s1;
	s1 =	sadd.s32 $0x400, s6  }
.LBB2_4:
0xe0: {  	[hbm4b:s2+s7] =	stream.linear.scatter [tilespmem:s3], [sflag:$0x2], $0x400, $0x38;
	[tilespmem:$0x6880] =	vst v63  }
0xe1: {  	p0 =	sne.s32 s0, $0x1  }
.Ltmp6:
0xe2: {  	s0 =	sadd.s32 $0xFFFFFFFF, s0;
	(pc) =	sbr.rel @p0 .LBB2_4-.Ltmp6, $3  }
0xe3: {  	_ =	sdelay $0x1  }
0xe4: {  	s2 =	sshrl.u32 s1, $0x3  }
0xe5: {  	s1 =	sadd.s32 $0x400, s1;
	s2 =	sadd.s32 s5, s2  }
.LBB2_5:
0xe6: {  	[hbm4b:s2+s7] =	stream.linear.scatter [tilespmem:s3], [sflag:$0x2], $0x400, $0x38;
	[tilespmem:$0x6880] =	vst v63  }
.LBB2_6:
0xe7: {  	s0 =	sand.u32 $0x1, s8  }
0xe8: {  	[dreg:$0x15] =	wrdreg s6;
	p0 =	seq.s32 s0, $0x1  }
.Ltmp7:
0xe9: {  	[dreg:$0x13] =	wrdreg s4;
	(pc) =	sbr.rel @p0 .LBB2_10-.Ltmp7, $4  }
0xea: {  	[dreg:$0x16] =	wrdreg s8  }
0xeb: {  	[dreg:$0x14] =	wrdreg s15  }
0xec: {  	s2 =	sshll.u32 s9, $0x7;
	[dreg:$0x19] =	wrdreg s9  }
0xed: {  	[dreg:$0x1a] =	wrdreg s2  }
0xee: {  	s23 =	sshll.u32 s9, $0x9  }
0xef: {  	[dreg:$0x1b] =	wrdreg s0;
	s0 =	sshrl.u32 s23, $0x2  }
0xf0: {  	v0 =	vmov s0;
	_ =	sdelay $0x4  }
0xf1: {  	v1 =	vld.idx.msk [tilespmem:v0+s15+$0x82F ss:$0x1], $0xffff  }
0xf2: {  	s2 =	simm.s32 $0x0;
	v2 =	vld.idx.msk [tilespmem:v0+s15+$0x7FF ss:$0x1], $0xffff  }
0xf3: {  	s24 =	simm.s32 $0x30;
	s1 =	sand.u32 $0x3C00, s2;
	v3 =	vld.idx.msk [tilespmem:v0+s15+$0x80F ss:$0x1], $0xffff  }
0xf4: {  	s3 =	simm.s32 $0x0;
	s1 =	sadd.s32 $0x1080, s1;
	s0 =	sand.u32 $0x70, s24  }
0xf5: {  	s4 =	simm.s32 $0x10;
	s3 =	sand.u32 $0x40, s3;
	s0 =	sor.u32 s0, s1;
	v4 =	vld.idx.msk [tilespmem:v0+s15+$0x81F ss:$0x1], $0xffff  }
0xf6: {  	s4 =	sand.u32 $0x50, s4;
	s3 =	sor.u32 s3, s1;
	[tilespmem:s0+$0x0] =	vst v1  }
0xf7: {  	s5 =	simm.s32 $0x20;
	s6 =	sor.u32 s4, s1;
	[tilespmem:s3+$0x0] =	vst v2;
	v1 =	vld.idx.msk [tilespmem:v0+s15+$0x82E ss:$0x1], $0xffff  }
0xf8: {  	s25 =	sand.u32 $0x60, s5;
	[tilespmem:s6+$0x0] =	vst v3;
	v2 =	vld.idx.msk [tilespmem:v0+s15+$0x7FE ss:$0x1], $0xffff  }
0xf9: {  	s1 =	sor.u32 s25, s1;
	v3 =	vld.idx.msk [tilespmem:v0+s15+$0x80E ss:$0x1], $0xffff  }
0xfa: {  	[tilespmem:s1+$0x0] =	vst v4  }
0xfb: {  	v4 =	vld.idx.msk [tilespmem:v0+s15+$0x81E ss:$0x1], $0xffff  }
0xfc: {  	[tilespmem:s0+$0x80] =	vst v1  }
0xfd: {  	[tilespmem:s3+$0x80] =	vst v2;
	v1 =	vld.idx.msk [tilespmem:v0+s15+$0x82D ss:$0x1], $0xffff  }
0xfe: {  	[tilespmem:s6+$0x80] =	vst v3;
	v2 =	vld.idx.msk [tilespmem:v0+s15+$0x7FD ss:$0x1], $0xffff  }
0xff: {  	v3 =	vld.idx.msk [tilespmem:v0+s15+$0x80D ss:$0x1], $0xffff  }
0x100: {  	[tilespmem:s1+$0x80] =	vst v4  }
0x101: {  	v4 =	vld.idx.msk [tilespmem:v0+s15+$0x81D ss:$0x1], $0xffff  }
0x102: {  	[tilespmem:s0+$0x100] =	vst v1  }
0x103: {  	[tilespmem:s3+$0x100] =	vst v2;
	v1 =	vld.idx.msk [tilespmem:v0+s15+$0x82C ss:$0x1], $0xffff  }
0x104: {  	[tilespmem:s6+$0x100] =	vst v3;
	v2 =	vld.idx.msk [tilespmem:v0+s15+$0x7FC ss:$0x1], $0xffff  }
0x105: {  	s22 =	sadd.s32 $0x40, s15;
	v3 =	vld.idx.msk [tilespmem:v0+s15+$0x80C ss:$0x1], $0xffff  }
0x106: {  	v5 =	vld.idx.msk [tilespmem:v0+s22+$0x82F ss:$0x1], $0xffff;
	[tilespmem:s1+$0x100] =	vst v4  }
0x107: {  	v4 =	vld.idx.msk [tilespmem:v0+s15+$0x81C ss:$0x1], $0xffff  }
0x108: {  	p0 =	por $0x0, $0x0;
	s10 =	simm.s32 $0x200;
	s26 =	sand.u32 $0x7, s2;
	v6 =	vld.idx.msk [tilespmem:v0+s22+$0x7FF ss:$0x1], $0xffff;
	[tilespmem:s0+$0x180] =	vst v1  }
0x109: {  	s7 =	simm.s32 $0x70;
	s12 =	simm.s32 $0x40;
	v7 =	vld.idx.msk [tilespmem:v0+s22+$0x80F ss:$0x1], $0xffff;
	[tilespmem:s3+$0x180] =	vst v2;
	s0 =	sshll.u32 s26, $0x4  }
0x10a: {  	s16 =	simm.s32 $0x60;
	[tilespmem:s6+$0x180] =	vst v3;
	v3 =	vld.idx.msk [tilespmem:v0+s22+$0x81F ss:$0x1], $0xffff;
	s29 =	sadd.s32 $0x0, s0;
	s0 =	sand.u32 $0x3C00, s10  }
0x10b: {  	s5 =	simm.s32 $0x1;
	s11 =	sand.u32 $0x70, s7;
	v2 =	vld.idx.msk [tilespmem:v0+s15+$0x7FB ss:$0x1], $0xffff;
	s8 =	sadd.s32 $0x1080, s0  }
0x10c: {  	s5 =	simm.s32 @!p0 $0x0;
	[tilespmem:s1+$0x180] =	vst v4;
	s1 =	sand.u32 $0x40, s12;
	v1 =	vld.idx.msk [tilespmem:v0+s15+$0x82B ss:$0x1], $0xffff;
	s6 =	sor.u32 s11, s8  }
0x10d: {  	s5 =	sshll.u32 s5, $0x6;
	v4 =	vld.idx.msk [tilespmem:v0+s15+$0x80B ss:$0x1], $0xffff;
	s10 =	sand.u32 $0x60, s16;
	s14 =	sor.u32 s1, s8;
	[tilespmem:s6+$0x0] =	vst v5  }
0x10e: {  	s13 =	simm.s32 $0x50;
	s0 =	sadd.s32 $0x0, s5;
	s19 =	sor.u32 s10, s8;
	v5 =	vld.idx.msk [tilespmem:v0+s15+$0x81B ss:$0x1], $0xffff;
	[tilespmem:s14+$0x0] =	vst v6  }
0x10f: {  	s2 =	sand.u32 $0x3, s2;
	s4 =	sadd.s32 $0x30, s29;
	s5 =	sor.u32 $0x200, s0;
	v8 =	vld.idx.msk [tilespmem:v0+s22+$0x7FE ss:$0x1], $0xffff;
	[tilespmem:s19+$0x0] =	vst v3  }
0x110: {  	s2 =	sshll.u32 s2, $0x5;
	s9 =	sor.u32 $0x200, s4;
	[tilespmem:s5+$0x1080] =	vst v2;
	v2 =	vld.idx.msk [tilespmem:v0+s22+$0x82E ss:$0x1], $0xffff;
	s5 =	sand.u32 $0x50, s13  }
0x111: {  	s2 =	sadd.s32 $0x0, s2;
	[tilespmem:s9+$0x1080] =	vst v1;
	v3 =	vld.idx.msk [tilespmem:v0+s22+$0x81E ss:$0x1], $0xffff;
	s18 =	sor.u32 s5, s8;
	s5 =	sadd.s32 $0x10, s29  }
0x112: {  	s2 =	sadd.s32 $0x20, s2;
	v1 =	vld.idx.msk [tilespmem:v0+s15+$0x82A ss:$0x1], $0xffff;
	[tilespmem:s18+$0x0] =	vst v7;
	s20 =	sor.u32 $0x200, s5  }
0x113: {  	s21 =	sor.u32 $0x200, s2;
	v6 =	vld.idx.msk [tilespmem:v0+s15+$0x7FA ss:$0x1], $0xffff;
	[tilespmem:s20+$0x1080] =	vst v4  }
0x114: {  	v7 =	vld.idx.msk [tilespmem:v0+s22+$0x80E ss:$0x1], $0xffff;
	[tilespmem:s21+$0x1080] =	vst v5  }
0x115: {  	[tilespmem:s14+$0x80] =	vst v8;
	v5 =	vld.idx.msk [tilespmem:v0+s15+$0x81A ss:$0x1], $0xffff  }
0x116: {  	[tilespmem:s6+$0x80] =	vst v2;
	v2 =	vld.idx.msk [tilespmem:v0+s15+$0x80A ss:$0x1], $0xffff  }
0x117: {  	s17 =	sor.u32 $0x280, s4;
	v8 =	vld.idx.msk [tilespmem:v0+s22+$0x7FD ss:$0x1], $0xffff;
	[tilespmem:s19+$0x80] =	vst v3  }
0x118: {  	s24 =	sor.u32 $0x280, s0;
	[tilespmem:s17+$0x1080] =	vst v1;
	v4 =	vld.idx.msk [tilespmem:v0+s22+$0x82D ss:$0x1], $0xffff  }
0x119: {  	v3 =	vld.idx.msk [tilespmem:v0+s22+$0x81D ss:$0x1], $0xffff;
	[tilespmem:s24+$0x1080] =	vst v6  }
0x11a: {  	s26 =	sor.u32 $0x280, s2;
	v1 =	vld.idx.msk [tilespmem:v0+s15+$0x829 ss:$0x1], $0xffff;
	[tilespmem:s18+$0x80] =	vst v7  }
0x11b: {  	s25 =	sor.u32 $0x280, s5;
	v7 =	vld.idx.msk [tilespmem:v0+s22+$0x80D ss:$0x1], $0xffff;
	[tilespmem:s26+$0x1080] =	vst v5  }
0x11c: {  	[tilespmem:s25+$0x1080] =	vst v2;
	v5 =	vld.idx.msk [tilespmem:v0+s15+$0x819 ss:$0x1], $0xffff  }
0x11d: {  	[tilespmem:s6+$0x100] =	vst v4;
	v4 =	vld.idx.msk [tilespmem:v0+s15+$0x7F9 ss:$0x1], $0xffff  }
0x11e: {  	[tilespmem:s14+$0x100] =	vst v8;
	v2 =	vld.idx.msk [tilespmem:v0+s15+$0x809 ss:$0x1], $0xffff  }
0x11f: {  	s23 =	sor.u32 $0x300, s4;
	v8 =	vld.idx.msk [tilespmem:v0+s22+$0x7FC ss:$0x1], $0xffff;
	[tilespmem:s19+$0x100] =	vst v3  }
0x120: {  	[tilespmem:s23+$0x1080] =	vst v1;
	v6 =	vld.idx.msk [tilespmem:v0+s22+$0x82C ss:$0x1], $0xffff  }
0x121: {  	s10 =	sor.u32 $0x300, s2;
	v3 =	vld.idx.msk [tilespmem:v0+s22+$0x81C ss:$0x1], $0xffff;
	[tilespmem:s18+$0x100] =	vst v7  }
0x122: {  	s29 =	sor.u32 $0x300, s0;
	v1 =	vld.idx.msk [tilespmem:v0+s15+$0x828 ss:$0x1], $0xffff;
	[tilespmem:s10+$0x1080] =	vst v5  }
0x123: {  	s30 =	sadd.s32 $0x40, s22;
	s9 =	sor.u32 $0x300, s5;
	v7 =	vld.idx.msk [tilespmem:v0+s22+$0x80C ss:$0x1], $0xffff;
	[tilespmem:s29+$0x1080] =	vst v4  }
0x124: {  	[tilespmem:s9+$0x1080] =	vst v2;
	v2 =	vld.idx.msk [tilespmem:v0+s30+$0x82F ss:$0x1], $0xffff  }
0x125: {  	s31 =	simm.s32 $0x400;
	s8 =	simm.s32 $0x4;
	[tilespmem:s6+$0x180] =	vst v6;
	v4 =	vld.idx.msk [tilespmem:v0+s15+$0x7F8 ss:$0x1], $0xffff  }
0x126: {  	p0 =	por !p0, !p0;
	s4 =	sor.u32 $0x380, s4;
	s6 =	sand.u32 $0x7, s8;
	[tilespmem:s19+$0x180] =	vst v3;
	v3 =	vld.idx.msk [tilespmem:v0+s30+$0x7FF ss:$0x1], $0xffff  }
0x127: {  	s12 =	sor.u32 $0x380, s0;
	[tilespmem:s14+$0x180] =	vst v8;
	s14 =	sand.u32 $0x3C00, s31;
	v6 =	vld.idx.msk [tilespmem:v0+s22+$0x82B ss:$0x1], $0xffff;
	s6 =	sshll.u32 s6, $0x4  }
0x128: {  	s19 =	simm.s32 $0x80;
	[tilespmem:s4+$0x1080] =	vst v1;
	v1 =	vld.idx.msk [tilespmem:v0+s15+$0x808 ss:$0x1], $0xffff;
	s7 =	sadd.s32 $0x200, s6;
	s6 =	simm.s32 $0x1  }
0x129: {  	v8 =	vld.idx.msk [tilespmem:v0+s22+$0x7FB ss:$0x1], $0xffff;
	s17 =	sadd.s32 $0x1080, s14;
	s21 =	sand.u32 $0x40, s19;
	[tilespmem:s18+$0x180] =	vst v7;
	s6 =	simm.s32 @!p0 $0x0  }
0x12a: {  	s4 =	sadd.s32 $0x30, s7;
	v7 =	vld.idx.msk [tilespmem:v0+s30+$0x80F ss:$0x1], $0xffff;
	s13 =	sshll.u32 s6, $0x6;
	s6 =	sor.u32 s21, s17;
	[tilespmem:s12+$0x1080] =	vst v4  }
0x12b: {  	s0 =	simm.s32 $0xB0;
	s11 =	sor.u32 $0x200, s4;
	v4 =	vld.idx.msk [tilespmem:v0+s30+$0x81F ss:$0x1], $0xffff;
	[tilespmem:s6+$0x0] =	vst v3  }
0x12c: {  	s20 =	sor.u32 $0x380, s5;
	s24 =	simm.s32 $0x90;
	s18 =	sand.u32 $0x70, s0;
	[tilespmem:s11+$0x1080] =	vst v6;
	v6 =	vld.idx.msk [tilespmem:v0+s22+$0x80B ss:$0x1], $0xffff  }
0x12d: {  	s26 =	sand.u32 $0x50, s24;
	s3 =	sadd.s32 $0x200, s13;
	s11 =	sor.u32 s18, s17;
	[tilespmem:s20+$0x1080] =	vst v1;
	v5 =	vld.idx.msk [tilespmem:v0+s22+$0x82A ss:$0x1], $0xffff  }
0x12e: {  	s25 =	simm.s32 $0xA0;
	s23 =	simm.s32 $0x2;
	s16 =	sor.u32 $0x200, s3;
	[tilespmem:s11+$0x0] =	vst v2;
	v2 =	vld.idx.msk [tilespmem:v0+s22+$0x81B ss:$0x1], $0xffff  }
0x12f: {  	s9 =	sand.u32 $0x3, s23;
	s12 =	sand.u32 $0x60, s25;
	s13 =	sor.u32 s26, s17;
	[tilespmem:s16+$0x1080] =	vst v8;
	v8 =	vld.idx.msk [tilespmem:v0+s30+$0x7FE ss:$0x1], $0xffff  }
0x130: {  	s10 =	sshll.u32 s9, $0x5;
	s1 =	sadd.s32 $0x10, s7;
	s16 =	sor.u32 s12, s17;
	v1 =	vld.idx.msk [tilespmem:v0+s30+$0x82E ss:$0x1], $0xffff;
	[tilespmem:s13+$0x0] =	vst v7  }
0x131: {  	s5 =	sadd.s32 $0x200, s10;
	s7 =	sor.u32 $0x200, s1;
	v3 =	vld.idx.msk [tilespmem:v0+s22+$0x7FA ss:$0x1], $0xffff;
	[tilespmem:s16+$0x0] =	vst v4  }
0x132: {  	s14 =	sadd.s32 $0x20, s5;
	s29 =	sor.u32 $0x280, s4;
	v7 =	vld.idx.msk [tilespmem:v0+s30+$0x80E ss:$0x1], $0xffff;
	[tilespmem:s7+$0x1080] =	vst v6  }
0x133: {  	s5 =	sor.u32 $0x200, s14;
	v4 =	vld.idx.msk [tilespmem:v0+s30+$0x81E ss:$0x1], $0xffff;
	[tilespmem:s29+$0x1080] =	vst v5  }
0x134: {  	[tilespmem:s5+$0x1080] =	vst v2;
	v5 =	vld.idx.msk [tilespmem:v0+s22+$0x829 ss:$0x1], $0xffff  }
0x135: {  	[tilespmem:s11+$0x80] =	vst v1;
	v1 =	vld.idx.msk [tilespmem:v0+s22+$0x80A ss:$0x1], $0xffff  }
0x136: {  	s20 =	sor.u32 $0x280, s3;
	[tilespmem:s6+$0x80] =	vst v8;
	v8 =	vld.idx.msk [tilespmem:v0+s22+$0x81A ss:$0x1], $0xffff  }
0x137: {  	v2 =	vld.idx.msk [tilespmem:v0+s30+$0x7FD ss:$0x1], $0xffff;
	[tilespmem:s20+$0x1080] =	vst v3  }
0x138: {  	v6 =	vld.idx.msk [tilespmem:v0+s30+$0x82D ss:$0x1], $0xffff;
	[tilespmem:s13+$0x80] =	vst v7  }
0x139: {  	s19 =	sor.u32 $0x300, s4;
	v10 =	vld.idx.msk [tilespmem:v0+s22+$0x7F9 ss:$0x1], $0xffff;
	[tilespmem:s16+$0x80] =	vst v4  }
0x13a: {  	s23 =	sor.u32 $0x280, s1;
	v9 =	vld.idx.msk [tilespmem:v0+s30+$0x80D ss:$0x1], $0xffff;
	[tilespmem:s19+$0x1080] =	vst v5  }
0x13b: {  	s24 =	sor.u32 $0x300, s14;
	p0 =	por !p0, !p0;
	s8 =	sor.u32 $0x380, s14;
	v4 =	vld.idx.msk [tilespmem:v0+s30+$0x81D ss:$0x1], $0xffff;
	[tilespmem:s23+$0x1080] =	vst v1  }
0x13c: {  	s21 =	sor.u32 $0x280, s14;
	s4 =	sor.u32 $0x380, s4;
	s26 =	sor.u32 $0x380, s3;
	[tilespmem:s6+$0x100] =	vst v2;
	v7 =	vld.idx.msk [tilespmem:v0+s22+$0x828 ss:$0x1], $0xffff  }
0x13d: {  	s18 =	simm.s32 $0x4;
	s17 =	sor.u32 $0x300, s3;
	s3 =	simm.s32 $0x1;
	[tilespmem:s11+$0x100] =	vst v6;
	v2 =	vld.idx.msk [tilespmem:v0+s22+$0x809 ss:$0x1], $0xffff  }
0x13e: {  	s25 =	sand.u32 $0x3, s18;
	s3 =	simm.s32 @!p0 $0x0;
	v3 =	vld.idx.msk [tilespmem:v0+s30+$0x82C ss:$0x1], $0xffff;
	[dreg:$0x3] =	wrdreg s8  }
0x13f: {  	s28 =	sor.u32 $0x380, s1;
	s3 =	sshll.u32 s3, $0x6;
	s29 =	sshll.u32 s25, $0x5;
	[tilespmem:s13+$0x100] =	vst v9  }
0x140: {  	s3 =	sadd.s32 $0x400, s3;
	s5 =	sor.u32 $0x380, s2;
	s2 =	sadd.s32 $0x400, s29;
	v5 =	vld.idx.msk [tilespmem:v0+s30+$0x7FC ss:$0x1], $0xffff;
	[tilespmem:s21+$0x1080] =	vst v8  }
0x141: {  	p0 =	por !p0, !p0;
	s10 =	sor.u32 $0x300, s3;
	s2 =	sadd.s32 $0x20, s2;
	v1 =	vld.idx.msk [tilespmem:v0+s15+$0x818 ss:$0x1], $0xffff;
	[tilespmem:s16+$0x100] =	vst v4  }
0x142: {  	s19 =	sor.u32 $0x200, s3;
	s15 =	sor.u32 $0x280, s3;
	s3 =	sor.u32 $0x380, s3;
	v6 =	vld.idx.msk [tilespmem:v0+s30+$0x81C ss:$0x1], $0xffff;
	[tilespmem:s4+$0x1080] =	vst v7  }
0x143: {  	s25 =	sor.u32 $0x300, s1;
	s12 =	sor.u32 $0x280, s2;
	v7 =	vld.idx.msk [tilespmem:v0+s30+$0x80C ss:$0x1], $0xffff;
	[dreg:$0x5] =	wrdreg s3  }
0x144: {  	s14 =	sor.u32 $0x300, s2;
	s9 =	sor.u32 $0x380, s2;
	s23 =	simm.s32 $0x8;
	[tilespmem:s11+$0x180] =	vst v3;
	v3 =	vld.idx.msk [tilespmem:v0+s22+$0x819 ss:$0x1], $0xffff  }
0x145: {  	s21 =	simm.s32 $0x8;
	s4 =	sor.u32 $0x200, s2;
	[tilespmem:s17+$0x1080] =	vst v10;
	s11 =	smov.u32 s30;
	v4 =	vld.idx.msk [tilespmem:v0+s30+$0x82B ss:$0x1], $0xffff  }
.LBB2_8:
0x146: {  	s2 =	sand.u32 $0x7, s21;
	[tilespmem:s6+$0x180] =	vst v5  }
0x147: {  	[dreg:$0x7] =	wrdreg s22;
	s2 =	sshll.u32 s2, $0x4;
	[tilespmem:s25+$0x1080] =	vst v2;
	v5 =	vld.idx.msk [tilespmem:v0+s22+$0x7F8 ss:$0x1], $0xffff  }
0x148: {  	s1 =	simm.s32 $0x1;
	s18 =	sadd.s32 $0x2, s18;
	s2 =	sadd.s32 s31, s2;
	[tilespmem:s13+$0x180] =	vst v7;
	v8 =	vld.idx.msk [tilespmem:v0+s30+$0x7FB ss:$0x1], $0xffff  }
0x149: {  	s3 =	sand.u32 $0x3, s18;
	[tilespmem:s16+$0x180] =	vst v6;
	s30 =	sadd.s32 $0x40, s30;
	v2 =	vld.idx.msk [tilespmem:v0+s22+$0x808 ss:$0x1], $0xffff;
	s22 =	sadd.s32 $0x30, s2  }
0x14a: {  	s20 =	sshll.u32 s3, $0x5;
	s3 =	sadd.s32 $0x10, s2;
	[tilespmem:s24+$0x1080] =	vst v3;
	v7 =	vld.idx.msk [tilespmem:v0+s30+$0x82F ss:$0x1], $0xffff;
	s29 =	sor.u32 $0x200, s22  }
0x14b: {  	s0 =	sadd.s32 $0x40, s0;
	s31 =	sadd.s32 $0x200, s31;
	s7 =	sor.u32 $0x280, s3;
	v6 =	vld.idx.msk [tilespmem:v0+s30+$0x7FF ss:$0x1], $0xffff;
	[tilespmem:s29+$0x1080] =	vst v4  }
0x14c: {  	s1 =	simm.s32 @!p0 $0x0;
	[dreg:$0x9] =	wrdreg s7;
	s7 =	sand.u32 $0x3C00, s31;
	v3 =	vld.idx.msk [tilespmem:v0+s30+$0x80F ss:$0x1], $0xffff;
	[tilespmem:s26+$0x1080] =	vst v5  }
0x14d: {  	s17 =	sadd.s32 s31, s20;
	s20 =	sand.u32 $0x70, s0;
	s16 =	sadd.s32 $0x1080, s7;
	v4 =	vld.idx.msk [tilespmem:v0+s11+$0x82A ss:$0x1], $0xffff;
	[tilespmem:s19+$0x1080] =	vst v8  }
0x14e: {  	s8 =	sadd.s32 $0xFFFFFFD0, s0;
	s1 =	sshll.u32 s1, $0x6;
	s20 =	sor.u32 s20, s16;
	v8 =	vld.idx.msk [tilespmem:v0+s11+$0x80B ss:$0x1], $0xffff;
	[tilespmem:s28+$0x1080] =	vst v2  }
0x14f: {  	s25 =	sor.u32 $0x300, s3;
	s24 =	sadd.s32 $0xFFFFFFE0, s0;
	s29 =	sand.u32 $0x40, s8;
	v5 =	vld.idx.msk [tilespmem:v0+s30+$0x81F ss:$0x1], $0xffff;
	[tilespmem:s20+$0x0] =	vst v7  }
0x150: {  	s2 =	sor.u32 $0x200, s3;
	s7 =	sand.u32 $0x50, s24;
	s6 =	sor.u32 s29, s16;
	v2 =	vld.idx.msk [tilespmem:v0+s11+$0x81B ss:$0x1], $0xffff;
	[tilespmem:s5+$0x1080] =	vst v1  }
0x151: {  	s24 =	sadd.s32 s1, s31;
	s13 =	sor.u32 s7, s16;
	s26 =	sadd.s32 $0xFFFFFFF0, s0;
	v7 =	vld.idx.msk [tilespmem:v0+s30+$0x82E ss:$0x1], $0xffff;
	[tilespmem:s6+$0x0] =	vst v6  }
0x152: {  	s7 =	sor.u32 $0x280, s24;
	s8 =	sand.u32 $0x60, s26;
	s26 =	sor.u32 $0x280, s22;
	[tilespmem:s13+$0x0] =	vst v3;
	v1 =	vld.idx.msk [tilespmem:v0+s11+$0x7FA ss:$0x1], $0xffff  }
0x153: {  	s1 =	sor.u32 $0x300, s24;
	s19 =	sor.u32 $0x200, s24;
	s16 =	sor.u32 s8, s16;
	v6 =	vld.idx.msk [tilespmem:v0+s30+$0x7FE ss:$0x1], $0xffff;
	[tilespmem:s26+$0x1080] =	vst v4  }
0x154: {  	s5 =	sor.u32 $0x380, s24;
	s28 =	sor.u32 $0x380, s3;
	s8 =	sadd.s32 $0x20, s17;
	v4 =	vld.idx.msk [tilespmem:v0+s30+$0x80E ss:$0x1], $0xffff;
	[tilespmem:s16+$0x0] =	vst v5  }
0x155: {  	s24 =	smov.u32 s14;
	s3 =	rddreg [dreg:$0x5];
	s26 =	sor.u32 $0x300, s8;
	v3 =	vld.idx.msk [tilespmem:v0+s11+$0x829 ss:$0x1], $0xffff;
	[tilespmem:s2+$0x1080] =	vst v8  }
0x156: {  	s14 =	smov.u32 s26;
	s26 =	smov.u32 s3;
	s3 =	smov.u32 s5;
	v5 =	vld.idx.msk [tilespmem:v0+s30+$0x81E ss:$0x1], $0xffff;
	[tilespmem:s4+$0x1080] =	vst v2  }
0x157: {  	[dreg:$0x5] =	wrdreg s3;
	[tilespmem:s20+$0x80] =	vst v7;
	v7 =	vld.idx.msk [tilespmem:v0+s11+$0x80A ss:$0x1], $0xffff  }
0x158: {  	s3 =	rddreg [dreg:$0x3];
	v9 =	vld.idx.msk [tilespmem:v0+s11+$0x81A ss:$0x1], $0xffff  }
0x159: {  	s5 =	smov.u32 s3;
	s3 =	smov.u32 s9;
	v8 =	vld.idx.msk [tilespmem:v0+s30+$0x82D ss:$0x1], $0xffff;
	[tilespmem:s6+$0x80] =	vst v6  }
0x15a: {  	[dreg:$0x3] =	wrdreg s3;
	s3 =	sor.u32 $0x300, s22;
	[tilespmem:s13+$0x80] =	vst v4;
	v2 =	vld.idx.msk [tilespmem:v0+s30+$0x7FD ss:$0x1], $0xffff  }
0x15b: {  	s29 =	sor.u32 $0x200, s8;
	s17 =	sor.u32 $0x280, s8;
	s8 =	sor.u32 $0x380, s8;
	[tilespmem:s3+$0x1080] =	vst v3;
	v4 =	vld.idx.msk [tilespmem:v0+s30+$0x80D ss:$0x1], $0xffff  }
0x15c: {  	s9 =	smov.u32 s8;
	s8 =	rddreg [dreg:$0x9];
	v3 =	vld.idx.msk [tilespmem:v0+s11+$0x828 ss:$0x1], $0xffff;
	[tilespmem:s16+$0x80] =	vst v5  }
0x15d: {  	s4 =	smov.u32 s29;
	s29 =	rddreg [dreg:$0x7];
	[tilespmem:s15+$0x1080] =	vst v1;
	v6 =	vld.idx.msk [tilespmem:v0+s30+$0x81D ss:$0x1], $0xffff  }
0x15e: {  	[tilespmem:s8+$0x1080] =	vst v7;
	v1 =	vld.idx.msk [tilespmem:v0+s29+$0x818 ss:$0x1], $0xffff  }
0x15f: {  	[tilespmem:s20+$0x100] =	vst v8;
	v8 =	vld.idx.msk [tilespmem:v0+s11+$0x7F9 ss:$0x1], $0xffff  }
0x160: {  	s23 =	sadd.s32 $0x4, s23;
	v10 =	vld.idx.msk [tilespmem:v0+s30+$0x82C ss:$0x1], $0xffff;
	[tilespmem:s6+$0x100] =	vst v2  }
0x161: {  	p1 =	slt.u32 s23, $0x4C;
	s22 =	sor.u32 $0x380, s22;
	v2 =	vld.idx.msk [tilespmem:v0+s11+$0x809 ss:$0x1], $0xffff;
	[tilespmem:s13+$0x100] =	vst v4  }
.Ltmp8:
0x162: {  	v5 =	vld.idx.msk [tilespmem:v0+s30+$0x7FC ss:$0x1], $0xffff;
	[tilespmem:s22+$0x1080] =	vst v3;
	(pc) =	sbr.rel @p1 .LBB2_8-.Ltmp8, $4  }
0x163: {  	v7 =	vld.idx.msk [tilespmem:v0+s30+$0x80C ss:$0x1], $0xffff;
	[tilespmem:s16+$0x100] =	vst v6  }
0x164: {  	s22 =	smov.u32 s11;
	v6 =	vld.idx.msk [tilespmem:v0+s30+$0x81C ss:$0x1], $0xffff;
	[tilespmem:s12+$0x1080] =	vst v9  }
0x165: {  	s21 =	sadd.s32 $0x4, s21;
	p0 =	por !p0, !p0;
	s15 =	smov.u32 s7;
	[tilespmem:s20+$0x180] =	vst v10;
	v3 =	vld.idx.msk [tilespmem:v0+s22+$0x819 ss:$0x1], $0xffff  }
0x166: {  	s11 =	smov.u32 s30;
	s12 =	smov.u32 s17;
	[tilespmem:s10+$0x1080] =	vst v8;
	s10 =	smov.u32 s1;
	v4 =	vld.idx.msk [tilespmem:v0+s30+$0x82B ss:$0x1], $0xffff  }
0x167: {  	_ =	sdelay $0x1  }
0x168: {  	s0 =	sand.u32 $0x7, s21  }
0x169: {  	[tilespmem:s6+$0x180] =	vst v5;
	s0 =	sshll.u32 s0, $0x4  }
0x16a: {  	v5 =	vld.idx.msk [tilespmem:v0+s30+$0x7FB ss:$0x1], $0xffff;
	[tilespmem:s13+$0x180] =	vst v7;
	s0 =	sadd.s32 s31, s0  }
0x16b: {  	v7 =	vld.idx.msk [tilespmem:v0+s11+$0x80B ss:$0x1], $0xffff;
	s1 =	sadd.s32 $0x30, s0  }
0x16c: {  	[tilespmem:s16+$0x180] =	vst v6;
	s2 =	sor.u32 $0x200, s1  }
0x16d: {  	v6 =	vld.idx.msk [tilespmem:v0+s11+$0x81B ss:$0x1], $0xffff;
	[tilespmem:s2+$0x1080] =	vst v4  }
0x16e: {  	s0 =	sadd.s32 $0x10, s0;
	v4 =	vld.idx.msk [tilespmem:v0+s11+$0x82A ss:$0x1], $0xffff  }
0x16f: {  	s21 =	sor.u32 $0x200, s0;
	[tilespmem:s19+$0x1080] =	vst v5  }
0x170: {  	[tilespmem:s21+$0x1080] =	vst v7;
	v5 =	vld.idx.msk [tilespmem:v0+s11+$0x7FA ss:$0x1], $0xffff  }
0x171: {  	[tilespmem:s25+$0x1080] =	vst v2;
	v7 =	vld.idx.msk [tilespmem:v0+s11+$0x80A ss:$0x1], $0xffff  }
0x172: {  	v54 =	vld.idx.msk [tilespmem:v0+s22+$0x7F8 ss:$0x1], $0xffff;
	s23 =	sor.u32 $0x280, s1;
	[tilespmem:s4+$0x1080] =	vst v6  }
0x173: {  	v53 =	vld.idx.msk [tilespmem:v0+s11+$0x81A ss:$0x1], $0xffff;
	[tilespmem:s23+$0x1080] =	vst v4  }
0x174: {  	[tilespmem:s5+$0x1080] =	vst v1;
	v55 =	vld.idx.msk [tilespmem:v0+s11+$0x829 ss:$0x1], $0xffff  }
0x175: {  	s25 =	sor.u32 $0x280, s0;
	[tilespmem:s15+$0x1080] =	vst v5  }
0x176: {  	[tilespmem:s25+$0x1080] =	vst v7;
	v56 =	vld.idx.msk [tilespmem:v0+s11+$0x7F9 ss:$0x1], $0xffff  }
0x177: {  	[tilespmem:s26+$0x1080] =	vst v54;
	v57 =	vld.idx.msk [tilespmem:v0+s11+$0x809 ss:$0x1], $0xffff  }
0x178: {  	v58 =	vld.idx.msk [tilespmem:v0+s22+$0x808 ss:$0x1], $0xffff;
	s26 =	sor.u32 $0x300, s1;
	[tilespmem:s12+$0x1080] =	vst v53  }
0x179: {  	v59 =	vld.idx.msk [tilespmem:v0+s11+$0x819 ss:$0x1], $0xffff;
	[tilespmem:s26+$0x1080] =	vst v55  }
0x17a: {  	[tilespmem:s24+$0x1080] =	vst v3;
	v5 =	vld.idx.msk [tilespmem:v0+s11+$0x828 ss:$0x1], $0xffff  }
0x17b: {  	s29 =	sor.u32 $0x300, s0;
	[tilespmem:s10+$0x1080] =	vst v56  }
0x17c: {  	[tilespmem:s29+$0x1080] =	vst v57;
	v60 =	vld.idx.msk [tilespmem:v0+s11+$0x7F8 ss:$0x1], $0xffff  }
0x17d: {  	[tilespmem:s28+$0x1080] =	vst v58;
	v61 =	vld.idx.msk [tilespmem:v0+s11+$0x808 ss:$0x1], $0xffff  }
0x17e: {  	s1 =	sor.u32 $0x380, s1;
	[tilespmem:s14+$0x1080] =	vst v59  }
0x17f: {  	v62 =	vld.idx.msk [tilespmem:v0+s22+$0x818 ss:$0x1], $0xffff;
	[tilespmem:s1+$0x1080] =	vst v5  }
0x180: {  	v63 =	vld.idx.msk [tilespmem:v0+s11+$0x818 ss:$0x1], $0xffff;
	s1 =	rddreg [dreg:$0x5]  }
0x181: {  	s0 =	sor.u32 $0x380, s0;
	[tilespmem:s1+$0x1080] =	vst v60  }
0x182: {  	[tilespmem:s0+$0x1080] =	vst v61  }
0x183: {  	s1 =	rddreg [dreg:$0x3]  }
0x184: {  	s0 =	rddreg [dreg:$0x17];
	[tilespmem:s1+$0x1080] =	vst v62  }
0x185: {  	s1 =	rddreg [dreg:$0xd];
	[tilespmem:s9+$0x1080] =	vst v63  }
0x186: {  	s31 =	rddreg [dreg:$0x1b]  }
0x187: {  	p0 =	seq.s32 s31, $0x0  }
.Ltmp9:
0x188: {  	_ = 	snop;
	(pc) =	sbr.rel @p0 .LBB2_13-.Ltmp9, $4  }
0x189: {  	s0 =	sshll.u32 s0, $0x8;
	s2 =	rddreg [dreg:$0x1a]  }
0x18a: {  	s7 =	simm.s32 $0x0;
	s0 =	sadd.s32 s0, s1;
	s15 =	rddreg [dreg:$0x14]  }
0x18b: {  	s30 =	simm.s32 $0x1080;
	s9 =	rddreg [dreg:$0x19];
	s0 =	sadd.s32 s2, s0  }
0x18c: {  	[hbm4b:s0+s7] =	stream.linear.scatter [tilespmem:s30], [sflag:$0x1], $0x2800, $0x38;
	[tilespmem:$0x6880] =	vst v63  }
.LBB2_10:
0x18d: {  	s0 =	sshll.u32 s9, $0x9  }
0x18e: {  	s0 =	sshrl.u32 s0, $0x2  }
0x18f: {  	v0 =	vmov s0;
	_ =	sdelay $0x4  }
0x190: {  	v1 =	vld.idx.msk [tilespmem:v0+s15+$0x82F ss:$0x1], $0xffff  }
0x191: {  	s2 =	simm.s32 $0x0;
	v2 =	vld.idx.msk [tilespmem:v0+s15+$0x7FF ss:$0x1], $0xffff  }
0x192: {  	s24 =	simm.s32 $0x30;
	s1 =	sand.u32 $0x3C00, s2;
	v3 =	vld.idx.msk [tilespmem:v0+s15+$0x80F ss:$0x1], $0xffff  }
0x193: {  	s3 =	simm.s32 $0x0;
	s1 =	sadd.s32 $0x3880, s1;
	s0 =	sand.u32 $0x70, s24  }
0x194: {  	s4 =	simm.s32 $0x10;
	s3 =	sand.u32 $0x40, s3;
	s0 =	sor.u32 s0, s1;
	v4 =	vld.idx.msk [tilespmem:v0+s15+$0x81F ss:$0x1], $0xffff  }
0x195: {  	s4 =	sand.u32 $0x50, s4;
	s3 =	sor.u32 s3, s1;
	[tilespmem:s0+$0x0] =	vst v1  }
0x196: {  	s5 =	simm.s32 $0x20;
	s6 =	sor.u32 s4, s1;
	[tilespmem:s3+$0x0] =	vst v2;
	v1 =	vld.idx.msk [tilespmem:v0+s15+$0x82E ss:$0x1], $0xffff  }
0x197: {  	s25 =	sand.u32 $0x60, s5;
	[tilespmem:s6+$0x0] =	vst v3;
	v2 =	vld.idx.msk [tilespmem:v0+s15+$0x7FE ss:$0x1], $0xffff  }
0x198: {  	s1 =	sor.u32 s25, s1;
	v3 =	vld.idx.msk [tilespmem:v0+s15+$0x80E ss:$0x1], $0xffff  }
0x199: {  	[tilespmem:s1+$0x0] =	vst v4  }
0x19a: {  	v4 =	vld.idx.msk [tilespmem:v0+s15+$0x81E ss:$0x1], $0xffff  }
0x19b: {  	[tilespmem:s0+$0x80] =	vst v1  }
0x19c: {  	[tilespmem:s3+$0x80] =	vst v2;
	v1 =	vld.idx.msk [tilespmem:v0+s15+$0x82D ss:$0x1], $0xffff  }
0x19d: {  	[tilespmem:s6+$0x80] =	vst v3;
	v2 =	vld.idx.msk [tilespmem:v0+s15+$0x7FD ss:$0x1], $0xffff  }
0x19e: {  	v3 =	vld.idx.msk [tilespmem:v0+s15+$0x80D ss:$0x1], $0xffff  }
0x19f: {  	[tilespmem:s1+$0x80] =	vst v4  }
0x1a0: {  	v4 =	vld.idx.msk [tilespmem:v0+s15+$0x81D ss:$0x1], $0xffff  }
0x1a1: {  	[tilespmem:s0+$0x100] =	vst v1  }
0x1a2: {  	[tilespmem:s3+$0x100] =	vst v2;
	v1 =	vld.idx.msk [tilespmem:v0+s15+$0x82C ss:$0x1], $0xffff  }
0x1a3: {  	[tilespmem:s6+$0x100] =	vst v3;
	v2 =	vld.idx.msk [tilespmem:v0+s15+$0x7FC ss:$0x1], $0xffff  }
0x1a4: {  	s22 =	sadd.s32 $0x40, s15;
	v3 =	vld.idx.msk [tilespmem:v0+s15+$0x80C ss:$0x1], $0xffff  }
0x1a5: {  	v5 =	vld.idx.msk [tilespmem:v0+s22+$0x82F ss:$0x1], $0xffff;
	[tilespmem:s1+$0x100] =	vst v4  }
0x1a6: {  	v4 =	vld.idx.msk [tilespmem:v0+s15+$0x81C ss:$0x1], $0xffff  }
0x1a7: {  	p0 =	por $0x0, $0x0;
	s10 =	simm.s32 $0x200;
	s26 =	sand.u32 $0x7, s2;
	v6 =	vld.idx.msk [tilespmem:v0+s22+$0x7FF ss:$0x1], $0xffff;
	[tilespmem:s0+$0x180] =	vst v1  }
0x1a8: {  	s7 =	simm.s32 $0x70;
	s12 =	simm.s32 $0x40;
	v7 =	vld.idx.msk [tilespmem:v0+s22+$0x80F ss:$0x1], $0xffff;
	[tilespmem:s3+$0x180] =	vst v2;
	s0 =	sshll.u32 s26, $0x4  }
0x1a9: {  	s16 =	simm.s32 $0x60;
	[tilespmem:s6+$0x180] =	vst v3;
	v3 =	vld.idx.msk [tilespmem:v0+s22+$0x81F ss:$0x1], $0xffff;
	s28 =	sadd.s32 $0x0, s0;
	s0 =	sand.u32 $0x3C00, s10  }
0x1aa: {  	s5 =	simm.s32 $0x1;
	s11 =	sand.u32 $0x70, s7;
	v2 =	vld.idx.msk [tilespmem:v0+s15+$0x7FB ss:$0x1], $0xffff;
	s8 =	sadd.s32 $0x3880, s0  }
0x1ab: {  	s5 =	simm.s32 @!p0 $0x0;
	[tilespmem:s1+$0x180] =	vst v4;
	s1 =	sand.u32 $0x40, s12;
	v1 =	vld.idx.msk [tilespmem:v0+s15+$0x82B ss:$0x1], $0xffff;
	s6 =	sor.u32 s11, s8  }
0x1ac: {  	s5 =	sshll.u32 s5, $0x6;
	v4 =	vld.idx.msk [tilespmem:v0+s15+$0x80B ss:$0x1], $0xffff;
	s10 =	sand.u32 $0x60, s16;
	s14 =	sor.u32 s1, s8;
	[tilespmem:s6+$0x0] =	vst v5  }
0x1ad: {  	s13 =	simm.s32 $0x50;
	s0 =	sadd.s32 $0x0, s5;
	s19 =	sor.u32 s10, s8;
	v5 =	vld.idx.msk [tilespmem:v0+s15+$0x81B ss:$0x1], $0xffff;
	[tilespmem:s14+$0x0] =	vst v6  }
0x1ae: {  	s2 =	sand.u32 $0x3, s2;
	s4 =	sadd.s32 $0x30, s28;
	s5 =	sor.u32 $0x200, s0;
	v8 =	vld.idx.msk [tilespmem:v0+s22+$0x7FE ss:$0x1], $0xffff;
	[tilespmem:s19+$0x0] =	vst v3  }
0x1af: {  	s2 =	sshll.u32 s2, $0x5;
	s9 =	sor.u32 $0x200, s4;
	[tilespmem:s5+$0x3880] =	vst v2;
	v2 =	vld.idx.msk [tilespmem:v0+s22+$0x82E ss:$0x1], $0xffff;
	s5 =	sand.u32 $0x50, s13  }
0x1b0: {  	s2 =	sadd.s32 $0x0, s2;
	[tilespmem:s9+$0x3880] =	vst v1;
	v3 =	vld.idx.msk [tilespmem:v0+s22+$0x81E ss:$0x1], $0xffff;
	s18 =	sor.u32 s5, s8;
	s5 =	sadd.s32 $0x10, s28  }
0x1b1: {  	s2 =	sadd.s32 $0x20, s2;
	v1 =	vld.idx.msk [tilespmem:v0+s15+$0x82A ss:$0x1], $0xffff;
	[tilespmem:s18+$0x0] =	vst v7;
	s20 =	sor.u32 $0x200, s5  }
0x1b2: {  	s21 =	sor.u32 $0x200, s2;
	v6 =	vld.idx.msk [tilespmem:v0+s15+$0x7FA ss:$0x1], $0xffff;
	[tilespmem:s20+$0x3880] =	vst v4  }
0x1b3: {  	v7 =	vld.idx.msk [tilespmem:v0+s22+$0x80E ss:$0x1], $0xffff;
	[tilespmem:s21+$0x3880] =	vst v5  }
0x1b4: {  	[tilespmem:s14+$0x80] =	vst v8;
	v5 =	vld.idx.msk [tilespmem:v0+s15+$0x81A ss:$0x1], $0xffff  }
0x1b5: {  	[tilespmem:s6+$0x80] =	vst v2;
	v2 =	vld.idx.msk [tilespmem:v0+s15+$0x80A ss:$0x1], $0xffff  }
0x1b6: {  	s17 =	sor.u32 $0x280, s4;
	v8 =	vld.idx.msk [tilespmem:v0+s22+$0x7FD ss:$0x1], $0xffff;
	[tilespmem:s19+$0x80] =	vst v3  }
0x1b7: {  	s24 =	sor.u32 $0x280, s0;
	[tilespmem:s17+$0x3880] =	vst v1;
	v4 =	vld.idx.msk [tilespmem:v0+s22+$0x82D ss:$0x1], $0xffff  }
0x1b8: {  	v3 =	vld.idx.msk [tilespmem:v0+s22+$0x81D ss:$0x1], $0xffff;
	[tilespmem:s24+$0x3880] =	vst v6  }
0x1b9: {  	s26 =	sor.u32 $0x280, s2;
	v1 =	vld.idx.msk [tilespmem:v0+s15+$0x829 ss:$0x1], $0xffff;
	[tilespmem:s18+$0x80] =	vst v7  }
0x1ba: {  	s25 =	sor.u32 $0x280, s5;
	v7 =	vld.idx.msk [tilespmem:v0+s22+$0x80D ss:$0x1], $0xffff;
	[tilespmem:s26+$0x3880] =	vst v5  }
0x1bb: {  	[tilespmem:s25+$0x3880] =	vst v2;
	v5 =	vld.idx.msk [tilespmem:v0+s15+$0x819 ss:$0x1], $0xffff  }
0x1bc: {  	[tilespmem:s6+$0x100] =	vst v4;
	v4 =	vld.idx.msk [tilespmem:v0+s15+$0x7F9 ss:$0x1], $0xffff  }
0x1bd: {  	[tilespmem:s14+$0x100] =	vst v8;
	v2 =	vld.idx.msk [tilespmem:v0+s15+$0x809 ss:$0x1], $0xffff  }
0x1be: {  	s23 =	sor.u32 $0x300, s4;
	v8 =	vld.idx.msk [tilespmem:v0+s22+$0x7FC ss:$0x1], $0xffff;
	[tilespmem:s19+$0x100] =	vst v3  }
0x1bf: {  	[tilespmem:s23+$0x3880] =	vst v1;
	v6 =	vld.idx.msk [tilespmem:v0+s22+$0x82C ss:$0x1], $0xffff  }
0x1c0: {  	s10 =	sor.u32 $0x300, s2;
	v3 =	vld.idx.msk [tilespmem:v0+s22+$0x81C ss:$0x1], $0xffff;
	[tilespmem:s18+$0x100] =	vst v7  }
0x1c1: {  	s28 =	sor.u32 $0x300, s0;
	v1 =	vld.idx.msk [tilespmem:v0+s15+$0x828 ss:$0x1], $0xffff;
	[tilespmem:s10+$0x3880] =	vst v5  }
0x1c2: {  	s29 =	sadd.s32 $0x40, s22;
	s9 =	sor.u32 $0x300, s5;
	v7 =	vld.idx.msk [tilespmem:v0+s22+$0x80C ss:$0x1], $0xffff;
	[tilespmem:s28+$0x3880] =	vst v4  }
0x1c3: {  	[tilespmem:s9+$0x3880] =	vst v2;
	v2 =	vld.idx.msk [tilespmem:v0+s29+$0x82F ss:$0x1], $0xffff  }
0x1c4: {  	s30 =	simm.s32 $0x400;
	s8 =	simm.s32 $0x4;
	[tilespmem:s6+$0x180] =	vst v6;
	v4 =	vld.idx.msk [tilespmem:v0+s15+$0x7F8 ss:$0x1], $0xffff  }
0x1c5: {  	p0 =	por !p0, !p0;
	s4 =	sor.u32 $0x380, s4;
	s6 =	sand.u32 $0x7, s8;
	[tilespmem:s19+$0x180] =	vst v3;
	v3 =	vld.idx.msk [tilespmem:v0+s29+$0x7FF ss:$0x1], $0xffff  }
0x1c6: {  	s12 =	sor.u32 $0x380, s0;
	[tilespmem:s14+$0x180] =	vst v8;
	s14 =	sand.u32 $0x3C00, s30;
	v6 =	vld.idx.msk [tilespmem:v0+s22+$0x82B ss:$0x1], $0xffff;
	s6 =	sshll.u32 s6, $0x4  }
0x1c7: {  	s19 =	simm.s32 $0x80;
	[tilespmem:s4+$0x3880] =	vst v1;
	v1 =	vld.idx.msk [tilespmem:v0+s15+$0x808 ss:$0x1], $0xffff;
	s7 =	sadd.s32 $0x200, s6;
	s6 =	simm.s32 $0x1  }
0x1c8: {  	v8 =	vld.idx.msk [tilespmem:v0+s22+$0x7FB ss:$0x1], $0xffff;
	s17 =	sadd.s32 $0x3880, s14;
	s21 =	sand.u32 $0x40, s19;
	[tilespmem:s18+$0x180] =	vst v7;
	s6 =	simm.s32 @!p0 $0x0  }
0x1c9: {  	s4 =	sadd.s32 $0x30, s7;
	v7 =	vld.idx.msk [tilespmem:v0+s29+$0x80F ss:$0x1], $0xffff;
	s13 =	sshll.u32 s6, $0x6;
	s6 =	sor.u32 s21, s17;
	[tilespmem:s12+$0x3880] =	vst v4  }
0x1ca: {  	s0 =	simm.s32 $0xB0;
	s11 =	sor.u32 $0x200, s4;
	v4 =	vld.idx.msk [tilespmem:v0+s29+$0x81F ss:$0x1], $0xffff;
	[tilespmem:s6+$0x0] =	vst v3  }
0x1cb: {  	s20 =	sor.u32 $0x380, s5;
	s24 =	simm.s32 $0x90;
	s18 =	sand.u32 $0x70, s0;
	[tilespmem:s11+$0x3880] =	vst v6;
	v6 =	vld.idx.msk [tilespmem:v0+s22+$0x80B ss:$0x1], $0xffff  }
0x1cc: {  	s26 =	sand.u32 $0x50, s24;
	s3 =	sadd.s32 $0x200, s13;
	s11 =	sor.u32 s18, s17;
	[tilespmem:s20+$0x3880] =	vst v1;
	v5 =	vld.idx.msk [tilespmem:v0+s22+$0x82A ss:$0x1], $0xffff  }
0x1cd: {  	s25 =	simm.s32 $0xA0;
	s23 =	simm.s32 $0x2;
	s16 =	sor.u32 $0x200, s3;
	[tilespmem:s11+$0x0] =	vst v2;
	v2 =	vld.idx.msk [tilespmem:v0+s22+$0x81B ss:$0x1], $0xffff  }
0x1ce: {  	s9 =	sand.u32 $0x3, s23;
	s12 =	sand.u32 $0x60, s25;
	s13 =	sor.u32 s26, s17;
	[tilespmem:s16+$0x3880] =	vst v8;
	v8 =	vld.idx.msk [tilespmem:v0+s29+$0x7FE ss:$0x1], $0xffff  }
0x1cf: {  	s10 =	sshll.u32 s9, $0x5;
	s1 =	sadd.s32 $0x10, s7;
	s16 =	sor.u32 s12, s17;
	v1 =	vld.idx.msk [tilespmem:v0+s29+$0x82E ss:$0x1], $0xffff;
	[tilespmem:s13+$0x0] =	vst v7  }
0x1d0: {  	s5 =	sadd.s32 $0x200, s10;
	s7 =	sor.u32 $0x200, s1;
	v3 =	vld.idx.msk [tilespmem:v0+s22+$0x7FA ss:$0x1], $0xffff;
	[tilespmem:s16+$0x0] =	vst v4  }
0x1d1: {  	s14 =	sadd.s32 $0x20, s5;
	s28 =	sor.u32 $0x280, s4;
	v7 =	vld.idx.msk [tilespmem:v0+s29+$0x80E ss:$0x1], $0xffff;
	[tilespmem:s7+$0x3880] =	vst v6  }
0x1d2: {  	s5 =	sor.u32 $0x200, s14;
	v4 =	vld.idx.msk [tilespmem:v0+s29+$0x81E ss:$0x1], $0xffff;
	[tilespmem:s28+$0x3880] =	vst v5  }
0x1d3: {  	[tilespmem:s5+$0x3880] =	vst v2;
	v5 =	vld.idx.msk [tilespmem:v0+s22+$0x829 ss:$0x1], $0xffff  }
0x1d4: {  	[tilespmem:s11+$0x80] =	vst v1;
	v1 =	vld.idx.msk [tilespmem:v0+s22+$0x80A ss:$0x1], $0xffff  }
0x1d5: {  	s20 =	sor.u32 $0x280, s3;
	[tilespmem:s6+$0x80] =	vst v8;
	v8 =	vld.idx.msk [tilespmem:v0+s22+$0x81A ss:$0x1], $0xffff  }
0x1d6: {  	v2 =	vld.idx.msk [tilespmem:v0+s29+$0x7FD ss:$0x1], $0xffff;
	[tilespmem:s20+$0x3880] =	vst v3  }
0x1d7: {  	v6 =	vld.idx.msk [tilespmem:v0+s29+$0x82D ss:$0x1], $0xffff;
	[tilespmem:s13+$0x80] =	vst v7  }
0x1d8: {  	s19 =	sor.u32 $0x300, s4;
	v10 =	vld.idx.msk [tilespmem:v0+s22+$0x7F9 ss:$0x1], $0xffff;
	[tilespmem:s16+$0x80] =	vst v4  }
0x1d9: {  	s23 =	sor.u32 $0x280, s1;
	v9 =	vld.idx.msk [tilespmem:v0+s29+$0x80D ss:$0x1], $0xffff;
	[tilespmem:s19+$0x3880] =	vst v5  }
0x1da: {  	s24 =	sor.u32 $0x300, s14;
	p0 =	por !p0, !p0;
	s8 =	sor.u32 $0x380, s14;
	v4 =	vld.idx.msk [tilespmem:v0+s29+$0x81D ss:$0x1], $0xffff;
	[tilespmem:s23+$0x3880] =	vst v1  }
0x1db: {  	s21 =	sor.u32 $0x280, s14;
	s4 =	sor.u32 $0x380, s4;
	s26 =	sor.u32 $0x380, s3;
	[tilespmem:s6+$0x100] =	vst v2;
	v7 =	vld.idx.msk [tilespmem:v0+s22+$0x828 ss:$0x1], $0xffff  }
0x1dc: {  	s18 =	simm.s32 $0x4;
	s17 =	sor.u32 $0x300, s3;
	s3 =	simm.s32 $0x1;
	[tilespmem:s11+$0x100] =	vst v6;
	v2 =	vld.idx.msk [tilespmem:v0+s22+$0x809 ss:$0x1], $0xffff  }
0x1dd: {  	s25 =	sand.u32 $0x3, s18;
	s3 =	simm.s32 @!p0 $0x0;
	v3 =	vld.idx.msk [tilespmem:v0+s29+$0x82C ss:$0x1], $0xffff;
	[dreg:$0x4] =	wrdreg s8  }
0x1de: {  	s31 =	sor.u32 $0x380, s1;
	s3 =	sshll.u32 s3, $0x6;
	s28 =	sshll.u32 s25, $0x5;
	[tilespmem:s13+$0x100] =	vst v9  }
0x1df: {  	s3 =	sadd.s32 $0x400, s3;
	s5 =	sor.u32 $0x380, s2;
	s2 =	sadd.s32 $0x400, s28;
	v5 =	vld.idx.msk [tilespmem:v0+s29+$0x7FC ss:$0x1], $0xffff;
	[tilespmem:s21+$0x3880] =	vst v8  }
0x1e0: {  	p0 =	por !p0, !p0;
	s10 =	sor.u32 $0x300, s3;
	s2 =	sadd.s32 $0x20, s2;
	v1 =	vld.idx.msk [tilespmem:v0+s15+$0x818 ss:$0x1], $0xffff;
	[tilespmem:s16+$0x100] =	vst v4  }
0x1e1: {  	s19 =	sor.u32 $0x200, s3;
	s15 =	sor.u32 $0x280, s3;
	s3 =	sor.u32 $0x380, s3;
	v6 =	vld.idx.msk [tilespmem:v0+s29+$0x81C ss:$0x1], $0xffff;
	[tilespmem:s4+$0x3880] =	vst v7  }
0x1e2: {  	s25 =	sor.u32 $0x300, s1;
	s12 =	sor.u32 $0x280, s2;
	v7 =	vld.idx.msk [tilespmem:v0+s29+$0x80C ss:$0x1], $0xffff;
	[dreg:$0x6] =	wrdreg s3  }
0x1e3: {  	s14 =	sor.u32 $0x300, s2;
	s9 =	sor.u32 $0x380, s2;
	s23 =	simm.s32 $0x8;
	[tilespmem:s11+$0x180] =	vst v3;
	v3 =	vld.idx.msk [tilespmem:v0+s22+$0x819 ss:$0x1], $0xffff  }
0x1e4: {  	s21 =	simm.s32 $0x8;
	s4 =	sor.u32 $0x200, s2;
	[tilespmem:s17+$0x3880] =	vst v10;
	s11 =	smov.u32 s29;
	v4 =	vld.idx.msk [tilespmem:v0+s29+$0x82B ss:$0x1], $0xffff  }
.LBB2_11:
0x1e5: {  	s2 =	sand.u32 $0x7, s21;
	[tilespmem:s6+$0x180] =	vst v5  }
0x1e6: {  	[dreg:$0x8] =	wrdreg s22;
	s2 =	sshll.u32 s2, $0x4;
	[tilespmem:s25+$0x3880] =	vst v2;
	v5 =	vld.idx.msk [tilespmem:v0+s22+$0x7F8 ss:$0x1], $0xffff  }
0x1e7: {  	s1 =	simm.s32 $0x1;
	s18 =	sadd.s32 $0x2, s18;
	s2 =	sadd.s32 s30, s2;
	[tilespmem:s13+$0x180] =	vst v7;
	v8 =	vld.idx.msk [tilespmem:v0+s29+$0x7FB ss:$0x1], $0xffff  }
0x1e8: {  	s3 =	sand.u32 $0x3, s18;
	[tilespmem:s16+$0x180] =	vst v6;
	s29 =	sadd.s32 $0x40, s29;
	v2 =	vld.idx.msk [tilespmem:v0+s22+$0x808 ss:$0x1], $0xffff;
	s22 =	sadd.s32 $0x30, s2  }
0x1e9: {  	s20 =	sshll.u32 s3, $0x5;
	s3 =	sadd.s32 $0x10, s2;
	[tilespmem:s24+$0x3880] =	vst v3;
	v7 =	vld.idx.msk [tilespmem:v0+s29+$0x82F ss:$0x1], $0xffff;
	s28 =	sor.u32 $0x200, s22  }
0x1ea: {  	s0 =	sadd.s32 $0x40, s0;
	s30 =	sadd.s32 $0x200, s30;
	s7 =	sor.u32 $0x280, s3;
	v6 =	vld.idx.msk [tilespmem:v0+s29+$0x7FF ss:$0x1], $0xffff;
	[tilespmem:s28+$0x3880] =	vst v4  }
0x1eb: {  	s1 =	simm.s32 @!p0 $0x0;
	[dreg:$0xa] =	wrdreg s7;
	s7 =	sand.u32 $0x3C00, s30;
	v3 =	vld.idx.msk [tilespmem:v0+s29+$0x80F ss:$0x1], $0xffff;
	[tilespmem:s26+$0x3880] =	vst v5  }
0x1ec: {  	s17 =	sadd.s32 s30, s20;
	s20 =	sand.u32 $0x70, s0;
	s16 =	sadd.s32 $0x3880, s7;
	v4 =	vld.idx.msk [tilespmem:v0+s11+$0x82A ss:$0x1], $0xffff;
	[tilespmem:s19+$0x3880] =	vst v8  }
0x1ed: {  	s8 =	sadd.s32 $0xFFFFFFD0, s0;
	s1 =	sshll.u32 s1, $0x6;
	s20 =	sor.u32 s20, s16;
	v8 =	vld.idx.msk [tilespmem:v0+s11+$0x80B ss:$0x1], $0xffff;
	[tilespmem:s31+$0x3880] =	vst v2  }
0x1ee: {  	s25 =	sor.u32 $0x300, s3;
	s24 =	sadd.s32 $0xFFFFFFE0, s0;
	s28 =	sand.u32 $0x40, s8;
	v5 =	vld.idx.msk [tilespmem:v0+s29+$0x81F ss:$0x1], $0xffff;
	[tilespmem:s20+$0x0] =	vst v7  }
0x1ef: {  	s2 =	sor.u32 $0x200, s3;
	s7 =	sand.u32 $0x50, s24;
	s6 =	sor.u32 s28, s16;
	v2 =	vld.idx.msk [tilespmem:v0+s11+$0x81B ss:$0x1], $0xffff;
	[tilespmem:s5+$0x3880] =	vst v1  }
0x1f0: {  	s24 =	sadd.s32 s1, s30;
	s13 =	sor.u32 s7, s16;
	s26 =	sadd.s32 $0xFFFFFFF0, s0;
	v7 =	vld.idx.msk [tilespmem:v0+s29+$0x82E ss:$0x1], $0xffff;
	[tilespmem:s6+$0x0] =	vst v6  }
0x1f1: {  	s7 =	sor.u32 $0x280, s24;
	s8 =	sand.u32 $0x60, s26;
	s26 =	sor.u32 $0x280, s22;
	[tilespmem:s13+$0x0] =	vst v3;
	v1 =	vld.idx.msk [tilespmem:v0+s11+$0x7FA ss:$0x1], $0xffff  }
0x1f2: {  	s1 =	sor.u32 $0x300, s24;
	s19 =	sor.u32 $0x200, s24;
	s16 =	sor.u32 s8, s16;
	v6 =	vld.idx.msk [tilespmem:v0+s29+$0x7FE ss:$0x1], $0xffff;
	[tilespmem:s26+$0x3880] =	vst v4  }
0x1f3: {  	s5 =	sor.u32 $0x380, s24;
	s31 =	sor.u32 $0x380, s3;
	s8 =	sadd.s32 $0x20, s17;
	v4 =	vld.idx.msk [tilespmem:v0+s29+$0x80E ss:$0x1], $0xffff;
	[tilespmem:s16+$0x0] =	vst v5  }
0x1f4: {  	s24 =	smov.u32 s14;
	s3 =	rddreg [dreg:$0x6];
	s26 =	sor.u32 $0x300, s8;
	v3 =	vld.idx.msk [tilespmem:v0+s11+$0x829 ss:$0x1], $0xffff;
	[tilespmem:s2+$0x3880] =	vst v8  }
0x1f5: {  	s14 =	smov.u32 s26;
	s26 =	smov.u32 s3;
	s3 =	smov.u32 s5;
	v5 =	vld.idx.msk [tilespmem:v0+s29+$0x81E ss:$0x1], $0xffff;
	[tilespmem:s4+$0x3880] =	vst v2  }
0x1f6: {  	[dreg:$0x6] =	wrdreg s3;
	[tilespmem:s20+$0x80] =	vst v7;
	v7 =	vld.idx.msk [tilespmem:v0+s11+$0x80A ss:$0x1], $0xffff  }
0x1f7: {  	s3 =	rddreg [dreg:$0x4];
	v9 =	vld.idx.msk [tilespmem:v0+s11+$0x81A ss:$0x1], $0xffff  }
0x1f8: {  	s5 =	smov.u32 s3;
	s3 =	smov.u32 s9;
	v8 =	vld.idx.msk [tilespmem:v0+s29+$0x82D ss:$0x1], $0xffff;
	[tilespmem:s6+$0x80] =	vst v6  }
0x1f9: {  	[dreg:$0x4] =	wrdreg s3;
	s3 =	sor.u32 $0x300, s22;
	[tilespmem:s13+$0x80] =	vst v4;
	v2 =	vld.idx.msk [tilespmem:v0+s29+$0x7FD ss:$0x1], $0xffff  }
0x1fa: {  	s28 =	sor.u32 $0x200, s8;
	s17 =	sor.u32 $0x280, s8;
	s8 =	sor.u32 $0x380, s8;
	[tilespmem:s3+$0x3880] =	vst v3;
	v4 =	vld.idx.msk [tilespmem:v0+s29+$0x80D ss:$0x1], $0xffff  }
0x1fb: {  	s9 =	smov.u32 s8;
	s8 =	rddreg [dreg:$0xa];
	v3 =	vld.idx.msk [tilespmem:v0+s11+$0x828 ss:$0x1], $0xffff;
	[tilespmem:s16+$0x80] =	vst v5  }
0x1fc: {  	s4 =	smov.u32 s28;
	s28 =	rddreg [dreg:$0x8];
	[tilespmem:s15+$0x3880] =	vst v1;
	v6 =	vld.idx.msk [tilespmem:v0+s29+$0x81D ss:$0x1], $0xffff  }
0x1fd: {  	[tilespmem:s8+$0x3880] =	vst v7;
	v1 =	vld.idx.msk [tilespmem:v0+s28+$0x818 ss:$0x1], $0xffff  }
0x1fe: {  	[tilespmem:s20+$0x100] =	vst v8;
	v8 =	vld.idx.msk [tilespmem:v0+s11+$0x7F9 ss:$0x1], $0xffff  }
0x1ff: {  	s23 =	sadd.s32 $0x4, s23;
	v10 =	vld.idx.msk [tilespmem:v0+s29+$0x82C ss:$0x1], $0xffff;
	[tilespmem:s6+$0x100] =	vst v2  }
0x200: {  	p1 =	slt.u32 s23, $0x4C;
	s22 =	sor.u32 $0x380, s22;
	v2 =	vld.idx.msk [tilespmem:v0+s11+$0x809 ss:$0x1], $0xffff;
	[tilespmem:s13+$0x100] =	vst v4  }
.Ltmp10:
0x201: {  	v5 =	vld.idx.msk [tilespmem:v0+s29+$0x7FC ss:$0x1], $0xffff;
	[tilespmem:s22+$0x3880] =	vst v3;
	(pc) =	sbr.rel @p1 .LBB2_11-.Ltmp10, $4  }
0x202: {  	v7 =	vld.idx.msk [tilespmem:v0+s29+$0x80C ss:$0x1], $0xffff;
	[tilespmem:s16+$0x100] =	vst v6  }
0x203: {  	s22 =	smov.u32 s11;
	v6 =	vld.idx.msk [tilespmem:v0+s29+$0x81C ss:$0x1], $0xffff;
	[tilespmem:s12+$0x3880] =	vst v9  }
0x204: {  	s21 =	sadd.s32 $0x4, s21;
	p0 =	por !p0, !p0;
	s15 =	smov.u32 s7;
	[tilespmem:s20+$0x180] =	vst v10;
	v3 =	vld.idx.msk [tilespmem:v0+s22+$0x819 ss:$0x1], $0xffff  }
0x205: {  	s11 =	smov.u32 s29;
	s12 =	smov.u32 s17;
	[tilespmem:s10+$0x3880] =	vst v8;
	s10 =	smov.u32 s1;
	v4 =	vld.idx.msk [tilespmem:v0+s29+$0x82B ss:$0x1], $0xffff  }
0x206: {  	_ =	sdelay $0x1  }
0x207: {  	s0 =	sand.u32 $0x7, s21  }
0x208: {  	[tilespmem:s6+$0x180] =	vst v5;
	s0 =	sshll.u32 s0, $0x4  }
0x209: {  	v5 =	vld.idx.msk [tilespmem:v0+s29+$0x7FB ss:$0x1], $0xffff;
	[tilespmem:s13+$0x180] =	vst v7;
	s0 =	sadd.s32 s30, s0  }
0x20a: {  	v7 =	vld.idx.msk [tilespmem:v0+s11+$0x80B ss:$0x1], $0xffff;
	s1 =	sadd.s32 $0x30, s0  }
0x20b: {  	[tilespmem:s16+$0x180] =	vst v6;
	s2 =	sor.u32 $0x200, s1  }
0x20c: {  	v6 =	vld.idx.msk [tilespmem:v0+s11+$0x81B ss:$0x1], $0xffff;
	[tilespmem:s2+$0x3880] =	vst v4  }
0x20d: {  	s0 =	sadd.s32 $0x10, s0;
	v4 =	vld.idx.msk [tilespmem:v0+s11+$0x82A ss:$0x1], $0xffff  }
0x20e: {  	s23 =	sor.u32 $0x200, s0;
	[tilespmem:s19+$0x3880] =	vst v5  }
0x20f: {  	[tilespmem:s23+$0x3880] =	vst v7;
	v5 =	vld.idx.msk [tilespmem:v0+s11+$0x7FA ss:$0x1], $0xffff  }
0x210: {  	[tilespmem:s25+$0x3880] =	vst v2;
	v7 =	vld.idx.msk [tilespmem:v0+s11+$0x80A ss:$0x1], $0xffff  }
0x211: {  	s25 =	sor.u32 $0x280, s1;
	[tilespmem:s4+$0x3880] =	vst v6  }
0x212: {  	v53 =	vld.idx.msk [tilespmem:v0+s11+$0x81A ss:$0x1], $0xffff;
	[tilespmem:s25+$0x3880] =	vst v4  }
0x213: {  	[tilespmem:s5+$0x3880] =	vst v1;
	v55 =	vld.idx.msk [tilespmem:v0+s11+$0x829 ss:$0x1], $0xffff  }
0x214: {  	v54 =	vld.idx.msk [tilespmem:v0+s22+$0x7F8 ss:$0x1], $0xffff;
	s28 =	sor.u32 $0x280, s0;
	[tilespmem:s15+$0x3880] =	vst v5  }
0x215: {  	[tilespmem:s28+$0x3880] =	vst v7;
	v56 =	vld.idx.msk [tilespmem:v0+s11+$0x7F9 ss:$0x1], $0xffff  }
0x216: {  	[tilespmem:s24+$0x3880] =	vst v3;
	v57 =	vld.idx.msk [tilespmem:v0+s11+$0x809 ss:$0x1], $0xffff  }
0x217: {  	v58 =	vld.idx.msk [tilespmem:v0+s22+$0x808 ss:$0x1], $0xffff;
	s29 =	sor.u32 $0x300, s1;
	[tilespmem:s12+$0x3880] =	vst v53  }
0x218: {  	v59 =	vld.idx.msk [tilespmem:v0+s11+$0x819 ss:$0x1], $0xffff;
	[tilespmem:s29+$0x3880] =	vst v55  }
0x219: {  	[tilespmem:s26+$0x3880] =	vst v54;
	v5 =	vld.idx.msk [tilespmem:v0+s11+$0x828 ss:$0x1], $0xffff  }
0x21a: {  	s30 =	sor.u32 $0x300, s0;
	[tilespmem:s10+$0x3880] =	vst v56  }
0x21b: {  	[tilespmem:s30+$0x3880] =	vst v57;
	v60 =	vld.idx.msk [tilespmem:v0+s11+$0x7F8 ss:$0x1], $0xffff  }
0x21c: {  	[tilespmem:s31+$0x3880] =	vst v58;
	v61 =	vld.idx.msk [tilespmem:v0+s11+$0x808 ss:$0x1], $0xffff  }
0x21d: {  	s1 =	sor.u32 $0x380, s1;
	[tilespmem:s14+$0x3880] =	vst v59  }
0x21e: {  	v62 =	vld.idx.msk [tilespmem:v0+s22+$0x818 ss:$0x1], $0xffff;
	[tilespmem:s1+$0x3880] =	vst v5  }
0x21f: {  	v63 =	vld.idx.msk [tilespmem:v0+s11+$0x818 ss:$0x1], $0xffff;
	s1 =	rddreg [dreg:$0x6]  }
0x220: {  	s0 =	sor.u32 $0x380, s0;
	[tilespmem:s1+$0x3880] =	vst v60  }
0x221: {  	[tilespmem:s0+$0x3880] =	vst v61  }
0x222: {  	s1 =	rddreg [dreg:$0x4]  }
0x223: {  	s0 =	rddreg [dreg:$0x17];
	[tilespmem:s1+$0x3880] =	vst v62  }
0x224: {  	s1 =	rddreg [dreg:$0xd];
	[tilespmem:s9+$0x3880] =	vst v63  }
0x225: {  	s0 =	sshll.u32 s0, $0x8;
	s2 =	rddreg [dreg:$0x1a]  }
0x226: {  	s7 =	simm.s32 $0x0;
	s0 =	sadd.s32 s0, s1;
	s15 =	rddreg [dreg:$0x14]  }
0x227: {  	s31 =	simm.s32 $0x3880;
	s9 =	rddreg [dreg:$0x19];
	s0 =	sadd.s32 s2, s0  }
0x228: {  	[hbm4b:s0+s7] =	stream.linear.scatter [tilespmem:s31], [sflag:$0x1], $0x2800, $0x38;
	[tilespmem:$0x6880] =	vst v63  }
.LBB2_13:
0x229: {  	s0 =	rddreg [dreg:$0x18]  }
0x22a: {  	p0 =	sgt.s32 s0, $0x5  }
.Ltmp11:
0x22b: {  	_ = 	snop;
	(pc) =	sbr.rel @p0 .LBB2_16-.Ltmp11, $4  }
0x22c: {  	_ = 	snop  }
0x22d: {  	s4 =	rddreg [dreg:$0x13]  }
0x22e: {  	s6 =	rddreg [dreg:$0x15]  }
0x22f: {  	s8 =	rddreg [dreg:$0x16]  }
0x230: {  	s1 =	sadd.s32 $0x9, s9  }
0x231: {  	s1 =	sadd.s32 $0x1, s1  }
0x232: {  	p0 =	slt.u32 s1, $0xF  }
.Ltmp12:
0x233: {  	_ = 	snop;
	(pc) =	sbr.rel @!p0 .LBB2_16-.Ltmp12, $3  }
0x234: {  	_ =	sdelay $0x1  }
0x235: {  	s0 =	sadd.s32 s2, s4;
	s2 =	simm.s32 $0x6480  }
0x236: {  	[hbm4b:s0+s7] =	stream.linear.scatter [tilespmem:s2], [sflag:$0x2], $0x400, $0x38;
	[tilespmem:$0x6880] =	vst v63  }
.LBB2_15:
0x237: {  	s1 =	sadd.s32 $0x1, s1  }
0x238: {  	p0 =	slt.u32 s1, $0xF  }
.Ltmp13:
0x239: {  	_ = 	snop;
	(pc) =	sbr.rel @p0 .LBB2_15-.Ltmp13, $3  }
0x23a: {  	_ = 	snop  }
0x23b: {  	s0 =	sadd.s32 $0x80, s0;
	_ =	sdelay $0x1  }
0x23c: {  	[hbm4b:s0+s7] =	stream.linear.scatter [tilespmem:s2], [sflag:$0x2], $0x400, $0x38;
	[tilespmem:$0x6880] =	vst v63  }
.Ltmp14:
0x23d: {  	_ = 	snop;
	(pc) =	sbr.rel .LBB2_16-.Ltmp14, $1  }
0x23e: {  	_ =	sdelay $0x3  }
.LBB2_18:
0x23f: {  	_ =	sfence.sel $0x180000  }
0x240: {  	[bflag:$0x0] =	sbarrier.arrive $0xFFFF  }
0x241: {  	_ =	strace $0x90000047  }
0x242: {  	s0 =	stileid.u32;
	[bflag:$0x2] =	sbarrier.arrive $0xFFFF  }
0x243: {  	p0 =	sne.s32 s0, $0x0;
	s0 =	rddreg [dreg:$0x2]  }
0x244: {  	s0 =	sadd.s32 @!p0 $0x100000, s0  }
0x245: {  	[sflag:s0] =	ssyncadd.tile.s32 @!p0 $0x1;
	_ =	shalt  }
.Lfunc_end2:
_tile_overlayer_lowered:
.L_overlay_start_2:
0x246: {  	(tag) =	ssettag $0x2  }
0x247: {  	s0 =	rddreg [dreg:$0x0];
	s2 =	stileid.u32  }
0x248: {  	s1 =	rddreg [dreg:$0x1];
	p0 =	sne.s32 s2, $0x0  }
0x249: {  	s3 =	rddreg [dreg:$0x2];
	[bflag:$0x3] =	sbarrier.arrive $0xFFFF;
	s2 =	simm.s32 @!p0 $0x1C03  }
0x24a: {  	[timem:s3], [sflag:s2] =	dma.local @!p0 [hbm:s0], s1  }
0x24b: {  	s0 =	simm.s32 @!p0 $0x3  }
0x24c: {  	_ =	swait.ge @!p0 [sflag:s0], s1  }
0x24d: {  	s1 =	ssub.s32 @!p0 $0x0, s1;
	[sflag:s0] =	ssyncset.done @!p0 $0x0  }
0x24e: {  	[sflag:s0] =	ssyncadd.s32 @!p0 s1  }
0x24f: {  	[bflag:$0x3] =	sbarrier.arrive $0xFFFF  }
0x250: {  	_ =	shalt  }

</sc_bundles>
